<compile_context>
chip_gen: v7x
topology: tpu7x:2x2x1
jax: 0.10.2.dev20260603
libtpu: 0.0.44.dev20260713+nightly
codegen_flags: <defaults>
</compile_context>

<pallas_src>
import functools

import jax
import jax.numpy as jnp
from jax import lax
from jax.experimental import pallas as pl
from jax.experimental.pallas import tpu as pltpu
from jax.experimental.pallas import tpu_sc as plsc

N = 10000
NP = 10240
E = 160000
F_IN = 256
NC, NS, L = 2, 16, 16
CW = 128
RPT = NP // NS

EPAD = 163840
EB = 128
E_PER_CORE = EPAD // NC
E_PER_TILE_DEG = E_PER_CORE // NS
DEG_BATCHES = E_PER_TILE_DEG // EB

AB = 128
E_PER_TILE = EPAD // NS
AGG_PAIRS = E_PER_TILE // (2 * AB)

_MESH = plsc.VectorSubcoreMesh(
    core_axis_name="c", subcore_axis_name="s", num_cores=NC, num_subcores=NS
)



def _deg_body(dst_hbm, ones_hbm, zeros_hbm, deg_hbm, dst_v, ones_v, acc):
    c = lax.axis_index("c")
    t = lax.axis_index("s")
    pltpu.sync_copy(ones_hbm, ones_v)
    pltpu.sync_copy(zeros_hbm.at[pl.ds(t * RPT, RPT)], acc.at[pl.ds(t * RPT, RPT)])
    plsc.subcore_barrier()

    base = c * E_PER_CORE + t * E_PER_TILE_DEG

    def batch(b, carry):
        off = pl.multiple_of(base + b * EB, 8)
        pltpu.sync_copy(dst_hbm.at[pl.ds(off, EB)], dst_v)
        pltpu.sync_copy(ones_v, acc.at[dst_v], add=True)
        return carry

    lax.fori_loop(0, DEG_BATCHES, batch, 0)
    plsc.subcore_barrier()
    pltpu.sync_copy(
        acc.at[pl.ds(t * RPT, RPT)], deg_hbm.at[c, pl.ds(t * RPT, RPT)]
    )


_deg = pl.kernel(
    _deg_body,
    out_type=jax.ShapeDtypeStruct((NC, NP, CW), jnp.float32),
    mesh=_MESH,
    scratch_types=[
        pltpu.VMEM((EB,), jnp.int32),
        pltpu.VMEM((EB, CW), jnp.float32),
        pltpu.VMEM_SHARED((NP, CW), jnp.float32),
    ],
)


def _agg_body(n_chunks, y_hbm, src_hbm, dst_hbm, z_hbm,
              src_a, srcoff_a, dst_a, rows_a, sem_a,
              src_b, srcoff_b, dst_b, rows_b, sem_b, acc):
    c = lax.axis_index("c")
    t = lax.axis_index("s")

    def load_idx(eoff, roff, src_v, srcoff_v, dst_v):
        pltpu.sync_copy(src_hbm.at[pl.ds(eoff, AB)], src_v)
        for j in range(AB // L):
            srcoff_v[pl.ds(j * L, L)] = src_v[pl.ds(j * L, L)] + roff
        pltpu.sync_copy(dst_hbm.at[pl.ds(eoff, AB)], dst_v)

    for k in range(n_chunks // NC):
        chunk = c * (n_chunks // NC) + k
        roff = chunk * NP
        pltpu.sync_copy(
            y_hbm.at[pl.ds(roff + t * RPT, RPT)], acc.at[pl.ds(t * RPT, RPT)]
        )
        plsc.subcore_barrier()

        ebase = t * E_PER_TILE
        load_idx(pl.multiple_of(ebase, 8), roff, src_a, srcoff_a, dst_a)
        pltpu.async_copy(y_hbm.at[srcoff_a], rows_a, sem_a)

        def pair(p, carry):
            eoff_a = pl.multiple_of(ebase + (2 * p) * AB, 8)
            load_idx(eoff_a + AB, roff, src_b, srcoff_b, dst_b)
            pltpu.make_async_copy(y_hbm.at[srcoff_a], rows_a, sem_a).wait()
            pltpu.async_copy(y_hbm.at[srcoff_b], rows_b, sem_b)
            pltpu.sync_copy(rows_a, acc.at[dst_a], add=True)

            @pl.when(p < AGG_PAIRS - 1)
            def _():
                load_idx(eoff_a + 2 * AB, roff, src_a, srcoff_a, dst_a)
                pltpu.async_copy(y_hbm.at[srcoff_a], rows_a, sem_a)

            pltpu.make_async_copy(y_hbm.at[srcoff_b], rows_b, sem_b).wait()
            pltpu.sync_copy(rows_b, acc.at[dst_b], add=True)
            return carry

        lax.fori_loop(0, AGG_PAIRS, pair, 0)
        plsc.subcore_barrier()
        pltpu.sync_copy(
            acc.at[pl.ds(t * RPT, RPT)], z_hbm.at[pl.ds(roff + t * RPT, RPT)]
        )
        plsc.subcore_barrier()


def _make_agg(n_chunks):
    return pl.kernel(
        functools.partial(_agg_body, n_chunks),
        out_type=jax.ShapeDtypeStruct((n_chunks * NP, CW), jnp.float32),
        mesh=_MESH,
        scratch_types=[
            pltpu.VMEM((AB,), jnp.int32),
            pltpu.VMEM((AB,), jnp.int32),
            pltpu.VMEM((AB,), jnp.int32),
            pltpu.VMEM((AB, CW), jnp.float32),
            pltpu.SemaphoreType.DMA,
            pltpu.VMEM((AB,), jnp.int32),
            pltpu.VMEM((AB,), jnp.int32),
            pltpu.VMEM((AB,), jnp.int32),
            pltpu.VMEM((AB, CW), jnp.float32),
            pltpu.SemaphoreType.DMA,
            pltpu.VMEM_SHARED((NP, CW), jnp.float32),
        ],
    )


_agg2 = _make_agg(2)
_agg4 = _make_agg(4)



RB = 1024


def _scale_body(deg_ref, x_ref, y_ref, dinv_ref):
    dp = deg_ref[...]
    d = dp[0][:, 0:1] + dp[1][:, 0:1] + 1.0
    dinv = lax.rsqrt(jnp.maximum(d, 1e-12))
    dinv_ref[...] = dinv
    s = x_ref[...] * dinv
    y_ref[0] = s[:, :CW]
    y_ref[1] = s[:, CW:]


_scale = pl.pallas_call(
    _scale_body,
    grid=(NP // RB,),
    in_specs=[
        pl.BlockSpec((NC, RB, CW), lambda i: (0, i, 0)),
        pl.BlockSpec((RB, F_IN), lambda i: (i, 0)),
    ],
    out_specs=[
        pl.BlockSpec((2, RB, CW), lambda i: (0, i, 0)),
        pl.BlockSpec((RB, 1), lambda i: (i, 0)),
    ],
    out_shape=[
        jax.ShapeDtypeStruct((2, NP, CW), jnp.float32),
        jax.ShapeDtypeStruct((NP, 1), jnp.float32),
    ],
)


def _l1_body(z_ref, w_ref, b_ref, dinv_ref, y_ref):
    z = z_ref[...]
    zz = jnp.concatenate([z[0], z[1]], axis=1)
    tt = jnp.dot(zz, w_ref[...], preferred_element_type=jnp.float32)
    dinv = dinv_ref[...]
    h = jnp.maximum(tt * dinv + b_ref[...], 0.0)
    y = h * dinv
    for q in range(4):
        y_ref[q] = y[:, q * CW:(q + 1) * CW]


_l1 = pl.pallas_call(
    _l1_body,
    grid=(NP // RB,),
    in_specs=[
        pl.BlockSpec((2, RB, CW), lambda i: (0, i, 0)),
        pl.BlockSpec((F_IN, 512), lambda i: (0, 0)),
        pl.BlockSpec((1, 512), lambda i: (0, 0)),
        pl.BlockSpec((RB, 1), lambda i: (i, 0)),
    ],
    out_specs=pl.BlockSpec((4, RB, CW), lambda i: (0, i, 0)),
    out_shape=jax.ShapeDtypeStruct((4, NP, CW), jnp.float32),
)


def _mlp_body(z_ref, w2_ref, b2_ref, dinv_ref, wf1_ref, bf1_ref,
              wf2_ref, bf2_ref, wf3_ref, bf3_ref, o_ref):
    z = z_ref[...]
    zz = jnp.concatenate([z[0], z[1], z[2], z[3]], axis=1)
    u = jnp.dot(zz, w2_ref[...], preferred_element_type=jnp.float32)
    h2 = jnp.maximum(u * dinv_ref[...] + b2_ref[...], 0.0)
    h3 = jnp.maximum(
        jnp.dot(h2, wf1_ref[...], preferred_element_type=jnp.float32)
        + bf1_ref[...], 0.0)
    h4 = jnp.maximum(
        jnp.dot(h3, wf2_ref[...], preferred_element_type=jnp.float32)
        + bf2_ref[...], 0.0)
    o_ref[...] = (
        jnp.dot(h4, wf3_ref[...], preferred_element_type=jnp.float32)
        + bf3_ref[...])


_mlp = pl.pallas_call(
    _mlp_body,
    grid=(NP // RB,),
    in_specs=[
        pl.BlockSpec((4, RB, CW), lambda i: (0, i, 0)),
        pl.BlockSpec((512, 512), lambda i: (0, 0)),
        pl.BlockSpec((1, 512), lambda i: (0, 0)),
        pl.BlockSpec((RB, 1), lambda i: (i, 0)),
        pl.BlockSpec((512, 256), lambda i: (0, 0)),
        pl.BlockSpec((1, 256), lambda i: (0, 0)),
        pl.BlockSpec((256, 128), lambda i: (0, 0)),
        pl.BlockSpec((1, 128), lambda i: (0, 0)),
        pl.BlockSpec((128, 256), lambda i: (0, 0)),
        pl.BlockSpec((1, 256), lambda i: (0, 0)),
    ],
    out_specs=pl.BlockSpec((RB, 256), lambda i: (i, 0)),
    out_shape=jax.ShapeDtypeStruct((NP, 256), jnp.float32),
)



@jax.jit
def kernel(x, edge_index, W1, b1, W2, b2, Wf1, bf1, Wf2, bf2, Wf3, bf3):
    pad_rows = N + (jnp.arange(EPAD - E, dtype=jnp.int32) % (NP - N))
    src = jnp.concatenate([edge_index[0].astype(jnp.int32), pad_rows])
    dst = jnp.concatenate([edge_index[1].astype(jnp.int32), pad_rows])

    xp = jnp.pad(x, ((0, NP - N), (0, 0)))

    ones_eb = jnp.ones((EB, CW), jnp.float32)
    zeros_n = jnp.zeros((NP, CW), jnp.float32)
    degp = _deg(dst, ones_eb, zeros_n)
    y1, dinv = _scale(degp, xp)
    z1 = _agg2(y1.reshape(2 * NP, CW), src, dst)
    y2 = _l1(z1.reshape(2, NP, CW), W1, b1.reshape(1, -1), dinv)
    z2 = _agg4(y2.reshape(4 * NP, CW), src, dst)
    out = _mlp(
        z2.reshape(4, NP, CW), W2, b2.reshape(1, -1), dinv,
        Wf1, bf1.reshape(1, -1), Wf2, bf2.reshape(1, -1),
        Wf3, bf3.reshape(1, -1))
    return out[:N]

# --- scband reference (transcript-rebuilt; emitter-appended) ---
"""Pipeline reference for scband-net5-27968827031714 (READ-ONLY COPY).

The authoritative reference and input builder live on the scoring server;
editing this copy changes nothing except your own understanding.
"""

import jax, jax.numpy as jnp
import numpy as np

N_NODES = 10000
N_EDGES = 160000
NUM_FEATURES = 256
D1, D2, D3, D4 = 512, 512, 256, 128


def gcn_conv(x, edge_index, W, b):
    # GCNConv: D^{-1/2} (A + I) D^{-1/2} X W + b  (PyG default: add self-loops, sym norm)
    N = x.shape[0]
    src = edge_index[0]
    dst = edge_index[1]
    loop = jnp.arange(N, dtype=src.dtype)
    src = jnp.concatenate([src, loop])
    dst = jnp.concatenate([dst, loop])
    deg = jnp.zeros((N,), dtype=x.dtype).at[dst].add(1.0)
    dinv = jax.lax.rsqrt(jnp.maximum(deg, 1e-12))
    norm = dinv[src] * dinv[dst]
    h = x @ W  # linear transform first (matches PyG lin then propagate)
    msg = h[src] * norm[:, None]
    out = jnp.zeros((N, W.shape[1]), dtype=x.dtype).at[dst].add(msg)
    return out + b


def setup_inputs(seed: int = 0) -> dict:
    key = jax.random.key(seed)
    ks = jax.random.split(key, 16)
    x = jax.random.normal(ks[0], (N_NODES, NUM_FEATURES), dtype=jnp.float32)
    edge_index = jax.random.randint(ks[1], (2, N_EDGES), 0, N_NODES, dtype=jnp.int64)
    def lin(k, fan_in, fan_out):
        s = 1.0 / np.sqrt(fan_in)
        return jax.random.uniform(k, (fan_in, fan_out), jnp.float32, -s, s)
    def bias(k, fan_in, fan_out):
        s = 1.0 / np.sqrt(fan_in)
        return jax.random.uniform(k, (fan_out,), jnp.float32, -s, s)
    return {
        "x": x,
        "edge_index": edge_index,
        "W1": lin(ks[2], NUM_FEATURES, D1), "b1": bias(ks[3], NUM_FEATURES, D1),
        "W2": lin(ks[4], D1, D2), "b2": bias(ks[5], D1, D2),
        "Wf1": lin(ks[6], D2, D3), "bf1": bias(ks[7], D2, D3),
        "Wf2": lin(ks[8], D3, D4), "bf2": bias(ks[9], D3, D4),
        "Wf3": lin(ks[10], D4, NUM_FEATURES), "bf3": bias(ks[11], D4, NUM_FEATURES),
    }


def reference(x, edge_index, W1, b1, W2, b2, Wf1, bf1, Wf2, bf2, Wf3, bf3):
    # dropout is identity in eval mode
    h = gcn_conv(x, edge_index, W1, b1)
    h = jax.nn.relu(h)
    h = gcn_conv(h, edge_index, W2, b2)
    h = jax.nn.relu(h)
    h = jax.nn.relu(h @ Wf1 + bf1)
    h = jax.nn.relu(h @ Wf2 + bf2)
    out = h @ Wf3 + bf3
    return out

if __name__ == "__main__":
    import jax
    _d = setup_inputs()
    print(jax.jit(kernel)(*tuple(_d.values())))

</pallas_src>

<mosaic_0001>
#map = affine_map<(d0, d1) -> (0)>
#map1 = affine_map<(d0, d1) -> (0, 0)>
#map2 = affine_map<(d0, d1) -> (0, 0, 0)>
module attributes {stable_mosaic.version = 14 : i64} {
  func.func @_deg_body(%arg0: i32, %arg1: i32, %arg2: memref<163840xi32, #tpu.memory_space<hbm>>, %arg3: memref<128x128xf32, #tpu.memory_space<hbm>>, %arg4: memref<10240x128xf32, #tpu.memory_space<hbm>>, %arg5: memref<2x10240x128xf32, #tpu.memory_space<hbm>>, %arg6: memref<128xi32, #tpu.memory_space<vmem>>, %arg7: memref<128x128xf32, #tpu.memory_space<vmem>>, %arg8: memref<10240x128xf32, #tpu.memory_space<vmem_shared>>) attributes {dimension_semantics = [#tpu.dimension_semantics<core_parallel>, #tpu.dimension_semantics<subcore_parallel>], iteration_bounds = array<i64: 2, 16>, scalar_prefetch = 0 : i64, scratch_operands = 3 : i64, tpu.core_type = #tpu.core_type<sc_vector_subcore>, window_params = [{transform_indices = #map}, {transform_indices = #map1}, {transform_indices = #map1}, {transform_indices = #map2}]} {
    "tpu.region"() ({
      %run_scoped3A = tpu.sem_alloc : memref<!tpu.dma_semaphore, #tpu.memory_space<semaphore_mem>>
      tpu.enqueue_dma source(%arg3 : memref<128x128xf32, #tpu.memory_space<hbm>>) target(%arg7 : memref<128x128xf32, #tpu.memory_space<vmem>>) target_semaphore(%run_scoped3A : memref<!tpu.dma_semaphore, #tpu.memory_space<semaphore_mem>>)
      tpu.wait_dma2 semaphore(%run_scoped3A : memref<!tpu.dma_semaphore, #tpu.memory_space<semaphore_mem>>) src(%arg3 : memref<128x128xf32, #tpu.memory_space<hbm>>) dst(%arg7 : memref<128x128xf32, #tpu.memory_space<vmem>>)
      tpu.yield
    }) : () -> ()
    %mul3A = arith.constant 640 : i32
    %mul3A_0 = arith.muli %arg1, %mul3A : i32
    %mul3A_1 = arith.constant 640 : i32
    %mul3A_2 = arith.muli %arg1, %mul3A_1 : i32
    "tpu.region"() ({
      %run_scoped3A = tpu.sem_alloc : memref<!tpu.dma_semaphore, #tpu.memory_space<semaphore_mem>>
      %dma_start3A = arith.constant 0 : i32
      %dma_start3A_17 = tpu.memref_slice %arg8[%mul3A_2, %dma_start3A] : memref<10240x128xf32, #tpu.memory_space<vmem_shared>> -> memref<640x128xf32, #tpu.memory_space<vmem_shared>>
      %dma_start3A_18 = arith.constant 0 : i32
      %dma_start3A_19 = tpu.memref_slice %arg4[%mul3A_0, %dma_start3A_18] : memref<10240x128xf32, #tpu.memory_space<hbm>> -> memref<640x128xf32, #tpu.memory_space<hbm>>
      tpu.enqueue_dma source(%dma_start3A_19 : memref<640x128xf32, #tpu.memory_space<hbm>>) target(%dma_start3A_17 : memref<640x128xf32, #tpu.memory_space<vmem_shared>>) target_semaphore(%run_scoped3A : memref<!tpu.dma_semaphore, #tpu.memory_space<semaphore_mem>>)
      %dma_wait3A = arith.constant 0 : i32
      %dma_wait3A_20 = tpu.memref_slice %arg8[%mul3A_2, %dma_wait3A] : memref<10240x128xf32, #tpu.memory_space<vmem_shared>> -> memref<640x128xf32, #tpu.memory_space<vmem_shared>>
      %dma_wait3A_21 = arith.constant 0 : i32
      %dma_wait3A_22 = tpu.memref_slice %arg4[%mul3A_0, %dma_wait3A_21] : memref<10240x128xf32, #tpu.memory_space<hbm>> -> memref<640x128xf32, #tpu.memory_space<hbm>>
      tpu.wait_dma2 semaphore(%run_scoped3A : memref<!tpu.dma_semaphore, #tpu.memory_space<semaphore_mem>>) src(%dma_wait3A_22 : memref<640x128xf32, #tpu.memory_space<hbm>>) dst(%dma_wait3A_20 : memref<640x128xf32, #tpu.memory_space<vmem_shared>>)
      tpu.yield
    }) : () -> ()
    %barrier3A = arith.constant 0 : index
    tpu.barrier barrier_id(%barrier3A)
    %mul3A_3 = arith.constant 81920 : i32
    %mul3A_4 = arith.muli %arg0, %mul3A_3 : i32
    %mul3A_5 = arith.constant 5120 : i32
    %mul3A_6 = arith.muli %arg1, %mul3A_5 : i32
    %add3A = arith.addi %mul3A_4, %mul3A_6 : i32
    %scan3A = arith.constant 0 : i32
    %scan3A_7 = arith.constant 0 : i32
    %scan3A_8 = arith.constant 40 : i32
    %scan3A_9 = arith.addi %scan3A_7, %scan3A_8 : i32
    %scan3A_10 = arith.constant 1 : i32
    scf.for %scan3A_17 = %scan3A_7 to %scan3A_9 step %scan3A_10  : i32 {
      %mul3A_18 = arith.constant 128 : i32
      %mul3A_19 = arith.muli %scan3A_17, %mul3A_18 : i32
      %add3A_20 = arith.addi %add3A, %mul3A_19 : i32
      %multiple_of3A = tpu.assume_multiple %add3A_20, 8 : i32
      "tpu.region"() ({
        %run_scoped3A = tpu.sem_alloc : memref<!tpu.dma_semaphore, #tpu.memory_space<semaphore_mem>>
        %dma_start3A = tpu.memref_slice %arg2[%multiple_of3A] : memref<163840xi32, #tpu.memory_space<hbm>> -> memref<128xi32, #tpu.memory_space<hbm>>
        %dma_start3A_21 = tpu.memref_slice %arg2[%multiple_of3A] : memref<163840xi32, #tpu.memory_space<hbm>> -> memref<128xi32, #tpu.memory_space<hbm>>
        tpu.enqueue_dma source(%dma_start3A_21 : memref<128xi32, #tpu.memory_space<hbm>>) target(%arg6 : memref<128xi32, #tpu.memory_space<vmem>>) target_semaphore(%run_scoped3A : memref<!tpu.dma_semaphore, #tpu.memory_space<semaphore_mem>>)
        %dma_wait3A = tpu.memref_slice %arg2[%multiple_of3A] : memref<163840xi32, #tpu.memory_space<hbm>> -> memref<128xi32, #tpu.memory_space<hbm>>
        %dma_wait3A_22 = tpu.memref_slice %arg2[%multiple_of3A] : memref<163840xi32, #tpu.memory_space<hbm>> -> memref<128xi32, #tpu.memory_space<hbm>>
        tpu.wait_dma2 semaphore(%run_scoped3A : memref<!tpu.dma_semaphore, #tpu.memory_space<semaphore_mem>>) src(%dma_wait3A_22 : memref<128xi32, #tpu.memory_space<hbm>>) dst(%arg6 : memref<128xi32, #tpu.memory_space<vmem>>)
        tpu.yield
      }) : () -> ()
      "tpu.region"() ({
        %run_scoped3A = tpu.sem_alloc : memref<!tpu.dma_semaphore, #tpu.memory_space<semaphore_mem>>
        %dma_start3A = arith.constant 0 : i32
        %dma_start3A_21 = arith.constant 0 : i32
        %dma_start3A_22 = tpu.memref_slice %arg8[%dma_start3A, %dma_start3A_21] : memref<10240x128xf32, #tpu.memory_space<vmem_shared>> -> memref<10240x128xf32, #tpu.memory_space<vmem_shared>>
        tpu.enqueue_indirect_dma source(%arg7 : memref<128x128xf32, #tpu.memory_space<vmem>>) target(%dma_start3A_22 : memref<10240x128xf32, #tpu.memory_space<vmem_shared>>) offsets(%arg6 : memref<128xi32, #tpu.memory_space<vmem>>) semaphore(%run_scoped3A : memref<!tpu.dma_semaphore, #tpu.memory_space<semaphore_mem>>) {add = true}
        %dma_wait3A = arith.constant 0 : i32
        %dma_wait3A_23 = arith.constant 0 : i32
        %dma_wait3A_24 = tpu.memref_slice %arg8[%dma_wait3A, %dma_wait3A_23] : memref<10240x128xf32, #tpu.memory_space<vmem_shared>> -> memref<10240x128xf32, #tpu.memory_space<vmem_shared>>
        tpu.wait_indirect_dma semaphore(%run_scoped3A : memref<!tpu.dma_semaphore, #tpu.memory_space<semaphore_mem>>) src(%arg7 : memref<128x128xf32, #tpu.memory_space<vmem>>) dst(%dma_wait3A_24 : memref<10240x128xf32, #tpu.memory_space<vmem_shared>>)
        tpu.yield
      }) : () -> ()
    }
    %scan3A_11 = arith.constant 40 : i32
    %barrier3A_12 = arith.constant 0 : index
    tpu.barrier barrier_id(%barrier3A_12)
    %mul3A_13 = arith.constant 640 : i32
    %mul3A_14 = arith.muli %arg1, %mul3A_13 : i32
    %mul3A_15 = arith.constant 640 : i32
    %mul3A_16 = arith.muli %arg1, %mul3A_15 : i32
    "tpu.region"() ({
      %run_scoped3A = tpu.sem_alloc : memref<!tpu.dma_semaphore, #tpu.memory_space<semaphore_mem>>
      %dma_start3A = arith.constant 0 : i32
      %dma_start3A_17 = tpu.memref_slice %arg5[%arg0, %mul3A_16, %dma_start3A] : memref<2x10240x128xf32, #tpu.memory_space<hbm>> -> memref<1x640x128xf32, #tpu.memory_space<hbm>>
      %dma_start3A_18 = tpu.memref_squeeze %dma_start3A_17 : memref<1x640x128xf32, #tpu.memory_space<hbm>> -> memref<640x128xf32, #tpu.memory_space<hbm>>
      %dma_start3A_19 = arith.constant 0 : i32
      %dma_start3A_20 = tpu.memref_slice %arg8[%mul3A_14, %dma_start3A_19] : memref<10240x128xf32, #tpu.memory_space<vmem_shared>> -> memref<640x128xf32, #tpu.memory_space<vmem_shared>>
      tpu.enqueue_dma source(%dma_start3A_20 : memref<640x128xf32, #tpu.memory_space<vmem_shared>>) target(%dma_start3A_18 : memref<640x128xf32, #tpu.memory_space<hbm>>) target_semaphore(%run_scoped3A : memref<!tpu.dma_semaphore, #tpu.memory_space<semaphore_mem>>)
      %dma_wait3A = arith.constant 0 : i32
      %dma_wait3A_21 = tpu.memref_slice %arg5[%arg0, %mul3A_16, %dma_wait3A] : memref<2x10240x128xf32, #tpu.memory_space<hbm>> -> memref<1x640x128xf32, #tpu.memory_space<hbm>>
      %dma_wait3A_22 = tpu.memref_squeeze %dma_wait3A_21 : memref<1x640x128xf32, #tpu.memory_space<hbm>> -> memref<640x128xf32, #tpu.memory_space<hbm>>
      %dma_wait3A_23 = arith.constant 0 : i32
      %dma_wait3A_24 = tpu.memref_slice %arg8[%mul3A_14, %dma_wait3A_23] : memref<10240x128xf32, #tpu.memory_space<vmem_shared>> -> memref<640x128xf32, #tpu.memory_space<vmem_shared>>
      tpu.wait_dma2 semaphore(%run_scoped3A : memref<!tpu.dma_semaphore, #tpu.memory_space<semaphore_mem>>) src(%dma_wait3A_24 : memref<640x128xf32, #tpu.memory_space<vmem_shared>>) dst(%dma_wait3A_22 : memref<640x128xf32, #tpu.memory_space<hbm>>)
      tpu.yield
    }) : () -> ()
    return
  }
}

#map = affine_map<(d0, d1) -> (0, 0)>
#map1 = affine_map<(d0, d1) -> (0)>
module attributes {stable_mosaic.version = 14 : i64} {
  func.func @_agg_body(%arg0: i32, %arg1: i32, %arg2: memref<40960x128xf32, #tpu.memory_space<hbm>>, %arg3: memref<163840xi32, #tpu.memory_space<hbm>>, %arg4: memref<163840xi32, #tpu.memory_space<hbm>>, %arg5: memref<40960x128xf32, #tpu.memory_space<hbm>>, %arg6: memref<128xi32, #tpu.memory_space<vmem>>, %arg7: memref<128xi32, #tpu.memory_space<vmem>>, %arg8: memref<128xi32, #tpu.memory_space<vmem>>, %arg9: memref<128x128xf32, #tpu.memory_space<vmem>>, %arg10: memref<!tpu.dma_semaphore, #tpu.memory_space<semaphore_mem>>, %arg11: memref<128xi32, #tpu.memory_space<vmem>>, %arg12: memref<128xi32, #tpu.memory_space<vmem>>, %arg13: memref<128xi32, #tpu.memory_space<vmem>>, %arg14: memref<128x128xf32, #tpu.memory_space<vmem>>, %arg15: memref<!tpu.dma_semaphore, #tpu.memory_space<semaphore_mem>>, %arg16: memref<10240x128xf32, #tpu.memory_space<vmem_shared>>) attributes {dimension_semantics = [#tpu.dimension_semantics<core_parallel>, #tpu.dimension_semantics<subcore_parallel>], iteration_bounds = array<i64: 2, 16>, scalar_prefetch = 0 : i64, scratch_operands = 11 : i64, tpu.core_type = #tpu.core_type<sc_vector_subcore>, window_params = [{transform_indices = #map}, {transform_indices = #map1}, {transform_indices = #map1}, {transform_indices = #map}]} {
    %mul3A = arith.constant 2 : i32
    %mul3A_0 = arith.muli %arg0, %mul3A : i32
    %add3A = arith.constant 0 : i32
    %add3A_1 = arith.addi %mul3A_0, %add3A : i32
    %mul3A_2 = arith.constant 10240 : i32
    %mul3A_3 = arith.muli %add3A_1, %mul3A_2 : i32
    %mul3A_4 = arith.constant 640 : i32
    %mul3A_5 = arith.muli %arg1, %mul3A_4 : i32
    %add3A_6 = arith.addi %mul3A_3, %mul3A_5 : i32
    %mul3A_7 = arith.constant 640 : i32
    %mul3A_8 = arith.muli %arg1, %mul3A_7 : i32
    "tpu.region"() ({
      %run_scoped3A = tpu.sem_alloc : memref<!tpu.dma_semaphore, #tpu.memory_space<semaphore_mem>>
      %dma_start3A_198 = arith.constant 0 : i32
      %dma_start3A_199 = tpu.memref_slice %arg16[%mul3A_8, %dma_start3A_198] : memref<10240x128xf32, #tpu.memory_space<vmem_shared>> -> memref<640x128xf32, #tpu.memory_space<vmem_shared>>
      %dma_start3A_200 = arith.constant 0 : i32
      %dma_start3A_201 = tpu.memref_slice %arg2[%add3A_6, %dma_start3A_200] : memref<40960x128xf32, #tpu.memory_space<hbm>> -> memref<640x128xf32, #tpu.memory_space<hbm>>
      tpu.enqueue_dma source(%dma_start3A_201 : memref<640x128xf32, #tpu.memory_space<hbm>>) target(%dma_start3A_199 : memref<640x128xf32, #tpu.memory_space<vmem_shared>>) target_semaphore(%run_scoped3A : memref<!tpu.dma_semaphore, #tpu.memory_space<semaphore_mem>>)
      %dma_wait3A = arith.constant 0 : i32
      %dma_wait3A_202 = tpu.memref_slice %arg16[%mul3A_8, %dma_wait3A] : memref<10240x128xf32, #tpu.memory_space<vmem_shared>> -> memref<640x128xf32, #tpu.memory_space<vmem_shared>>
      %dma_wait3A_203 = arith.constant 0 : i32
      %dma_wait3A_204 = tpu.memref_slice %arg2[%add3A_6, %dma_wait3A_203] : memref<40960x128xf32, #tpu.memory_space<hbm>> -> memref<640x128xf32, #tpu.memory_space<hbm>>
      tpu.wait_dma2 semaphore(%run_scoped3A : memref<!tpu.dma_semaphore, #tpu.memory_space<semaphore_mem>>) src(%dma_wait3A_204 : memref<640x128xf32, #tpu.memory_space<hbm>>) dst(%dma_wait3A_202 : memref<640x128xf32, #tpu.memory_space<vmem_shared>>)
      tpu.yield
    }) : () -> ()
    %barrier3A = arith.constant 0 : index
    tpu.barrier barrier_id(%barrier3A)
    %mul3A_9 = arith.constant 10240 : i32
    %mul3A_10 = arith.muli %arg1, %mul3A_9 : i32
    %multiple_of3A = tpu.assume_multiple %mul3A_10, 8 : i32
    "tpu.region"() ({
      %run_scoped3A = tpu.sem_alloc : memref<!tpu.dma_semaphore, #tpu.memory_space<semaphore_mem>>
      %dma_start3A_198 = tpu.memref_slice %arg3[%multiple_of3A] : memref<163840xi32, #tpu.memory_space<hbm>> -> memref<128xi32, #tpu.memory_space<hbm>>
      %dma_start3A_199 = tpu.memref_slice %arg3[%multiple_of3A] : memref<163840xi32, #tpu.memory_space<hbm>> -> memref<128xi32, #tpu.memory_space<hbm>>
      tpu.enqueue_dma source(%dma_start3A_199 : memref<128xi32, #tpu.memory_space<hbm>>) target(%arg6 : memref<128xi32, #tpu.memory_space<vmem>>) target_semaphore(%run_scoped3A : memref<!tpu.dma_semaphore, #tpu.memory_space<semaphore_mem>>)
      %dma_wait3A = tpu.memref_slice %arg3[%multiple_of3A] : memref<163840xi32, #tpu.memory_space<hbm>> -> memref<128xi32, #tpu.memory_space<hbm>>
      %dma_wait3A_200 = tpu.memref_slice %arg3[%multiple_of3A] : memref<163840xi32, #tpu.memory_space<hbm>> -> memref<128xi32, #tpu.memory_space<hbm>>
      tpu.wait_dma2 semaphore(%run_scoped3A : memref<!tpu.dma_semaphore, #tpu.memory_space<semaphore_mem>>) src(%dma_wait3A_200 : memref<128xi32, #tpu.memory_space<hbm>>) dst(%arg6 : memref<128xi32, #tpu.memory_space<vmem>>)
      tpu.yield
    }) : () -> ()
    %get3A = arith.constant 0 : index
    %get3A_11 = tpu.vector_load %arg6[%get3A] {strides = array<i32>} : memref<128xi32, #tpu.memory_space<vmem>>, vector<16xi32>,
    %get3A_12 = vector.shape_cast %get3A_11 : vector<16xi32> to vector<16xi32>
    %add3A_13 = vector.broadcast %mul3A_3 : i32 to vector<16xi32>
    %add3A_14 = arith.addi %get3A_12, %add3A_13 : vector<16xi32>
    %swap3A = arith.constant 0 : index
    %swap3A_15 = tpu.vector_load %arg7[%swap3A] {strides = array<i32>} : memref<128xi32, #tpu.memory_space<vmem>>, vector<16xi32>,
    %swap3A_16 = vector.shape_cast %swap3A_15 : vector<16xi32> to vector<16xi32>
    %swap3A_17 = vector.shape_cast %add3A_14 : vector<16xi32> to vector<16xi32>
    tpu.vector_store %arg7[%swap3A], %swap3A_17 {strides = array<i32>} : memref<128xi32, #tpu.memory_space<vmem>>, vector<16xi32>,
    %get3A_18 = arith.constant 16 : index
    %get3A_19 = tpu.vector_load %arg6[%get3A_18] {strides = array<i32>} : memref<128xi32, #tpu.memory_space<vmem>>, vector<16xi32>,
    %get3A_20 = vector.shape_cast %get3A_19 : vector<16xi32> to vector<16xi32>
    %add3A_21 = vector.broadcast %mul3A_3 : i32 to vector<16xi32>
    %add3A_22 = arith.addi %get3A_20, %add3A_21 : vector<16xi32>
    %swap3A_23 = arith.constant 16 : index
    %swap3A_24 = tpu.vector_load %arg7[%swap3A_23] {strides = array<i32>} : memref<128xi32, #tpu.memory_space<vmem>>, vector<16xi32>,
    %swap3A_25 = vector.shape_cast %swap3A_24 : vector<16xi32> to vector<16xi32>
    %swap3A_26 = vector.shape_cast %add3A_22 : vector<16xi32> to vector<16xi32>
    tpu.vector_store %arg7[%swap3A_23], %swap3A_26 {strides = array<i32>} : memref<128xi32, #tpu.memory_space<vmem>>, vector<16xi32>,
    %get3A_27 = arith.constant 32 : index
    %get3A_28 = tpu.vector_load %arg6[%get3A_27] {strides = array<i32>} : memref<128xi32, #tpu.memory_space<vmem>>, vector<16xi32>,
    %get3A_29 = vector.shape_cast %get3A_28 : vector<16xi32> to vector<16xi32>
    %add3A_30 = vector.broadcast %mul3A_3 : i32 to vector<16xi32>
    %add3A_31 = arith.addi %get3A_29, %add3A_30 : vector<16xi32>
    %swap3A_32 = arith.constant 32 : index
    %swap3A_33 = tpu.vector_load %arg7[%swap3A_32] {strides = array<i32>} : memref<128xi32, #tpu.memory_space<vmem>>, vector<16xi32>,
    %swap3A_34 = vector.shape_cast %swap3A_33 : vector<16xi32> to vector<16xi32>
    %swap3A_35 = vector.shape_cast %add3A_31 : vector<16xi32> to vector<16xi32>
    tpu.vector_store %arg7[%swap3A_32], %swap3A_35 {strides = array<i32>} : memref<128xi32, #tpu.memory_space<vmem>>, vector<16xi32>,
    %get3A_36 = arith.constant 48 : index
    %get3A_37 = tpu.vector_load %arg6[%get3A_36] {strides = array<i32>} : memref<128xi32, #tpu.memory_space<vmem>>, vector<16xi32>,
    %get3A_38 = vector.shape_cast %get3A_37 : vector<16xi32> to vector<16xi32>
    %add3A_39 = vector.broadcast %mul3A_3 : i32 to vector<16xi32>
    %add3A_40 = arith.addi %get3A_38, %add3A_39 : vector<16xi32>
    %swap3A_41 = arith.constant 48 : index
    %swap3A_42 = tpu.vector_load %arg7[%swap3A_41] {strides = array<i32>} : memref<128xi32, #tpu.memory_space<vmem>>, vector<16xi32>,
    %swap3A_43 = vector.shape_cast %swap3A_42 : vector<16xi32> to vector<16xi32>
    %swap3A_44 = vector.shape_cast %add3A_40 : vector<16xi32> to vector<16xi32>
    tpu.vector_store %arg7[%swap3A_41], %swap3A_44 {strides = array<i32>} : memref<128xi32, #tpu.memory_space<vmem>>, vector<16xi32>,
    %get3A_45 = arith.constant 64 : index
    %get3A_46 = tpu.vector_load %arg6[%get3A_45] {strides = array<i32>} : memref<128xi32, #tpu.memory_space<vmem>>, vector<16xi32>,
    %get3A_47 = vector.shape_cast %get3A_46 : vector<16xi32> to vector<16xi32>
    %add3A_48 = vector.broadcast %mul3A_3 : i32 to vector<16xi32>
    %add3A_49 = arith.addi %get3A_47, %add3A_48 : vector<16xi32>
    %swap3A_50 = arith.constant 64 : index
    %swap3A_51 = tpu.vector_load %arg7[%swap3A_50] {strides = array<i32>} : memref<128xi32, #tpu.memory_space<vmem>>, vector<16xi32>,
    %swap3A_52 = vector.shape_cast %swap3A_51 : vector<16xi32> to vector<16xi32>
    %swap3A_53 = vector.shape_cast %add3A_49 : vector<16xi32> to vector<16xi32>
    tpu.vector_store %arg7[%swap3A_50], %swap3A_53 {strides = array<i32>} : memref<128xi32, #tpu.memory_space<vmem>>, vector<16xi32>,
    %get3A_54 = arith.constant 80 : index
    %get3A_55 = tpu.vector_load %arg6[%get3A_54] {strides = array<i32>} : memref<128xi32, #tpu.memory_space<vmem>>, vector<16xi32>,
    %get3A_56 = vector.shape_cast %get3A_55 : vector<16xi32> to vector<16xi32>
    %add3A_57 = vector.broadcast %mul3A_3 : i32 to vector<16xi32>
    %add3A_58 = arith.addi %get3A_56, %add3A_57 : vector<16xi32>
    %swap3A_59 = arith.constant 80 : index
    %swap3A_60 = tpu.vector_load %arg7[%swap3A_59] {strides = array<i32>} : memref<128xi32, #tpu.memory_space<vmem>>, vector<16xi32>,
    %swap3A_61 = vector.shape_cast %swap3A_60 : vector<16xi32> to vector<16xi32>
    %swap3A_62 = vector.shape_cast %add3A_58 : vector<16xi32> to vector<16xi32>
    tpu.vector_store %arg7[%swap3A_59], %swap3A_62 {strides = array<i32>} : memref<128xi32, #tpu.memory_space<vmem>>, vector<16xi32>,
    %get3A_63 = arith.constant 96 : index
    %get3A_64 = tpu.vector_load %arg6[%get3A_63] {strides = array<i32>} : memref<128xi32, #tpu.memory_space<vmem>>, vector<16xi32>,
    %get3A_65 = vector.shape_cast %get3A_64 : vector<16xi32> to vector<16xi32>
    %add3A_66 = vector.broadcast %mul3A_3 : i32 to vector<16xi32>
    %add3A_67 = arith.addi %get3A_65, %add3A_66 : vector<16xi32>
    %swap3A_68 = arith.constant 96 : index
    %swap3A_69 = tpu.vector_load %arg7[%swap3A_68] {strides = array<i32>} : memref<128xi32, #tpu.memory_space<vmem>>, vector<16xi32>,
    %swap3A_70 = vector.shape_cast %swap3A_69 : vector<16xi32> to vector<16xi32>
    %swap3A_71 = vector.shape_cast %add3A_67 : vector<16xi32> to vector<16xi32>
    tpu.vector_store %arg7[%swap3A_68], %swap3A_71 {strides = array<i32>} : memref<128xi32, #tpu.memory_space<vmem>>, vector<16xi32>,
    %get3A_72 = arith.constant 112 : index
    %get3A_73 = tpu.vector_load %arg6[%get3A_72] {strides = array<i32>} : memref<128xi32, #tpu.memory_space<vmem>>, vector<16xi32>,
    %get3A_74 = vector.shape_cast %get3A_73 : vector<16xi32> to vector<16xi32>
    %add3A_75 = vector.broadcast %mul3A_3 : i32 to vector<16xi32>
    %add3A_76 = arith.addi %get3A_74, %add3A_75 : vector<16xi32>
    %swap3A_77 = arith.constant 112 : index
    %swap3A_78 = tpu.vector_load %arg7[%swap3A_77] {strides = array<i32>} : memref<128xi32, #tpu.memory_space<vmem>>, vector<16xi32>,
    %swap3A_79 = vector.shape_cast %swap3A_78 : vector<16xi32> to vector<16xi32>
    %swap3A_80 = vector.shape_cast %add3A_76 : vector<16xi32> to vector<16xi32>
    tpu.vector_store %arg7[%swap3A_77], %swap3A_80 {strides = array<i32>} : memref<128xi32, #tpu.memory_space<vmem>>, vector<16xi32>,
    "tpu.region"() ({
      %run_scoped3A = tpu.sem_alloc : memref<!tpu.dma_semaphore, #tpu.memory_space<semaphore_mem>>
      %dma_start3A_198 = tpu.memref_slice %arg4[%multiple_of3A] : memref<163840xi32, #tpu.memory_space<hbm>> -> memref<128xi32, #tpu.memory_space<hbm>>
      %dma_start3A_199 = tpu.memref_slice %arg4[%multiple_of3A] : memref<163840xi32, #tpu.memory_space<hbm>> -> memref<128xi32, #tpu.memory_space<hbm>>
      tpu.enqueue_dma source(%dma_start3A_199 : memref<128xi32, #tpu.memory_space<hbm>>) target(%arg8 : memref<128xi32, #tpu.memory_space<vmem>>) target_semaphore(%run_scoped3A : memref<!tpu.dma_semaphore, #tpu.memory_space<semaphore_mem>>)
      %dma_wait3A = tpu.memref_slice %arg4[%multiple_of3A] : memref<163840xi32, #tpu.memory_space<hbm>> -> memref<128xi32, #tpu.memory_space<hbm>>
      %dma_wait3A_200 = tpu.memref_slice %arg4[%multiple_of3A] : memref<163840xi32, #tpu.memory_space<hbm>> -> memref<128xi32, #tpu.memory_space<hbm>>
      tpu.wait_dma2 semaphore(%run_scoped3A : memref<!tpu.dma_semaphore, #tpu.memory_space<semaphore_mem>>) src(%dma_wait3A_200 : memref<128xi32, #tpu.memory_space<hbm>>) dst(%arg8 : memref<128xi32, #tpu.memory_space<vmem>>)
      tpu.yield
    }) : () -> ()
    %dma_start3A = arith.constant 0 : i32
    %dma_start3A_81 = arith.constant 0 : i32
    %dma_start3A_82 = tpu.memref_slice %arg2[%dma_start3A, %dma_start3A_81] : memref<40960x128xf32, #tpu.memory_space<hbm>> -> memref<40960x128xf32, #tpu.memory_space<hbm>>
    tpu.enqueue_indirect_dma source(%dma_start3A_82 : memref<40960x128xf32, #tpu.memory_space<hbm>>) target(%arg9 : memref<128x128xf32, #tpu.memory_space<vmem>>) offsets(%arg7 : memref<128xi32, #tpu.memory_space<vmem>>) semaphore(%arg10 : memref<!tpu.dma_semaphore, #tpu.memory_space<semaphore_mem>>)
    %scan3A = arith.constant 0 : i32
    %scan3A_83 = arith.constant 0 : i32
    %scan3A_84 = arith.constant 40 : i32
    %scan3A_85 = arith.addi %scan3A_83, %scan3A_84 : i32
    %scan3A_86 = arith.constant 1 : i32
    scf.for %scan3A_198 = %scan3A_83 to %scan3A_85 step %scan3A_86  : i32 {
      %mul3A_199 = arith.constant 2 : i32
      %mul3A_200 = arith.muli %mul3A_199, %scan3A_198 : i32
      %mul3A_201 = arith.constant 128 : i32
      %mul3A_202 = arith.muli %mul3A_200, %mul3A_201 : i32
      %add3A_203 = arith.addi %mul3A_10, %mul3A_202 : i32
      %multiple_of3A_204 = tpu.assume_multiple %add3A_203, 8 : i32
      %add3A_205 = arith.constant 128 : i32
      %add3A_206 = arith.addi %multiple_of3A_204, %add3A_205 : i32
      "tpu.region"() ({
        %run_scoped3A = tpu.sem_alloc : memref<!tpu.dma_semaphore, #tpu.memory_space<semaphore_mem>>
        %dma_start3A_289 = tpu.memref_slice %arg3[%add3A_206] : memref<163840xi32, #tpu.memory_space<hbm>> -> memref<128xi32, #tpu.memory_space<hbm>>
        %dma_start3A_290 = tpu.memref_slice %arg3[%add3A_206] : memref<163840xi32, #tpu.memory_space<hbm>> -> memref<128xi32, #tpu.memory_space<hbm>>
        tpu.enqueue_dma source(%dma_start3A_290 : memref<128xi32, #tpu.memory_space<hbm>>) target(%arg11 : memref<128xi32, #tpu.memory_space<vmem>>) target_semaphore(%run_scoped3A : memref<!tpu.dma_semaphore, #tpu.memory_space<semaphore_mem>>)
        %dma_wait3A_291 = tpu.memref_slice %arg3[%add3A_206] : memref<163840xi32, #tpu.memory_space<hbm>> -> memref<128xi32, #tpu.memory_space<hbm>>
        %dma_wait3A_292 = tpu.memref_slice %arg3[%add3A_206] : memref<163840xi32, #tpu.memory_space<hbm>> -> memref<128xi32, #tpu.memory_space<hbm>>
        tpu.wait_dma2 semaphore(%run_scoped3A : memref<!tpu.dma_semaphore, #tpu.memory_space<semaphore_mem>>) src(%dma_wait3A_292 : memref<128xi32, #tpu.memory_space<hbm>>) dst(%arg11 : memref<128xi32, #tpu.memory_space<vmem>>)
        tpu.yield
      }) : () -> ()
      %get3A_207 = arith.constant 0 : index
      %get3A_208 = tpu.vector_load %arg11[%get3A_207] {strides = array<i32>} : memref<128xi32, #tpu.memory_space<vmem>>, vector<16xi32>,
      %get3A_209 = vector.shape_cast %get3A_208 : vector<16xi32> to vector<16xi32>
      %add3A_210 = vector.broadcast %mul3A_3 : i32 to vector<16xi32>
      %add3A_211 = arith.addi %get3A_209, %add3A_210 : vector<16xi32>
      %swap3A_212 = arith.constant 0 : index
      %swap3A_213 = tpu.vector_load %arg12[%swap3A_212] {strides = array<i32>} : memref<128xi32, #tpu.memory_space<vmem>>, vector<16xi32>,
      %swap3A_214 = vector.shape_cast %swap3A_213 : vector<16xi32> to vector<16xi32>
      %swap3A_215 = vector.shape_cast %add3A_211 : vector<16xi32> to vector<16xi32>
      tpu.vector_store %arg12[%swap3A_212], %swap3A_215 {strides = array<i32>} : memref<128xi32, #tpu.memory_space<vmem>>, vector<16xi32>,
      %get3A_216 = arith.constant 16 : index
      %get3A_217 = tpu.vector_load %arg11[%get3A_216] {strides = array<i32>} : memref<128xi32, #tpu.memory_space<vmem>>, vector<16xi32>,
      %get3A_218 = vector.shape_cast %get3A_217 : vector<16xi32> to vector<16xi32>
      %add3A_219 = vector.broadcast %mul3A_3 : i32 to vector<16xi32>
      %add3A_220 = arith.addi %get3A_218, %add3A_219 : vector<16xi32>
      %swap3A_221 = arith.constant 16 : index
      %swap3A_222 = tpu.vector_load %arg12[%swap3A_221] {strides = array<i32>} : memref<128xi32, #tpu.memory_space<vmem>>, vector<16xi32>,
      %swap3A_223 = vector.shape_cast %swap3A_222 : vector<16xi32> to vector<16xi32>
      %swap3A_224 = vector.shape_cast %add3A_220 : vector<16xi32> to vector<16xi32>
      tpu.vector_store %arg12[%swap3A_221], %swap3A_224 {strides = array<i32>} : memref<128xi32, #tpu.memory_space<vmem>>, vector<16xi32>,
      %get3A_225 = arith.constant 32 : index
      %get3A_226 = tpu.vector_load %arg11[%get3A_225] {strides = array<i32>} : memref<128xi32, #tpu.memory_space<vmem>>, vector<16xi32>,
      %get3A_227 = vector.shape_cast %get3A_226 : vector<16xi32> to vector<16xi32>
      %add3A_228 = vector.broadcast %mul3A_3 : i32 to vector<16xi32>
      %add3A_229 = arith.addi %get3A_227, %add3A_228 : vector<16xi32>
      %swap3A_230 = arith.constant 32 : index
      %swap3A_231 = tpu.vector_load %arg12[%swap3A_230] {strides = array<i32>} : memref<128xi32, #tpu.memory_space<vmem>>, vector<16xi32>,
      %swap3A_232 = vector.shape_cast %swap3A_231 : vector<16xi32> to vector<16xi32>
      %swap3A_233 = vector.shape_cast %add3A_229 : vector<16xi32> to vector<16xi32>
      tpu.vector_store %arg12[%swap3A_230], %swap3A_233 {strides = array<i32>} : memref<128xi32, #tpu.memory_space<vmem>>, vector<16xi32>,
      %get3A_234 = arith.constant 48 : index
      %get3A_235 = tpu.vector_load %arg11[%get3A_234] {strides = array<i32>} : memref<128xi32, #tpu.memory_space<vmem>>, vector<16xi32>,
      %get3A_236 = vector.shape_cast %get3A_235 : vector<16xi32> to vector<16xi32>
      %add3A_237 = vector.broadcast %mul3A_3 : i32 to vector<16xi32>
      %add3A_238 = arith.addi %get3A_236, %add3A_237 : vector<16xi32>
      %swap3A_239 = arith.constant 48 : index
      %swap3A_240 = tpu.vector_load %arg12[%swap3A_239] {strides = array<i32>} : memref<128xi32, #tpu.memory_space<vmem>>, vector<16xi32>,
      %swap3A_241 = vector.shape_cast %swap3A_240 : vector<16xi32> to vector<16xi32>
      %swap3A_242 = vector.shape_cast %add3A_238 : vector<16xi32> to vector<16xi32>
      tpu.vector_store %arg12[%swap3A_239], %swap3A_242 {strides = array<i32>} : memref<128xi32, #tpu.memory_space<vmem>>, vector<16xi32>,
      %get3A_243 = arith.constant 64 : index
      %get3A_244 = tpu.vector_load %arg11[%get3A_243] {strides = array<i32>} : memref<128xi32, #tpu.memory_space<vmem>>, vector<16xi32>,
      %get3A_245 = vector.shape_cast %get3A_244 : vector<16xi32> to vector<16xi32>
      %add3A_246 = vector.broadcast %mul3A_3 : i32 to vector<16xi32>
      %add3A_247 = arith.addi %get3A_245, %add3A_246 : vector<16xi32>
      %swap3A_248 = arith.constant 64 : index
      %swap3A_249 = tpu.vector_load %arg12[%swap3A_248] {strides = array<i32>} : memref<128xi32, #tpu.memory_space<vmem>>, vector<16xi32>,
      %swap3A_250 = vector.shape_cast %swap3A_249 : vector<16xi32> to vector<16xi32>
      %swap3A_251 = vector.shape_cast %add3A_247 : vector<16xi32> to vector<16xi32>
      tpu.vector_store %arg12[%swap3A_248], %swap3A_251 {strides = array<i32>} : memref<128xi32, #tpu.memory_space<vmem>>, vector<16xi32>,
      %get3A_252 = arith.constant 80 : index
      %get3A_253 = tpu.vector_load %arg11[%get3A_252] {strides = array<i32>} : memref<128xi32, #tpu.memory_space<vmem>>, vector<16xi32>,
      %get3A_254 = vector.shape_cast %get3A_253 : vector<16xi32> to vector<16xi32>
      %add3A_255 = vector.broadcast %mul3A_3 : i32 to vector<16xi32>
      %add3A_256 = arith.addi %get3A_254, %add3A_255 : vector<16xi32>
      %swap3A_257 = arith.constant 80 : index
      %swap3A_258 = tpu.vector_load %arg12[%swap3A_257] {strides = array<i32>} : memref<128xi32, #tpu.memory_space<vmem>>, vector<16xi32>,
      %swap3A_259 = vector.shape_cast %swap3A_258 : vector<16xi32> to vector<16xi32>
      %swap3A_260 = vector.shape_cast %add3A_256 : vector<16xi32> to vector<16xi32>
      tpu.vector_store %arg12[%swap3A_257], %swap3A_260 {strides = array<i32>} : memref<128xi32, #tpu.memory_space<vmem>>, vector<16xi32>,
      %get3A_261 = arith.constant 96 : index
      %get3A_262 = tpu.vector_load %arg11[%get3A_261] {strides = array<i32>} : memref<128xi32, #tpu.memory_space<vmem>>, vector<16xi32>,
      %get3A_263 = vector.shape_cast %get3A_262 : vector<16xi32> to vector<16xi32>
      %add3A_264 = vector.broadcast %mul3A_3 : i32 to vector<16xi32>
      %add3A_265 = arith.addi %get3A_263, %add3A_264 : vector<16xi32>
      %swap3A_266 = arith.constant 96 : index
      %swap3A_267 = tpu.vector_load %arg12[%swap3A_266] {strides = array<i32>} : memref<128xi32, #tpu.memory_space<vmem>>, vector<16xi32>,
      %swap3A_268 = vector.shape_cast %swap3A_267 : vector<16xi32> to vector<16xi32>
      %swap3A_269 = vector.shape_cast %add3A_265 : vector<16xi32> to vector<16xi32>
      tpu.vector_store %arg12[%swap3A_266], %swap3A_269 {strides = array<i32>} : memref<128xi32, #tpu.memory_space<vmem>>, vector<16xi32>,
      %get3A_270 = arith.constant 112 : index
      %get3A_271 = tpu.vector_load %arg11[%get3A_270] {strides = array<i32>} : memref<128xi32, #tpu.memory_space<vmem>>, vector<16xi32>,
      %get3A_272 = vector.shape_cast %get3A_271 : vector<16xi32> to vector<16xi32>
      %add3A_273 = vector.broadcast %mul3A_3 : i32 to vector<16xi32>
      %add3A_274 = arith.addi %get3A_272, %add3A_273 : vector<16xi32>
      %swap3A_275 = arith.constant 112 : index
      %swap3A_276 = tpu.vector_load %arg12[%swap3A_275] {strides = array<i32>} : memref<128xi32, #tpu.memory_space<vmem>>, vector<16xi32>,
      %swap3A_277 = vector.shape_cast %swap3A_276 : vector<16xi32> to vector<16xi32>
      %swap3A_278 = vector.shape_cast %add3A_274 : vector<16xi32> to vector<16xi32>
      tpu.vector_store %arg12[%swap3A_275], %swap3A_278 {strides = array<i32>} : memref<128xi32, #tpu.memory_space<vmem>>, vector<16xi32>,
      "tpu.region"() ({
        %run_scoped3A = tpu.sem_alloc : memref<!tpu.dma_semaphore, #tpu.memory_space<semaphore_mem>>
        %dma_start3A_289 = tpu.memref_slice %arg4[%add3A_206] : memref<163840xi32, #tpu.memory_space<hbm>> -> memref<128xi32, #tpu.memory_space<hbm>>
        %dma_start3A_290 = tpu.memref_slice %arg4[%add3A_206] : memref<163840xi32, #tpu.memory_space<hbm>> -> memref<128xi32, #tpu.memory_space<hbm>>
        tpu.enqueue_dma source(%dma_start3A_290 : memref<128xi32, #tpu.memory_space<hbm>>) target(%arg13 : memref<128xi32, #tpu.memory_space<vmem>>) target_semaphore(%run_scoped3A : memref<!tpu.dma_semaphore, #tpu.memory_space<semaphore_mem>>)
        %dma_wait3A_291 = tpu.memref_slice %arg4[%add3A_206] : memref<163840xi32, #tpu.memory_space<hbm>> -> memref<128xi32, #tpu.memory_space<hbm>>
        %dma_wait3A_292 = tpu.memref_slice %arg4[%add3A_206] : memref<163840xi32, #tpu.memory_space<hbm>> -> memref<128xi32, #tpu.memory_space<hbm>>
        tpu.wait_dma2 semaphore(%run_scoped3A : memref<!tpu.dma_semaphore, #tpu.memory_space<semaphore_mem>>) src(%dma_wait3A_292 : memref<128xi32, #tpu.memory_space<hbm>>) dst(%arg13 : memref<128xi32, #tpu.memory_space<vmem>>)
        tpu.yield
      }) : () -> ()
      %dma_wait3A = arith.constant 0 : i32
      %dma_wait3A_279 = arith.constant 0 : i32
      %dma_wait3A_280 = tpu.memref_slice %arg2[%dma_wait3A, %dma_wait3A_279] : memref<40960x128xf32, #tpu.memory_space<hbm>> -> memref<40960x128xf32, #tpu.memory_space<hbm>>
      tpu.wait_indirect_dma semaphore(%arg10 : memref<!tpu.dma_semaphore, #tpu.memory_space<semaphore_mem>>) src(%dma_wait3A_280 : memref<40960x128xf32, #tpu.memory_space<hbm>>) dst(%arg9 : memref<128x128xf32, #tpu.memory_space<vmem>>)
      %dma_start3A_281 = arith.constant 0 : i32
      %dma_start3A_282 = arith.constant 0 : i32
      %dma_start3A_283 = tpu.memref_slice %arg2[%dma_start3A_281, %dma_start3A_282] : memref<40960x128xf32, #tpu.memory_space<hbm>> -> memref<40960x128xf32, #tpu.memory_space<hbm>>
      tpu.enqueue_indirect_dma source(%dma_start3A_283 : memref<40960x128xf32, #tpu.memory_space<hbm>>) target(%arg14 : memref<128x128xf32, #tpu.memory_space<vmem>>) offsets(%arg12 : memref<128xi32, #tpu.memory_space<vmem>>) semaphore(%arg15 : memref<!tpu.dma_semaphore, #tpu.memory_space<semaphore_mem>>)
      "tpu.region"() ({
        %run_scoped3A = tpu.sem_alloc : memref<!tpu.dma_semaphore, #tpu.memory_space<semaphore_mem>>
        %dma_start3A_289 = arith.constant 0 : i32
        %dma_start3A_290 = arith.constant 0 : i32
        %dma_start3A_291 = tpu.memref_slice %arg16[%dma_start3A_289, %dma_start3A_290] : memref<10240x128xf32, #tpu.memory_space<vmem_shared>> -> memref<10240x128xf32, #tpu.memory_space<vmem_shared>>
        tpu.enqueue_indirect_dma source(%arg9 : memref<128x128xf32, #tpu.memory_space<vmem>>) target(%dma_start3A_291 : memref<10240x128xf32, #tpu.memory_space<vmem_shared>>) offsets(%arg8 : memref<128xi32, #tpu.memory_space<vmem>>) semaphore(%run_scoped3A : memref<!tpu.dma_semaphore, #tpu.memory_space<semaphore_mem>>) {add = true}
        %dma_wait3A_292 = arith.constant 0 : i32
        %dma_wait3A_293 = arith.constant 0 : i32
        %dma_wait3A_294 = tpu.memref_slice %arg16[%dma_wait3A_292, %dma_wait3A_293] : memref<10240x128xf32, #tpu.memory_space<vmem_shared>> -> memref<10240x128xf32, #tpu.memory_space<vmem_shared>>
        tpu.wait_indirect_dma semaphore(%run_scoped3A : memref<!tpu.dma_semaphore, #tpu.memory_space<semaphore_mem>>) src(%arg9 : memref<128x128xf32, #tpu.memory_space<vmem>>) dst(%dma_wait3A_294 : memref<10240x128xf32, #tpu.memory_space<vmem_shared>>)
        tpu.yield
      }) : () -> ()
      %lt3A = arith.constant 39 : i32
      %lt3A_284 = arith.cmpi slt, %scan3A_198, %lt3A : i32
      %convert_element_type3A = arith.extui %lt3A_284 : i1 to i32
      %cond3A = arith.constant 0 : i32
      %cond3A_285 = arith.cmpi ne, %convert_element_type3A, %cond3A : i32
      scf.if %cond3A_285 {
        %add3A_289 = arith.constant 256 : i32
        %add3A_290 = arith.addi %multiple_of3A_204, %add3A_289 : i32
        "tpu.region"() ({
          %run_scoped3A = tpu.sem_alloc : memref<!tpu.dma_semaphore, #tpu.memory_space<semaphore_mem>>
          %dma_start3A_366 = tpu.memref_slice %arg3[%add3A_290] : memref<163840xi32, #tpu.memory_space<hbm>> -> memref<128xi32, #tpu.memory_space<hbm>>
          %dma_start3A_367 = tpu.memref_slice %arg3[%add3A_290] : memref<163840xi32, #tpu.memory_space<hbm>> -> memref<128xi32, #tpu.memory_space<hbm>>
          tpu.enqueue_dma source(%dma_start3A_367 : memref<128xi32, #tpu.memory_space<hbm>>) target(%arg6 : memref<128xi32, #tpu.memory_space<vmem>>) target_semaphore(%run_scoped3A : memref<!tpu.dma_semaphore, #tpu.memory_space<semaphore_mem>>)
          %dma_wait3A_368 = tpu.memref_slice %arg3[%add3A_290] : memref<163840xi32, #tpu.memory_space<hbm>> -> memref<128xi32, #tpu.memory_space<hbm>>
          %dma_wait3A_369 = tpu.memref_slice %arg3[%add3A_290] : memref<163840xi32, #tpu.memory_space<hbm>> -> memref<128xi32, #tpu.memory_space<hbm>>
          tpu.wait_dma2 semaphore(%run_scoped3A : memref<!tpu.dma_semaphore, #tpu.memory_space<semaphore_mem>>) src(%dma_wait3A_369 : memref<128xi32, #tpu.memory_space<hbm>>) dst(%arg6 : memref<128xi32, #tpu.memory_space<vmem>>)
          tpu.yield
        }) : () -> ()
        %get3A_291 = arith.constant 0 : index
        %get3A_292 = tpu.vector_load %arg6[%get3A_291] {strides = array<i32>} : memref<128xi32, #tpu.memory_space<vmem>>, vector<16xi32>,
        %get3A_293 = vector.shape_cast %get3A_292 : vector<16xi32> to vector<16xi32>
        %add3A_294 = vector.broadcast %mul3A_3 : i32 to vector<16xi32>
        %add3A_295 = arith.addi %get3A_293, %add3A_294 : vector<16xi32>
        %swap3A_296 = arith.constant 0 : index
        %swap3A_297 = tpu.vector_load %arg7[%swap3A_296] {strides = array<i32>} : memref<128xi32, #tpu.memory_space<vmem>>, vector<16xi32>,
        %swap3A_298 = vector.shape_cast %swap3A_297 : vector<16xi32> to vector<16xi32>
        %swap3A_299 = vector.shape_cast %add3A_295 : vector<16xi32> to vector<16xi32>
        tpu.vector_store %arg7[%swap3A_296], %swap3A_299 {strides = array<i32>} : memref<128xi32, #tpu.memory_space<vmem>>, vector<16xi32>,
        %get3A_300 = arith.constant 16 : index
        %get3A_301 = tpu.vector_load %arg6[%get3A_300] {strides = array<i32>} : memref<128xi32, #tpu.memory_space<vmem>>, vector<16xi32>,
        %get3A_302 = vector.shape_cast %get3A_301 : vector<16xi32> to vector<16xi32>
        %add3A_303 = vector.broadcast %mul3A_3 : i32 to vector<16xi32>
        %add3A_304 = arith.addi %get3A_302, %add3A_303 : vector<16xi32>
        %swap3A_305 = arith.constant 16 : index
        %swap3A_306 = tpu.vector_load %arg7[%swap3A_305] {strides = array<i32>} : memref<128xi32, #tpu.memory_space<vmem>>, vector<16xi32>,
        %swap3A_307 = vector.shape_cast %swap3A_306 : vector<16xi32> to vector<16xi32>
        %swap3A_308 = vector.shape_cast %add3A_304 : vector<16xi32> to vector<16xi32>
        tpu.vector_store %arg7[%swap3A_305], %swap3A_308 {strides = array<i32>} : memref<128xi32, #tpu.memory_space<vmem>>, vector<16xi32>,
        %get3A_309 = arith.constant 32 : index
        %get3A_310 = tpu.vector_load %arg6[%get3A_309] {strides = array<i32>} : memref<128xi32, #tpu.memory_space<vmem>>, vector<16xi32>,
        %get3A_311 = vector.shape_cast %get3A_310 : vector<16xi32> to vector<16xi32>
        %add3A_312 = vector.broadcast %mul3A_3 : i32 to vector<16xi32>
        %add3A_313 = arith.addi %get3A_311, %add3A_312 : vector<16xi32>
        %swap3A_314 = arith.constant 32 : index
        %swap3A_315 = tpu.vector_load %arg7[%swap3A_314] {strides = array<i32>} : memref<128xi32, #tpu.memory_space<vmem>>, vector<16xi32>,
        %swap3A_316 = vector.shape_cast %swap3A_315 : vector<16xi32> to vector<16xi32>
        %swap3A_317 = vector.shape_cast %add3A_313 : vector<16xi32> to vector<16xi32>
        tpu.vector_store %arg7[%swap3A_314], %swap3A_317 {strides = array<i32>} : memref<128xi32, #tpu.memory_space<vmem>>, vector<16xi32>,
        %get3A_318 = arith.constant 48 : index
        %get3A_319 = tpu.vector_load %arg6[%get3A_318] {strides = array<i32>} : memref<128xi32, #tpu.memory_space<vmem>>, vector<16xi32>,
        %get3A_320 = vector.shape_cast %get3A_319 : vector<16xi32> to vector<16xi32>
        %add3A_321 = vector.broadcast %mul3A_3 : i32 to vector<16xi32>
        %add3A_322 = arith.addi %get3A_320, %add3A_321 : vector<16xi32>
        %swap3A_323 = arith.constant 48 : index
        %swap3A_324 = tpu.vector_load %arg7[%swap3A_323] {strides = array<i32>} : memref<128xi32, #tpu.memory_space<vmem>>, vector<16xi32>,
        %swap3A_325 = vector.shape_cast %swap3A_324 : vector<16xi32> to vector<16xi32>
        %swap3A_326 = vector.shape_cast %add3A_322 : vector<16xi32> to vector<16xi32>
        tpu.vector_store %arg7[%swap3A_323], %swap3A_326 {strides = array<i32>} : memref<128xi32, #tpu.memory_space<vmem>>, vector<16xi32>,
        %get3A_327 = arith.constant 64 : index
        %get3A_328 = tpu.vector_load %arg6[%get3A_327] {strides = array<i32>} : memref<128xi32, #tpu.memory_space<vmem>>, vector<16xi32>,
        %get3A_329 = vector.shape_cast %get3A_328 : vector<16xi32> to vector<16xi32>
        %add3A_330 = vector.broadcast %mul3A_3 : i32 to vector<16xi32>
        %add3A_331 = arith.addi %get3A_329, %add3A_330 : vector<16xi32>
        %swap3A_332 = arith.constant 64 : index
        %swap3A_333 = tpu.vector_load %arg7[%swap3A_332] {strides = array<i32>} : memref<128xi32, #tpu.memory_space<vmem>>, vector<16xi32>,
        %swap3A_334 = vector.shape_cast %swap3A_333 : vector<16xi32> to vector<16xi32>
        %swap3A_335 = vector.shape_cast %add3A_331 : vector<16xi32> to vector<16xi32>
        tpu.vector_store %arg7[%swap3A_332], %swap3A_335 {strides = array<i32>} : memref<128xi32, #tpu.memory_space<vmem>>, vector<16xi32>,
        %get3A_336 = arith.constant 80 : index
        %get3A_337 = tpu.vector_load %arg6[%get3A_336] {strides = array<i32>} : memref<128xi32, #tpu.memory_space<vmem>>, vector<16xi32>,
        %get3A_338 = vector.shape_cast %get3A_337 : vector<16xi32> to vector<16xi32>
        %add3A_339 = vector.broadcast %mul3A_3 : i32 to vector<16xi32>
        %add3A_340 = arith.addi %get3A_338, %add3A_339 : vector<16xi32>
        %swap3A_341 = arith.constant 80 : index
        %swap3A_342 = tpu.vector_load %arg7[%swap3A_341] {strides = array<i32>} : memref<128xi32, #tpu.memory_space<vmem>>, vector<16xi32>,
        %swap3A_343 = vector.shape_cast %swap3A_342 : vector<16xi32> to vector<16xi32>
        %swap3A_344 = vector.shape_cast %add3A_340 : vector<16xi32> to vector<16xi32>
        tpu.vector_store %arg7[%swap3A_341], %swap3A_344 {strides = array<i32>} : memref<128xi32, #tpu.memory_space<vmem>>, vector<16xi32>,
        %get3A_345 = arith.constant 96 : index
        %get3A_346 = tpu.vector_load %arg6[%get3A_345] {strides = array<i32>} : memref<128xi32, #tpu.memory_space<vmem>>, vector<16xi32>,
        %get3A_347 = vector.shape_cast %get3A_346 : vector<16xi32> to vector<16xi32>
        %add3A_348 = vector.broadcast %mul3A_3 : i32 to vector<16xi32>
        %add3A_349 = arith.addi %get3A_347, %add3A_348 : vector<16xi32>
        %swap3A_350 = arith.constant 96 : index
        %swap3A_351 = tpu.vector_load %arg7[%swap3A_350] {strides = array<i32>} : memref<128xi32, #tpu.memory_space<vmem>>, vector<16xi32>,
        %swap3A_352 = vector.shape_cast %swap3A_351 : vector<16xi32> to vector<16xi32>
        %swap3A_353 = vector.shape_cast %add3A_349 : vector<16xi32> to vector<16xi32>
        tpu.vector_store %arg7[%swap3A_350], %swap3A_353 {strides = array<i32>} : memref<128xi32, #tpu.memory_space<vmem>>, vector<16xi32>,
        %get3A_354 = arith.constant 112 : index
        %get3A_355 = tpu.vector_load %arg6[%get3A_354] {strides = array<i32>} : memref<128xi32, #tpu.memory_space<vmem>>, vector<16xi32>,
        %get3A_356 = vector.shape_cast %get3A_355 : vector<16xi32> to vector<16xi32>
        %add3A_357 = vector.broadcast %mul3A_3 : i32 to vector<16xi32>
        %add3A_358 = arith.addi %get3A_356, %add3A_357 : vector<16xi32>
        %swap3A_359 = arith.constant 112 : index
        %swap3A_360 = tpu.vector_load %arg7[%swap3A_359] {strides = array<i32>} : memref<128xi32, #tpu.memory_space<vmem>>, vector<16xi32>,
        %swap3A_361 = vector.shape_cast %swap3A_360 : vector<16xi32> to vector<16xi32>
        %swap3A_362 = vector.shape_cast %add3A_358 : vector<16xi32> to vector<16xi32>
        tpu.vector_store %arg7[%swap3A_359], %swap3A_362 {strides = array<i32>} : memref<128xi32, #tpu.memory_space<vmem>>, vector<16xi32>,
        "tpu.region"() ({
          %run_scoped3A = tpu.sem_alloc : memref<!tpu.dma_semaphore, #tpu.memory_space<semaphore_mem>>
          %dma_start3A_366 = tpu.memref_slice %arg4[%add3A_290] : memref<163840xi32, #tpu.memory_space<hbm>> -> memref<128xi32, #tpu.memory_space<hbm>>
          %dma_start3A_367 = tpu.memref_slice %arg4[%add3A_290] : memref<163840xi32, #tpu.memory_space<hbm>> -> memref<128xi32, #tpu.memory_space<hbm>>
          tpu.enqueue_dma source(%dma_start3A_367 : memref<128xi32, #tpu.memory_space<hbm>>) target(%arg8 : memref<128xi32, #tpu.memory_space<vmem>>) target_semaphore(%run_scoped3A : memref<!tpu.dma_semaphore, #tpu.memory_space<semaphore_mem>>)
          %dma_wait3A_368 = tpu.memref_slice %arg4[%add3A_290] : memref<163840xi32, #tpu.memory_space<hbm>> -> memref<128xi32, #tpu.memory_space<hbm>>
          %dma_wait3A_369 = tpu.memref_slice %arg4[%add3A_290] : memref<163840xi32, #tpu.memory_space<hbm>> -> memref<128xi32, #tpu.memory_space<hbm>>
          tpu.wait_dma2 semaphore(%run_scoped3A : memref<!tpu.dma_semaphore, #tpu.memory_space<semaphore_mem>>) src(%dma_wait3A_369 : memref<128xi32, #tpu.memory_space<hbm>>) dst(%arg8 : memref<128xi32, #tpu.memory_space<vmem>>)
          tpu.yield
        }) : () -> ()
        %dma_start3A_363 = arith.constant 0 : i32
        %dma_start3A_364 = arith.constant 0 : i32
        %dma_start3A_365 = tpu.memref_slice %arg2[%dma_start3A_363, %dma_start3A_364] : memref<40960x128xf32, #tpu.memory_space<hbm>> -> memref<40960x128xf32, #tpu.memory_space<hbm>>
        tpu.enqueue_indirect_dma source(%dma_start3A_365 : memref<40960x128xf32, #tpu.memory_space<hbm>>) target(%arg9 : memref<128x128xf32, #tpu.memory_space<vmem>>) offsets(%arg7 : memref<128xi32, #tpu.memory_space<vmem>>) semaphore(%arg10 : memref<!tpu.dma_semaphore, #tpu.memory_space<semaphore_mem>>)
      } else {
      }
      %dma_wait3A_286 = arith.constant 0 : i32
      %dma_wait3A_287 = arith.constant 0 : i32
      %dma_wait3A_288 = tpu.memref_slice %arg2[%dma_wait3A_286, %dma_wait3A_287] : memref<40960x128xf32, #tpu.memory_space<hbm>> -> memref<40960x128xf32, #tpu.memory_space<hbm>>
      tpu.wait_indirect_dma semaphore(%arg15 : memref<!tpu.dma_semaphore, #tpu.memory_space<semaphore_mem>>) src(%dma_wait3A_288 : memref<40960x128xf32, #tpu.memory_space<hbm>>) dst(%arg14 : memref<128x128xf32, #tpu.memory_space<vmem>>)
      "tpu.region"() ({
        %run_scoped3A = tpu.sem_alloc : memref<!tpu.dma_semaphore, #tpu.memory_space<semaphore_mem>>
        %dma_start3A_289 = arith.constant 0 : i32
        %dma_start3A_290 = arith.constant 0 : i32
        %dma_start3A_291 = tpu.memref_slice %arg16[%dma_start3A_289, %dma_start3A_290] : memref<10240x128xf32, #tpu.memory_space<vmem_shared>> -> memref<10240x128xf32, #tpu.memory_space<vmem_shared>>
        tpu.enqueue_indirect_dma source(%arg14 : memref<128x128xf32, #tpu.memory_space<vmem>>) target(%dma_start3A_291 : memref<10240x128xf32, #tpu.memory_space<vmem_shared>>) offsets(%arg13 : memref<128xi32, #tpu.memory_space<vmem>>) semaphore(%run_scoped3A : memref<!tpu.dma_semaphore, #tpu.memory_space<semaphore_mem>>) {add = true}
        %dma_wait3A_292 = arith.constant 0 : i32
        %dma_wait3A_293 = arith.constant 0 : i32
        %dma_wait3A_294 = tpu.memref_slice %arg16[%dma_wait3A_292, %dma_wait3A_293] : memref<10240x128xf32, #tpu.memory_space<vmem_shared>> -> memref<10240x128xf32, #tpu.memory_space<vmem_shared>>
        tpu.wait_indirect_dma semaphore(%run_scoped3A : memref<!tpu.dma_semaphore, #tpu.memory_space<semaphore_mem>>) src(%arg14 : memref<128x128xf32, #tpu.memory_space<vmem>>) dst(%dma_wait3A_294 : memref<10240x128xf32, #tpu.memory_space<vmem_shared>>)
        tpu.yield
      }) : () -> ()
    }
    %scan3A_87 = arith.constant 40 : i32
    %barrier3A_88 = arith.constant 0 : index
    tpu.barrier barrier_id(%barrier3A_88)
    %mul3A_89 = arith.constant 640 : i32
    %mul3A_90 = arith.muli %arg1, %mul3A_89 : i32
    %mul3A_91 = arith.constant 640 : i32
    %mul3A_92 = arith.muli %arg1, %mul3A_91 : i32
    %add3A_93 = arith.addi %mul3A_3, %mul3A_92 : i32
    "tpu.region"() ({
      %run_scoped3A = tpu.sem_alloc : memref<!tpu.dma_semaphore, #tpu.memory_space<semaphore_mem>>
      %dma_start3A_198 = arith.constant 0 : i32
      %dma_start3A_199 = tpu.memref_slice %arg5[%add3A_93, %dma_start3A_198] : memref<40960x128xf32, #tpu.memory_space<hbm>> -> memref<640x128xf32, #tpu.memory_space<hbm>>
      %dma_start3A_200 = arith.constant 0 : i32
      %dma_start3A_201 = tpu.memref_slice %arg16[%mul3A_90, %dma_start3A_200] : memref<10240x128xf32, #tpu.memory_space<vmem_shared>> -> memref<640x128xf32, #tpu.memory_space<vmem_shared>>
      tpu.enqueue_dma source(%dma_start3A_201 : memref<640x128xf32, #tpu.memory_space<vmem_shared>>) target(%dma_start3A_199 : memref<640x128xf32, #tpu.memory_space<hbm>>) target_semaphore(%run_scoped3A : memref<!tpu.dma_semaphore, #tpu.memory_space<semaphore_mem>>)
      %dma_wait3A = arith.constant 0 : i32
      %dma_wait3A_202 = tpu.memref_slice %arg5[%add3A_93, %dma_wait3A] : memref<40960x128xf32, #tpu.memory_space<hbm>> -> memref<640x128xf32, #tpu.memory_space<hbm>>
      %dma_wait3A_203 = arith.constant 0 : i32
      %dma_wait3A_204 = tpu.memref_slice %arg16[%mul3A_90, %dma_wait3A_203] : memref<10240x128xf32, #tpu.memory_space<vmem_shared>> -> memref<640x128xf32, #tpu.memory_space<vmem_shared>>
      tpu.wait_dma2 semaphore(%run_scoped3A : memref<!tpu.dma_semaphore, #tpu.memory_space<semaphore_mem>>) src(%dma_wait3A_204 : memref<640x128xf32, #tpu.memory_space<vmem_shared>>) dst(%dma_wait3A_202 : memref<640x128xf32, #tpu.memory_space<hbm>>)
      tpu.yield
    }) : () -> ()
    %barrier3A_94 = arith.constant 0 : index
    tpu.barrier barrier_id(%barrier3A_94)
    %mul3A_95 = arith.constant 2 : i32
    %mul3A_96 = arith.muli %arg0, %mul3A_95 : i32
    %add3A_97 = arith.constant 1 : i32
    %add3A_98 = arith.addi %mul3A_96, %add3A_97 : i32
    %mul3A_99 = arith.constant 10240 : i32
    %mul3A_100 = arith.muli %add3A_98, %mul3A_99 : i32
    %mul3A_101 = arith.constant 640 : i32
    %mul3A_102 = arith.muli %arg1, %mul3A_101 : i32
    %add3A_103 = arith.addi %mul3A_100, %mul3A_102 : i32
    %mul3A_104 = arith.constant 640 : i32
    %mul3A_105 = arith.muli %arg1, %mul3A_104 : i32
    "tpu.region"() ({
      %run_scoped3A = tpu.sem_alloc : memref<!tpu.dma_semaphore, #tpu.memory_space<semaphore_mem>>
      %dma_start3A_198 = arith.constant 0 : i32
      %dma_start3A_199 = tpu.memref_slice %arg16[%mul3A_105, %dma_start3A_198] : memref<10240x128xf32, #tpu.memory_space<vmem_shared>> -> memref<640x128xf32, #tpu.memory_space<vmem_shared>>
      %dma_start3A_200 = arith.constant 0 : i32
      %dma_start3A_201 = tpu.memref_slice %arg2[%add3A_103, %dma_start3A_200] : memref<40960x128xf32, #tpu.memory_space<hbm>> -> memref<640x128xf32, #tpu.memory_space<hbm>>
      tpu.enqueue_dma source(%dma_start3A_201 : memref<640x128xf32, #tpu.memory_space<hbm>>) target(%dma_start3A_199 : memref<640x128xf32, #tpu.memory_space<vmem_shared>>) target_semaphore(%run_scoped3A : memref<!tpu.dma_semaphore, #tpu.memory_space<semaphore_mem>>)
      %dma_wait3A = arith.constant 0 : i32
      %dma_wait3A_202 = tpu.memref_slice %arg16[%mul3A_105, %dma_wait3A] : memref<10240x128xf32, #tpu.memory_space<vmem_shared>> -> memref<640x128xf32, #tpu.memory_space<vmem_shared>>
      %dma_wait3A_203 = arith.constant 0 : i32
      %dma_wait3A_204 = tpu.memref_slice %arg2[%add3A_103, %dma_wait3A_203] : memref<40960x128xf32, #tpu.memory_space<hbm>> -> memref<640x128xf32, #tpu.memory_space<hbm>>
      tpu.wait_dma2 semaphore(%run_scoped3A : memref<!tpu.dma_semaphore, #tpu.memory_space<semaphore_mem>>) src(%dma_wait3A_204 : memref<640x128xf32, #tpu.memory_space<hbm>>) dst(%dma_wait3A_202 : memref<640x128xf32, #tpu.memory_space<vmem_shared>>)
      tpu.yield
    }) : () -> ()
    %barrier3A_106 = arith.constant 0 : index
    tpu.barrier barrier_id(%barrier3A_106)
    %mul3A_107 = arith.constant 10240 : i32
    %mul3A_108 = arith.muli %arg1, %mul3A_107 : i32
    %multiple_of3A_109 = tpu.assume_multiple %mul3A_108, 8 : i32
    "tpu.region"() ({
      %run_scoped3A = tpu.sem_alloc : memref<!tpu.dma_semaphore, #tpu.memory_space<semaphore_mem>>
      %dma_start3A_198 = tpu.memref_slice %arg3[%multiple_of3A_109] : memref<163840xi32, #tpu.memory_space<hbm>> -> memref<128xi32, #tpu.memory_space<hbm>>
      %dma_start3A_199 = tpu.memref_slice %arg3[%multiple_of3A_109] : memref<163840xi32, #tpu.memory_space<hbm>> -> memref<128xi32, #tpu.memory_space<hbm>>
      tpu.enqueue_dma source(%dma_start3A_199 : memref<128xi32, #tpu.memory_space<hbm>>) target(%arg6 : memref<128xi32, #tpu.memory_space<vmem>>) target_semaphore(%run_scoped3A : memref<!tpu.dma_semaphore, #tpu.memory_space<semaphore_mem>>)
      %dma_wait3A = tpu.memref_slice %arg3[%multiple_of3A_109] : memref<163840xi32, #tpu.memory_space<hbm>> -> memref<128xi32, #tpu.memory_space<hbm>>
      %dma_wait3A_200 = tpu.memref_slice %arg3[%multiple_of3A_109] : memref<163840xi32, #tpu.memory_space<hbm>> -> memref<128xi32, #tpu.memory_space<hbm>>
      tpu.wait_dma2 semaphore(%run_scoped3A : memref<!tpu.dma_semaphore, #tpu.memory_space<semaphore_mem>>) src(%dma_wait3A_200 : memref<128xi32, #tpu.memory_space<hbm>>) dst(%arg6 : memref<128xi32, #tpu.memory_space<vmem>>)
      tpu.yield
    }) : () -> ()
    %get3A_110 = arith.constant 0 : index
    %get3A_111 = tpu.vector_load %arg6[%get3A_110] {strides = array<i32>} : memref<128xi32, #tpu.memory_space<vmem>>, vector<16xi32>,
    %get3A_112 = vector.shape_cast %get3A_111 : vector<16xi32> to vector<16xi32>
    %add3A_113 = vector.broadcast %mul3A_100 : i32 to vector<16xi32>
    %add3A_114 = arith.addi %get3A_112, %add3A_113 : vector<16xi32>
    %swap3A_115 = arith.constant 0 : index
    %swap3A_116 = tpu.vector_load %arg7[%swap3A_115] {strides = array<i32>} : memref<128xi32, #tpu.memory_space<vmem>>, vector<16xi32>,
    %swap3A_117 = vector.shape_cast %swap3A_116 : vector<16xi32> to vector<16xi32>
    %swap3A_118 = vector.shape_cast %add3A_114 : vector<16xi32> to vector<16xi32>
    tpu.vector_store %arg7[%swap3A_115], %swap3A_118 {strides = array<i32>} : memref<128xi32, #tpu.memory_space<vmem>>, vector<16xi32>,
    %get3A_119 = arith.constant 16 : index
    %get3A_120 = tpu.vector_load %arg6[%get3A_119] {strides = array<i32>} : memref<128xi32, #tpu.memory_space<vmem>>, vector<16xi32>,
    %get3A_121 = vector.shape_cast %get3A_120 : vector<16xi32> to vector<16xi32>
    %add3A_122 = vector.broadcast %mul3A_100 : i32 to vector<16xi32>
    %add3A_123 = arith.addi %get3A_121, %add3A_122 : vector<16xi32>
    %swap3A_124 = arith.constant 16 : index
    %swap3A_125 = tpu.vector_load %arg7[%swap3A_124] {strides = array<i32>} : memref<128xi32, #tpu.memory_space<vmem>>, vector<16xi32>,
    %swap3A_126 = vector.shape_cast %swap3A_125 : vector<16xi32> to vector<16xi32>
    %swap3A_127 = vector.shape_cast %add3A_123 : vector<16xi32> to vector<16xi32>
    tpu.vector_store %arg7[%swap3A_124], %swap3A_127 {strides = array<i32>} : memref<128xi32, #tpu.memory_space<vmem>>, vector<16xi32>,
    %get3A_128 = arith.constant 32 : index
    %get3A_129 = tpu.vector_load %arg6[%get3A_128] {strides = array<i32>} : memref<128xi32, #tpu.memory_space<vmem>>, vector<16xi32>,
    %get3A_130 = vector.shape_cast %get3A_129 : vector<16xi32> to vector<16xi32>
    %add3A_131 = vector.broadcast %mul3A_100 : i32 to vector<16xi32>
    %add3A_132 = arith.addi %get3A_130, %add3A_131 : vector<16xi32>
    %swap3A_133 = arith.constant 32 : index
    %swap3A_134 = tpu.vector_load %arg7[%swap3A_133] {strides = array<i32>} : memref<128xi32, #tpu.memory_space<vmem>>, vector<16xi32>,
    %swap3A_135 = vector.shape_cast %swap3A_134 : vector<16xi32> to vector<16xi32>
    %swap3A_136 = vector.shape_cast %add3A_132 : vector<16xi32> to vector<16xi32>
    tpu.vector_store %arg7[%swap3A_133], %swap3A_136 {strides = array<i32>} : memref<128xi32, #tpu.memory_space<vmem>>, vector<16xi32>,
    %get3A_137 = arith.constant 48 : index
    %get3A_138 = tpu.vector_load %arg6[%get3A_137] {strides = array<i32>} : memref<128xi32, #tpu.memory_space<vmem>>, vector<16xi32>,
    %get3A_139 = vector.shape_cast %get3A_138 : vector<16xi32> to vector<16xi32>
    %add3A_140 = vector.broadcast %mul3A_100 : i32 to vector<16xi32>
    %add3A_141 = arith.addi %get3A_139, %add3A_140 : vector<16xi32>
    %swap3A_142 = arith.constant 48 : index
    %swap3A_143 = tpu.vector_load %arg7[%swap3A_142] {strides = array<i32>} : memref<128xi32, #tpu.memory_space<vmem>>, vector<16xi32>,
    %swap3A_144 = vector.shape_cast %swap3A_143 : vector<16xi32> to vector<16xi32>
    %swap3A_145 = vector.shape_cast %add3A_141 : vector<16xi32> to vector<16xi32>
    tpu.vector_store %arg7[%swap3A_142], %swap3A_145 {strides = array<i32>} : memref<128xi32, #tpu.memory_space<vmem>>, vector<16xi32>,
    %get3A_146 = arith.constant 64 : index
    %get3A_147 = tpu.vector_load %arg6[%get3A_146] {strides = array<i32>} : memref<128xi32, #tpu.memory_space<vmem>>, vector<16xi32>,
    %get3A_148 = vector.shape_cast %get3A_147 : vector<16xi32> to vector<16xi32>
    %add3A_149 = vector.broadcast %mul3A_100 : i32 to vector<16xi32>
    %add3A_150 = arith.addi %get3A_148, %add3A_149 : vector<16xi32>
    %swap3A_151 = arith.constant 64 : index
    %swap3A_152 = tpu.vector_load %arg7[%swap3A_151] {strides = array<i32>} : memref<128xi32, #tpu.memory_space<vmem>>, vector<16xi32>,
    %swap3A_153 = vector.shape_cast %swap3A_152 : vector<16xi32> to vector<16xi32>
    %swap3A_154 = vector.shape_cast %add3A_150 : vector<16xi32> to vector<16xi32>
    tpu.vector_store %arg7[%swap3A_151], %swap3A_154 {strides = array<i32>} : memref<128xi32, #tpu.memory_space<vmem>>, vector<16xi32>,
    %get3A_155 = arith.constant 80 : index
    %get3A_156 = tpu.vector_load %arg6[%get3A_155] {strides = array<i32>} : memref<128xi32, #tpu.memory_space<vmem>>, vector<16xi32>,
    %get3A_157 = vector.shape_cast %get3A_156 : vector<16xi32> to vector<16xi32>
    %add3A_158 = vector.broadcast %mul3A_100 : i32 to vector<16xi32>
    %add3A_159 = arith.addi %get3A_157, %add3A_158 : vector<16xi32>
    %swap3A_160 = arith.constant 80 : index
    %swap3A_161 = tpu.vector_load %arg7[%swap3A_160] {strides = array<i32>} : memref<128xi32, #tpu.memory_space<vmem>>, vector<16xi32>,
    %swap3A_162 = vector.shape_cast %swap3A_161 : vector<16xi32> to vector<16xi32>
    %swap3A_163 = vector.shape_cast %add3A_159 : vector<16xi32> to vector<16xi32>
    tpu.vector_store %arg7[%swap3A_160], %swap3A_163 {strides = array<i32>} : memref<128xi32, #tpu.memory_space<vmem>>, vector<16xi32>,
    %get3A_164 = arith.constant 96 : index
    %get3A_165 = tpu.vector_load %arg6[%get3A_164] {strides = array<i32>} : memref<128xi32, #tpu.memory_space<vmem>>, vector<16xi32>,
    %get3A_166 = vector.shape_cast %get3A_165 : vector<16xi32> to vector<16xi32>
    %add3A_167 = vector.broadcast %mul3A_100 : i32 to vector<16xi32>
    %add3A_168 = arith.addi %get3A_166, %add3A_167 : vector<16xi32>
    %swap3A_169 = arith.constant 96 : index
    %swap3A_170 = tpu.vector_load %arg7[%swap3A_169] {strides = array<i32>} : memref<128xi32, #tpu.memory_space<vmem>>, vector<16xi32>,
    %swap3A_171 = vector.shape_cast %swap3A_170 : vector<16xi32> to vector<16xi32>
    %swap3A_172 = vector.shape_cast %add3A_168 : vector<16xi32> to vector<16xi32>
    tpu.vector_store %arg7[%swap3A_169], %swap3A_172 {strides = array<i32>} : memref<128xi32, #tpu.memory_space<vmem>>, vector<16xi32>,
    %get3A_173 = arith.constant 112 : index
    %get3A_174 = tpu.vector_load %arg6[%get3A_173] {strides = array<i32>} : memref<128xi32, #tpu.memory_space<vmem>>, vector<16xi32>,
    %get3A_175 = vector.shape_cast %get3A_174 : vector<16xi32> to vector<16xi32>
    %add3A_176 = vector.broadcast %mul3A_100 : i32 to vector<16xi32>
    %add3A_177 = arith.addi %get3A_175, %add3A_176 : vector<16xi32>
    %swap3A_178 = arith.constant 112 : index
    %swap3A_179 = tpu.vector_load %arg7[%swap3A_178] {strides = array<i32>} : memref<128xi32, #tpu.memory_space<vmem>>, vector<16xi32>,
    %swap3A_180 = vector.shape_cast %swap3A_179 : vector<16xi32> to vector<16xi32>
    %swap3A_181 = vector.shape_cast %add3A_177 : vector<16xi32> to vector<16xi32>
    tpu.vector_store %arg7[%swap3A_178], %swap3A_181 {strides = array<i32>} : memref<128xi32, #tpu.memory_space<vmem>>, vector<16xi32>,
    "tpu.region"() ({
      %run_scoped3A = tpu.sem_alloc : memref<!tpu.dma_semaphore, #tpu.memory_space<semaphore_mem>>
      %dma_start3A_198 = tpu.memref_slice %arg4[%multiple_of3A_109] : memref<163840xi32, #tpu.memory_space<hbm>> -> memref<128xi32, #tpu.memory_space<hbm>>
      %dma_start3A_199 = tpu.memref_slice %arg4[%multiple_of3A_109] : memref<163840xi32, #tpu.memory_space<hbm>> -> memref<128xi32, #tpu.memory_space<hbm>>
      tpu.enqueue_dma source(%dma_start3A_199 : memref<128xi32, #tpu.memory_space<hbm>>) target(%arg8 : memref<128xi32, #tpu.memory_space<vmem>>) target_semaphore(%run_scoped3A : memref<!tpu.dma_semaphore, #tpu.memory_space<semaphore_mem>>)
      %dma_wait3A = tpu.memref_slice %arg4[%multiple_of3A_109] : memref<163840xi32, #tpu.memory_space<hbm>> -> memref<128xi32, #tpu.memory_space<hbm>>
      %dma_wait3A_200 = tpu.memref_slice %arg4[%multiple_of3A_109] : memref<163840xi32, #tpu.memory_space<hbm>> -> memref<128xi32, #tpu.memory_space<hbm>>
      tpu.wait_dma2 semaphore(%run_scoped3A : memref<!tpu.dma_semaphore, #tpu.memory_space<semaphore_mem>>) src(%dma_wait3A_200 : memref<128xi32, #tpu.memory_space<hbm>>) dst(%arg8 : memref<128xi32, #tpu.memory_space<vmem>>)
      tpu.yield
    }) : () -> ()
    %dma_start3A_182 = arith.constant 0 : i32
    %dma_start3A_183 = arith.constant 0 : i32
    %dma_start3A_184 = tpu.memref_slice %arg2[%dma_start3A_182, %dma_start3A_183] : memref<40960x128xf32, #tpu.memory_space<hbm>> -> memref<40960x128xf32, #tpu.memory_space<hbm>>
    tpu.enqueue_indirect_dma source(%dma_start3A_184 : memref<40960x128xf32, #tpu.memory_space<hbm>>) target(%arg9 : memref<128x128xf32, #tpu.memory_space<vmem>>) offsets(%arg7 : memref<128xi32, #tpu.memory_space<vmem>>) semaphore(%arg10 : memref<!tpu.dma_semaphore, #tpu.memory_space<semaphore_mem>>)
    %scan3A_185 = arith.constant 0 : i32
    %scan3A_186 = arith.constant 0 : i32
    %scan3A_187 = arith.constant 40 : i32
    %scan3A_188 = arith.addi %scan3A_186, %scan3A_187 : i32
    %scan3A_189 = arith.constant 1 : i32
    scf.for %scan3A_198 = %scan3A_186 to %scan3A_188 step %scan3A_189  : i32 {
      %mul3A_199 = arith.constant 2 : i32
      %mul3A_200 = arith.muli %mul3A_199, %scan3A_198 : i32
      %mul3A_201 = arith.constant 128 : i32
      %mul3A_202 = arith.muli %mul3A_200, %mul3A_201 : i32
      %add3A_203 = arith.addi %mul3A_108, %mul3A_202 : i32
      %multiple_of3A_204 = tpu.assume_multiple %add3A_203, 8 : i32
      %add3A_205 = arith.constant 128 : i32
      %add3A_206 = arith.addi %multiple_of3A_204, %add3A_205 : i32
      "tpu.region"() ({
        %run_scoped3A = tpu.sem_alloc : memref<!tpu.dma_semaphore, #tpu.memory_space<semaphore_mem>>
        %dma_start3A_289 = tpu.memref_slice %arg3[%add3A_206] : memref<163840xi32, #tpu.memory_space<hbm>> -> memref<128xi32, #tpu.memory_space<hbm>>
        %dma_start3A_290 = tpu.memref_slice %arg3[%add3A_206] : memref<163840xi32, #tpu.memory_space<hbm>> -> memref<128xi32, #tpu.memory_space<hbm>>
        tpu.enqueue_dma source(%dma_start3A_290 : memref<128xi32, #tpu.memory_space<hbm>>) target(%arg11 : memref<128xi32, #tpu.memory_space<vmem>>) target_semaphore(%run_scoped3A : memref<!tpu.dma_semaphore, #tpu.memory_space<semaphore_mem>>)
        %dma_wait3A_291 = tpu.memref_slice %arg3[%add3A_206] : memref<163840xi32, #tpu.memory_space<hbm>> -> memref<128xi32, #tpu.memory_space<hbm>>
        %dma_wait3A_292 = tpu.memref_slice %arg3[%add3A_206] : memref<163840xi32, #tpu.memory_space<hbm>> -> memref<128xi32, #tpu.memory_space<hbm>>
        tpu.wait_dma2 semaphore(%run_scoped3A : memref<!tpu.dma_semaphore, #tpu.memory_space<semaphore_mem>>) src(%dma_wait3A_292 : memref<128xi32, #tpu.memory_space<hbm>>) dst(%arg11 : memref<128xi32, #tpu.memory_space<vmem>>)
        tpu.yield
      }) : () -> ()
      %get3A_207 = arith.constant 0 : index
      %get3A_208 = tpu.vector_load %arg11[%get3A_207] {strides = array<i32>} : memref<128xi32, #tpu.memory_space<vmem>>, vector<16xi32>,
      %get3A_209 = vector.shape_cast %get3A_208 : vector<16xi32> to vector<16xi32>
      %add3A_210 = vector.broadcast %mul3A_100 : i32 to vector<16xi32>
      %add3A_211 = arith.addi %get3A_209, %add3A_210 : vector<16xi32>
      %swap3A_212 = arith.constant 0 : index
      %swap3A_213 = tpu.vector_load %arg12[%swap3A_212] {strides = array<i32>} : memref<128xi32, #tpu.memory_space<vmem>>, vector<16xi32>,
      %swap3A_214 = vector.shape_cast %swap3A_213 : vector<16xi32> to vector<16xi32>
      %swap3A_215 = vector.shape_cast %add3A_211 : vector<16xi32> to vector<16xi32>
      tpu.vector_store %arg12[%swap3A_212], %swap3A_215 {strides = array<i32>} : memref<128xi32, #tpu.memory_space<vmem>>, vector<16xi32>,
      %get3A_216 = arith.constant 16 : index
      %get3A_217 = tpu.vector_load %arg11[%get3A_216] {strides = array<i32>} : memref<128xi32, #tpu.memory_space<vmem>>, vector<16xi32>,
      %get3A_218 = vector.shape_cast %get3A_217 : vector<16xi32> to vector<16xi32>
      %add3A_219 = vector.broadcast %mul3A_100 : i32 to vector<16xi32>
      %add3A_220 = arith.addi %get3A_218, %add3A_219 : vector<16xi32>
      %swap3A_221 = arith.constant 16 : index
      %swap3A_222 = tpu.vector_load %arg12[%swap3A_221] {strides = array<i32>} : memref<128xi32, #tpu.memory_space<vmem>>, vector<16xi32>,
      %swap3A_223 = vector.shape_cast %swap3A_222 : vector<16xi32> to vector<16xi32>
      %swap3A_224 = vector.shape_cast %add3A_220 : vector<16xi32> to vector<16xi32>
      tpu.vector_store %arg12[%swap3A_221], %swap3A_224 {strides = array<i32>} : memref<128xi32, #tpu.memory_space<vmem>>, vector<16xi32>,
      %get3A_225 = arith.constant 32 : index
      %get3A_226 = tpu.vector_load %arg11[%get3A_225] {strides = array<i32>} : memref<128xi32, #tpu.memory_space<vmem>>, vector<16xi32>,
      %get3A_227 = vector.shape_cast %get3A_226 : vector<16xi32> to vector<16xi32>
      %add3A_228 = vector.broadcast %mul3A_100 : i32 to vector<16xi32>
      %add3A_229 = arith.addi %get3A_227, %add3A_228 : vector<16xi32>
      %swap3A_230 = arith.constant 32 : index
      %swap3A_231 = tpu.vector_load %arg12[%swap3A_230] {strides = array<i32>} : memref<128xi32, #tpu.memory_space<vmem>>, vector<16xi32>,
      %swap3A_232 = vector.shape_cast %swap3A_231 : vector<16xi32> to vector<16xi32>
      %swap3A_233 = vector.shape_cast %add3A_229 : vector<16xi32> to vector<16xi32>
      tpu.vector_store %arg12[%swap3A_230], %swap3A_233 {strides = array<i32>} : memref<128xi32, #tpu.memory_space<vmem>>, vector<16xi32>,
      %get3A_234 = arith.constant 48 : index
      %get3A_235 = tpu.vector_load %arg11[%get3A_234] {strides = array<i32>} : memref<128xi32, #tpu.memory_space<vmem>>, vector<16xi32>,
      %get3A_236 = vector.shape_cast %get3A_235 : vector<16xi32> to vector<16xi32>
      %add3A_237 = vector.broadcast %mul3A_100 : i32 to vector<16xi32>
      %add3A_238 = arith.addi %get3A_236, %add3A_237 : vector<16xi32>
      %swap3A_239 = arith.constant 48 : index
      %swap3A_240 = tpu.vector_load %arg12[%swap3A_239] {strides = array<i32>} : memref<128xi32, #tpu.memory_space<vmem>>, vector<16xi32>,
      %swap3A_241 = vector.shape_cast %swap3A_240 : vector<16xi32> to vector<16xi32>
      %swap3A_242 = vector.shape_cast %add3A_238 : vector<16xi32> to vector<16xi32>
      tpu.vector_store %arg12[%swap3A_239], %swap3A_242 {strides = array<i32>} : memref<128xi32, #tpu.memory_space<vmem>>, vector<16xi32>,
      %get3A_243 = arith.constant 64 : index
      %get3A_244 = tpu.vector_load %arg11[%get3A_243] {strides = array<i32>} : memref<128xi32, #tpu.memory_space<vmem>>, vector<16xi32>,
      %get3A_245 = vector.shape_cast %get3A_244 : vector<16xi32> to vector<16xi32>
      %add3A_246 = vector.broadcast %mul3A_100 : i32 to vector<16xi32>
      %add3A_247 = arith.addi %get3A_245, %add3A_246 : vector<16xi32>
      %swap3A_248 = arith.constant 64 : index
      %swap3A_249 = tpu.vector_load %arg12[%swap3A_248] {strides = array<i32>} : memref<128xi32, #tpu.memory_space<vmem>>, vector<16xi32>,
      %swap3A_250 = vector.shape_cast %swap3A_249 : vector<16xi32> to vector<16xi32>
      %swap3A_251 = vector.shape_cast %add3A_247 : vector<16xi32> to vector<16xi32>
      tpu.vector_store %arg12[%swap3A_248], %swap3A_251 {strides = array<i32>} : memref<128xi32, #tpu.memory_space<vmem>>, vector<16xi32>,
      %get3A_252 = arith.constant 80 : index
      %get3A_253 = tpu.vector_load %arg11[%get3A_252] {strides = array<i32>} : memref<128xi32, #tpu.memory_space<vmem>>, vector<16xi32>,
      %get3A_254 = vector.shape_cast %get3A_253 : vector<16xi32> to vector<16xi32>
      %add3A_255 = vector.broadcast %mul3A_100 : i32 to vector<16xi32>
      %add3A_256 = arith.addi %get3A_254, %add3A_255 : vector<16xi32>
      %swap3A_257 = arith.constant 80 : index
      %swap3A_258 = tpu.vector_load %arg12[%swap3A_257] {strides = array<i32>} : memref<128xi32, #tpu.memory_space<vmem>>, vector<16xi32>,
      %swap3A_259 = vector.shape_cast %swap3A_258 : vector<16xi32> to vector<16xi32>
      %swap3A_260 = vector.shape_cast %add3A_256 : vector<16xi32> to vector<16xi32>
      tpu.vector_store %arg12[%swap3A_257], %swap3A_260 {strides = array<i32>} : memref<128xi32, #tpu.memory_space<vmem>>, vector<16xi32>,
      %get3A_261 = arith.constant 96 : index
      %get3A_262 = tpu.vector_load %arg11[%get3A_261] {strides = array<i32>} : memref<128xi32, #tpu.memory_space<vmem>>, vector<16xi32>,
      %get3A_263 = vector.shape_cast %get3A_262 : vector<16xi32> to vector<16xi32>
      %add3A_264 = vector.broadcast %mul3A_100 : i32 to vector<16xi32>
      %add3A_265 = arith.addi %get3A_263, %add3A_264 : vector<16xi32>
      %swap3A_266 = arith.constant 96 : index
      %swap3A_267 = tpu.vector_load %arg12[%swap3A_266] {strides = array<i32>} : memref<128xi32, #tpu.memory_space<vmem>>, vector<16xi32>,
      %swap3A_268 = vector.shape_cast %swap3A_267 : vector<16xi32> to vector<16xi32>
      %swap3A_269 = vector.shape_cast %add3A_265 : vector<16xi32> to vector<16xi32>
      tpu.vector_store %arg12[%swap3A_266], %swap3A_269 {strides = array<i32>} : memref<128xi32, #tpu.memory_space<vmem>>, vector<16xi32>,
      %get3A_270 = arith.constant 112 : index
      %get3A_271 = tpu.vector_load %arg11[%get3A_270] {strides = array<i32>} : memref<128xi32, #tpu.memory_space<vmem>>, vector<16xi32>,
      %get3A_272 = vector.shape_cast %get3A_271 : vector<16xi32> to vector<16xi32>
      %add3A_273 = vector.broadcast %mul3A_100 : i32 to vector<16xi32>
      %add3A_274 = arith.addi %get3A_272, %add3A_273 : vector<16xi32>
      %swap3A_275 = arith.constant 112 : index
      %swap3A_276 = tpu.vector_load %arg12[%swap3A_275] {strides = array<i32>} : memref<128xi32, #tpu.memory_space<vmem>>, vector<16xi32>,
      %swap3A_277 = vector.shape_cast %swap3A_276 : vector<16xi32> to vector<16xi32>
      %swap3A_278 = vector.shape_cast %add3A_274 : vector<16xi32> to vector<16xi32>
      tpu.vector_store %arg12[%swap3A_275], %swap3A_278 {strides = array<i32>} : memref<128xi32, #tpu.memory_space<vmem>>, vector<16xi32>,
      "tpu.region"() ({
        %run_scoped3A = tpu.sem_alloc : memref<!tpu.dma_semaphore, #tpu.memory_space<semaphore_mem>>
        %dma_start3A_289 = tpu.memref_slice %arg4[%add3A_206] : memref<163840xi32, #tpu.memory_space<hbm>> -> memref<128xi32, #tpu.memory_space<hbm>>
        %dma_start3A_290 = tpu.memref_slice %arg4[%add3A_206] : memref<163840xi32, #tpu.memory_space<hbm>> -> memref<128xi32, #tpu.memory_space<hbm>>
        tpu.enqueue_dma source(%dma_start3A_290 : memref<128xi32, #tpu.memory_space<hbm>>) target(%arg13 : memref<128xi32, #tpu.memory_space<vmem>>) target_semaphore(%run_scoped3A : memref<!tpu.dma_semaphore, #tpu.memory_space<semaphore_mem>>)
        %dma_wait3A_291 = tpu.memref_slice %arg4[%add3A_206] : memref<163840xi32, #tpu.memory_space<hbm>> -> memref<128xi32, #tpu.memory_space<hbm>>
        %dma_wait3A_292 = tpu.memref_slice %arg4[%add3A_206] : memref<163840xi32, #tpu.memory_space<hbm>> -> memref<128xi32, #tpu.memory_space<hbm>>
        tpu.wait_dma2 semaphore(%run_scoped3A : memref<!tpu.dma_semaphore, #tpu.memory_space<semaphore_mem>>) src(%dma_wait3A_292 : memref<128xi32, #tpu.memory_space<hbm>>) dst(%arg13 : memref<128xi32, #tpu.memory_space<vmem>>)
        tpu.yield
      }) : () -> ()
      %dma_wait3A = arith.constant 0 : i32
      %dma_wait3A_279 = arith.constant 0 : i32
      %dma_wait3A_280 = tpu.memref_slice %arg2[%dma_wait3A, %dma_wait3A_279] : memref<40960x128xf32, #tpu.memory_space<hbm>> -> memref<40960x128xf32, #tpu.memory_space<hbm>>
      tpu.wait_indirect_dma semaphore(%arg10 : memref<!tpu.dma_semaphore, #tpu.memory_space<semaphore_mem>>) src(%dma_wait3A_280 : memref<40960x128xf32, #tpu.memory_space<hbm>>) dst(%arg9 : memref<128x128xf32, #tpu.memory_space<vmem>>)
      %dma_start3A_281 = arith.constant 0 : i32
      %dma_start3A_282 = arith.constant 0 : i32
      %dma_start3A_283 = tpu.memref_slice %arg2[%dma_start3A_281, %dma_start3A_282] : memref<40960x128xf32, #tpu.memory_space<hbm>> -> memref<40960x128xf32, #tpu.memory_space<hbm>>
      tpu.enqueue_indirect_dma source(%dma_start3A_283 : memref<40960x128xf32, #tpu.memory_space<hbm>>) target(%arg14 : memref<128x128xf32, #tpu.memory_space<vmem>>) offsets(%arg12 : memref<128xi32, #tpu.memory_space<vmem>>) semaphore(%arg15 : memref<!tpu.dma_semaphore, #tpu.memory_space<semaphore_mem>>)
      "tpu.region"() ({
        %run_scoped3A = tpu.sem_alloc : memref<!tpu.dma_semaphore, #tpu.memory_space<semaphore_mem>>
        %dma_start3A_289 = arith.constant 0 : i32
        %dma_start3A_290 = arith.constant 0 : i32
        %dma_start3A_291 = tpu.memref_slice %arg16[%dma_start3A_289, %dma_start3A_290] : memref<10240x128xf32, #tpu.memory_space<vmem_shared>> -> memref<10240x128xf32, #tpu.memory_space<vmem_shared>>
        tpu.enqueue_indirect_dma source(%arg9 : memref<128x128xf32, #tpu.memory_space<vmem>>) target(%dma_start3A_291 : memref<10240x128xf32, #tpu.memory_space<vmem_shared>>) offsets(%arg8 : memref<128xi32, #tpu.memory_space<vmem>>) semaphore(%run_scoped3A : memref<!tpu.dma_semaphore, #tpu.memory_space<semaphore_mem>>) {add = true}
        %dma_wait3A_292 = arith.constant 0 : i32
        %dma_wait3A_293 = arith.constant 0 : i32
        %dma_wait3A_294 = tpu.memref_slice %arg16[%dma_wait3A_292, %dma_wait3A_293] : memref<10240x128xf32, #tpu.memory_space<vmem_shared>> -> memref<10240x128xf32, #tpu.memory_space<vmem_shared>>
        tpu.wait_indirect_dma semaphore(%run_scoped3A : memref<!tpu.dma_semaphore, #tpu.memory_space<semaphore_mem>>) src(%arg9 : memref<128x128xf32, #tpu.memory_space<vmem>>) dst(%dma_wait3A_294 : memref<10240x128xf32, #tpu.memory_space<vmem_shared>>)
        tpu.yield
      }) : () -> ()
      %lt3A = arith.constant 39 : i32
      %lt3A_284 = arith.cmpi slt, %scan3A_198, %lt3A : i32
      %convert_element_type3A = arith.extui %lt3A_284 : i1 to i32
      %cond3A = arith.constant 0 : i32
      %cond3A_285 = arith.cmpi ne, %convert_element_type3A, %cond3A : i32
      scf.if %cond3A_285 {
        %add3A_289 = arith.constant 256 : i32
        %add3A_290 = arith.addi %multiple_of3A_204, %add3A_289 : i32
        "tpu.region"() ({
          %run_scoped3A = tpu.sem_alloc : memref<!tpu.dma_semaphore, #tpu.memory_space<semaphore_mem>>
          %dma_start3A_366 = tpu.memref_slice %arg3[%add3A_290] : memref<163840xi32, #tpu.memory_space<hbm>> -> memref<128xi32, #tpu.memory_space<hbm>>
          %dma_start3A_367 = tpu.memref_slice %arg3[%add3A_290] : memref<163840xi32, #tpu.memory_space<hbm>> -> memref<128xi32, #tpu.memory_space<hbm>>
          tpu.enqueue_dma source(%dma_start3A_367 : memref<128xi32, #tpu.memory_space<hbm>>) target(%arg6 : memref<128xi32, #tpu.memory_space<vmem>>) target_semaphore(%run_scoped3A : memref<!tpu.dma_semaphore, #tpu.memory_space<semaphore_mem>>)
          %dma_wait3A_368 = tpu.memref_slice %arg3[%add3A_290] : memref<163840xi32, #tpu.memory_space<hbm>> -> memref<128xi32, #tpu.memory_space<hbm>>
          %dma_wait3A_369 = tpu.memref_slice %arg3[%add3A_290] : memref<163840xi32, #tpu.memory_space<hbm>> -> memref<128xi32, #tpu.memory_space<hbm>>
          tpu.wait_dma2 semaphore(%run_scoped3A : memref<!tpu.dma_semaphore, #tpu.memory_space<semaphore_mem>>) src(%dma_wait3A_369 : memref<128xi32, #tpu.memory_space<hbm>>) dst(%arg6 : memref<128xi32, #tpu.memory_space<vmem>>)
          tpu.yield
        }) : () -> ()
        %get3A_291 = arith.constant 0 : index
        %get3A_292 = tpu.vector_load %arg6[%get3A_291] {strides = array<i32>} : memref<128xi32, #tpu.memory_space<vmem>>, vector<16xi32>,
        %get3A_293 = vector.shape_cast %get3A_292 : vector<16xi32> to vector<16xi32>
        %add3A_294 = vector.broadcast %mul3A_100 : i32 to vector<16xi32>
        %add3A_295 = arith.addi %get3A_293, %add3A_294 : vector<16xi32>
        %swap3A_296 = arith.constant 0 : index
        %swap3A_297 = tpu.vector_load %arg7[%swap3A_296] {strides = array<i32>} : memref<128xi32, #tpu.memory_space<vmem>>, vector<16xi32>,
        %swap3A_298 = vector.shape_cast %swap3A_297 : vector<16xi32> to vector<16xi32>
        %swap3A_299 = vector.shape_cast %add3A_295 : vector<16xi32> to vector<16xi32>
        tpu.vector_store %arg7[%swap3A_296], %swap3A_299 {strides = array<i32>} : memref<128xi32, #tpu.memory_space<vmem>>, vector<16xi32>,
        %get3A_300 = arith.constant 16 : index
        %get3A_301 = tpu.vector_load %arg6[%get3A_300] {strides = array<i32>} : memref<128xi32, #tpu.memory_space<vmem>>, vector<16xi32>,
        %get3A_302 = vector.shape_cast %get3A_301 : vector<16xi32> to vector<16xi32>
        %add3A_303 = vector.broadcast %mul3A_100 : i32 to vector<16xi32>
        %add3A_304 = arith.addi %get3A_302, %add3A_303 : vector<16xi32>
        %swap3A_305 = arith.constant 16 : index
        %swap3A_306 = tpu.vector_load %arg7[%swap3A_305] {strides = array<i32>} : memref<128xi32, #tpu.memory_space<vmem>>, vector<16xi32>,
        %swap3A_307 = vector.shape_cast %swap3A_306 : vector<16xi32> to vector<16xi32>
        %swap3A_308 = vector.shape_cast %add3A_304 : vector<16xi32> to vector<16xi32>
        tpu.vector_store %arg7[%swap3A_305], %swap3A_308 {strides = array<i32>} : memref<128xi32, #tpu.memory_space<vmem>>, vector<16xi32>,
        %get3A_309 = arith.constant 32 : index
        %get3A_310 = tpu.vector_load %arg6[%get3A_309] {strides = array<i32>} : memref<128xi32, #tpu.memory_space<vmem>>, vector<16xi32>,
        %get3A_311 = vector.shape_cast %get3A_310 : vector<16xi32> to vector<16xi32>
        %add3A_312 = vector.broadcast %mul3A_100 : i32 to vector<16xi32>
        %add3A_313 = arith.addi %get3A_311, %add3A_312 : vector<16xi32>
        %swap3A_314 = arith.constant 32 : index
        %swap3A_315 = tpu.vector_load %arg7[%swap3A_314] {strides = array<i32>} : memref<128xi32, #tpu.memory_space<vmem>>, vector<16xi32>,
        %swap3A_316 = vector.shape_cast %swap3A_315 : vector<16xi32> to vector<16xi32>
        %swap3A_317 = vector.shape_cast %add3A_313 : vector<16xi32> to vector<16xi32>
        tpu.vector_store %arg7[%swap3A_314], %swap3A_317 {strides = array<i32>} : memref<128xi32, #tpu.memory_space<vmem>>, vector<16xi32>,
        %get3A_318 = arith.constant 48 : index
        %get3A_319 = tpu.vector_load %arg6[%get3A_318] {strides = array<i32>} : memref<128xi32, #tpu.memory_space<vmem>>, vector<16xi32>,
        %get3A_320 = vector.shape_cast %get3A_319 : vector<16xi32> to vector<16xi32>
        %add3A_321 = vector.broadcast %mul3A_100 : i32 to vector<16xi32>
        %add3A_322 = arith.addi %get3A_320, %add3A_321 : vector<16xi32>
        %swap3A_323 = arith.constant 48 : index
        %swap3A_324 = tpu.vector_load %arg7[%swap3A_323] {strides = array<i32>} : memref<128xi32, #tpu.memory_space<vmem>>, vector<16xi32>,
        %swap3A_325 = vector.shape_cast %swap3A_324 : vector<16xi32> to vector<16xi32>
        %swap3A_326 = vector.shape_cast %add3A_322 : vector<16xi32> to vector<16xi32>
        tpu.vector_store %arg7[%swap3A_323], %swap3A_326 {strides = array<i32>} : memref<128xi32, #tpu.memory_space<vmem>>, vector<16xi32>,
        %get3A_327 = arith.constant 64 : index
        %get3A_328 = tpu.vector_load %arg6[%get3A_327] {strides = array<i32>} : memref<128xi32, #tpu.memory_space<vmem>>, vector<16xi32>,
        %get3A_329 = vector.shape_cast %get3A_328 : vector<16xi32> to vector<16xi32>
        %add3A_330 = vector.broadcast %mul3A_100 : i32 to vector<16xi32>
        %add3A_331 = arith.addi %get3A_329, %add3A_330 : vector<16xi32>
        %swap3A_332 = arith.constant 64 : index
        %swap3A_333 = tpu.vector_load %arg7[%swap3A_332] {strides = array<i32>} : memref<128xi32, #tpu.memory_space<vmem>>, vector<16xi32>,
        %swap3A_334 = vector.shape_cast %swap3A_333 : vector<16xi32> to vector<16xi32>
        %swap3A_335 = vector.shape_cast %add3A_331 : vector<16xi32> to vector<16xi32>
        tpu.vector_store %arg7[%swap3A_332], %swap3A_335 {strides = array<i32>} : memref<128xi32, #tpu.memory_space<vmem>>, vector<16xi32>,
        %get3A_336 = arith.constant 80 : index
        %get3A_337 = tpu.vector_load %arg6[%get3A_336] {strides = array<i32>} : memref<128xi32, #tpu.memory_space<vmem>>, vector<16xi32>,
        %get3A_338 = vector.shape_cast %get3A_337 : vector<16xi32> to vector<16xi32>
        %add3A_339 = vector.broadcast %mul3A_100 : i32 to vector<16xi32>
        %add3A_340 = arith.addi %get3A_338, %add3A_339 : vector<16xi32>
        %swap3A_341 = arith.constant 80 : index
        %swap3A_342 = tpu.vector_load %arg7[%swap3A_341] {strides = array<i32>} : memref<128xi32, #tpu.memory_space<vmem>>, vector<16xi32>,
        %swap3A_343 = vector.shape_cast %swap3A_342 : vector<16xi32> to vector<16xi32>
        %swap3A_344 = vector.shape_cast %add3A_340 : vector<16xi32> to vector<16xi32>
        tpu.vector_store %arg7[%swap3A_341], %swap3A_344 {strides = array<i32>} : memref<128xi32, #tpu.memory_space<vmem>>, vector<16xi32>,
        %get3A_345 = arith.constant 96 : index
        %get3A_346 = tpu.vector_load %arg6[%get3A_345] {strides = array<i32>} : memref<128xi32, #tpu.memory_space<vmem>>, vector<16xi32>,
        %get3A_347 = vector.shape_cast %get3A_346 : vector<16xi32> to vector<16xi32>
        %add3A_348 = vector.broadcast %mul3A_100 : i32 to vector<16xi32>
        %add3A_349 = arith.addi %get3A_347, %add3A_348 : vector<16xi32>
        %swap3A_350 = arith.constant 96 : index
        %swap3A_351 = tpu.vector_load %arg7[%swap3A_350] {strides = array<i32>} : memref<128xi32, #tpu.memory_space<vmem>>, vector<16xi32>,
        %swap3A_352 = vector.shape_cast %swap3A_351 : vector<16xi32> to vector<16xi32>
        %swap3A_353 = vector.shape_cast %add3A_349 : vector<16xi32> to vector<16xi32>
        tpu.vector_store %arg7[%swap3A_350], %swap3A_353 {strides = array<i32>} : memref<128xi32, #tpu.memory_space<vmem>>, vector<16xi32>,
        %get3A_354 = arith.constant 112 : index
        %get3A_355 = tpu.vector_load %arg6[%get3A_354] {strides = array<i32>} : memref<128xi32, #tpu.memory_space<vmem>>, vector<16xi32>,
        %get3A_356 = vector.shape_cast %get3A_355 : vector<16xi32> to vector<16xi32>
        %add3A_357 = vector.broadcast %mul3A_100 : i32 to vector<16xi32>
        %add3A_358 = arith.addi %get3A_356, %add3A_357 : vector<16xi32>
        %swap3A_359 = arith.constant 112 : index
        %swap3A_360 = tpu.vector_load %arg7[%swap3A_359] {strides = array<i32>} : memref<128xi32, #tpu.memory_space<vmem>>, vector<16xi32>,
        %swap3A_361 = vector.shape_cast %swap3A_360 : vector<16xi32> to vector<16xi32>
        %swap3A_362 = vector.shape_cast %add3A_358 : vector<16xi32> to vector<16xi32>
        tpu.vector_store %arg7[%swap3A_359], %swap3A_362 {strides = array<i32>} : memref<128xi32, #tpu.memory_space<vmem>>, vector<16xi32>,
        "tpu.region"() ({
          %run_scoped3A = tpu.sem_alloc : memref<!tpu.dma_semaphore, #tpu.memory_space<semaphore_mem>>
          %dma_start3A_366 = tpu.memref_slice %arg4[%add3A_290] : memref<163840xi32, #tpu.memory_space<hbm>> -> memref<128xi32, #tpu.memory_space<hbm>>
          %dma_start3A_367 = tpu.memref_slice %arg4[%add3A_290] : memref<163840xi32, #tpu.memory_space<hbm>> -> memref<128xi32, #tpu.memory_space<hbm>>
          tpu.enqueue_dma source(%dma_start3A_367 : memref<128xi32, #tpu.memory_space<hbm>>) target(%arg8 : memref<128xi32, #tpu.memory_space<vmem>>) target_semaphore(%run_scoped3A : memref<!tpu.dma_semaphore, #tpu.memory_space<semaphore_mem>>)
          %dma_wait3A_368 = tpu.memref_slice %arg4[%add3A_290] : memref<163840xi32, #tpu.memory_space<hbm>> -> memref<128xi32, #tpu.memory_space<hbm>>
          %dma_wait3A_369 = tpu.memref_slice %arg4[%add3A_290] : memref<163840xi32, #tpu.memory_space<hbm>> -> memref<128xi32, #tpu.memory_space<hbm>>
          tpu.wait_dma2 semaphore(%run_scoped3A : memref<!tpu.dma_semaphore, #tpu.memory_space<semaphore_mem>>) src(%dma_wait3A_369 : memref<128xi32, #tpu.memory_space<hbm>>) dst(%arg8 : memref<128xi32, #tpu.memory_space<vmem>>)
          tpu.yield
        }) : () -> ()
        %dma_start3A_363 = arith.constant 0 : i32
        %dma_start3A_364 = arith.constant 0 : i32
        %dma_start3A_365 = tpu.memref_slice %arg2[%dma_start3A_363, %dma_start3A_364] : memref<40960x128xf32, #tpu.memory_space<hbm>> -> memref<40960x128xf32, #tpu.memory_space<hbm>>
        tpu.enqueue_indirect_dma source(%dma_start3A_365 : memref<40960x128xf32, #tpu.memory_space<hbm>>) target(%arg9 : memref<128x128xf32, #tpu.memory_space<vmem>>) offsets(%arg7 : memref<128xi32, #tpu.memory_space<vmem>>) semaphore(%arg10 : memref<!tpu.dma_semaphore, #tpu.memory_space<semaphore_mem>>)
      } else {
      }
      %dma_wait3A_286 = arith.constant 0 : i32
      %dma_wait3A_287 = arith.constant 0 : i32
      %dma_wait3A_288 = tpu.memref_slice %arg2[%dma_wait3A_286, %dma_wait3A_287] : memref<40960x128xf32, #tpu.memory_space<hbm>> -> memref<40960x128xf32, #tpu.memory_space<hbm>>
      tpu.wait_indirect_dma semaphore(%arg15 : memref<!tpu.dma_semaphore, #tpu.memory_space<semaphore_mem>>) src(%dma_wait3A_288 : memref<40960x128xf32, #tpu.memory_space<hbm>>) dst(%arg14 : memref<128x128xf32, #tpu.memory_space<vmem>>)
      "tpu.region"() ({
        %run_scoped3A = tpu.sem_alloc : memref<!tpu.dma_semaphore, #tpu.memory_space<semaphore_mem>>
        %dma_start3A_289 = arith.constant 0 : i32
        %dma_start3A_290 = arith.constant 0 : i32
        %dma_start3A_291 = tpu.memref_slice %arg16[%dma_start3A_289, %dma_start3A_290] : memref<10240x128xf32, #tpu.memory_space<vmem_shared>> -> memref<10240x128xf32, #tpu.memory_space<vmem_shared>>
        tpu.enqueue_indirect_dma source(%arg14 : memref<128x128xf32, #tpu.memory_space<vmem>>) target(%dma_start3A_291 : memref<10240x128xf32, #tpu.memory_space<vmem_shared>>) offsets(%arg13 : memref<128xi32, #tpu.memory_space<vmem>>) semaphore(%run_scoped3A : memref<!tpu.dma_semaphore, #tpu.memory_space<semaphore_mem>>) {add = true}
        %dma_wait3A_292 = arith.constant 0 : i32
        %dma_wait3A_293 = arith.constant 0 : i32
        %dma_wait3A_294 = tpu.memref_slice %arg16[%dma_wait3A_292, %dma_wait3A_293] : memref<10240x128xf32, #tpu.memory_space<vmem_shared>> -> memref<10240x128xf32, #tpu.memory_space<vmem_shared>>
        tpu.wait_indirect_dma semaphore(%run_scoped3A : memref<!tpu.dma_semaphore, #tpu.memory_space<semaphore_mem>>) src(%arg14 : memref<128x128xf32, #tpu.memory_space<vmem>>) dst(%dma_wait3A_294 : memref<10240x128xf32, #tpu.memory_space<vmem_shared>>)
        tpu.yield
      }) : () -> ()
    }
    %scan3A_190 = arith.constant 40 : i32
    %barrier3A_191 = arith.constant 0 : index
    tpu.barrier barrier_id(%barrier3A_191)
    %mul3A_192 = arith.constant 640 : i32
    %mul3A_193 = arith.muli %arg1, %mul3A_192 : i32
    %mul3A_194 = arith.constant 640 : i32
    %mul3A_195 = arith.muli %arg1, %mul3A_194 : i32
    %add3A_196 = arith.addi %mul3A_100, %mul3A_195 : i32
    "tpu.region"() ({
      %run_scoped3A = tpu.sem_alloc : memref<!tpu.dma_semaphore, #tpu.memory_space<semaphore_mem>>
      %dma_start3A_198 = arith.constant 0 : i32
      %dma_start3A_199 = tpu.memref_slice %arg5[%add3A_196, %dma_start3A_198] : memref<40960x128xf32, #tpu.memory_space<hbm>> -> memref<640x128xf32, #tpu.memory_space<hbm>>
      %dma_start3A_200 = arith.constant 0 : i32
      %dma_start3A_201 = tpu.memref_slice %arg16[%mul3A_193, %dma_start3A_200] : memref<10240x128xf32, #tpu.memory_space<vmem_shared>> -> memref<640x128xf32, #tpu.memory_space<vmem_shared>>
      tpu.enqueue_dma source(%dma_start3A_201 : memref<640x128xf32, #tpu.memory_space<vmem_shared>>) target(%dma_start3A_199 : memref<640x128xf32, #tpu.memory_space<hbm>>) target_semaphore(%run_scoped3A : memref<!tpu.dma_semaphore, #tpu.memory_space<semaphore_mem>>)
      %dma_wait3A = arith.constant 0 : i32
      %dma_wait3A_202 = tpu.memref_slice %arg5[%add3A_196, %dma_wait3A] : memref<40960x128xf32, #tpu.memory_space<hbm>> -> memref<640x128xf32, #tpu.memory_space<hbm>>
      %dma_wait3A_203 = arith.constant 0 : i32
      %dma_wait3A_204 = tpu.memref_slice %arg16[%mul3A_193, %dma_wait3A_203] : memref<10240x128xf32, #tpu.memory_space<vmem_shared>> -> memref<640x128xf32, #tpu.memory_space<vmem_shared>>
      tpu.wait_dma2 semaphore(%run_scoped3A : memref<!tpu.dma_semaphore, #tpu.memory_space<semaphore_mem>>) src(%dma_wait3A_204 : memref<640x128xf32, #tpu.memory_space<vmem_shared>>) dst(%dma_wait3A_202 : memref<640x128xf32, #tpu.memory_space<hbm>>)
      tpu.yield
    }) : () -> ()
    %barrier3A_197 = arith.constant 0 : index
    tpu.barrier barrier_id(%barrier3A_197)
    return
  }
}

#map = affine_map<(d0, d1) -> (0, 0)>
#map1 = affine_map<(d0, d1) -> (0)>
module attributes {stable_mosaic.version = 14 : i64} {
  func.func @_agg_body(%arg0: i32, %arg1: i32, %arg2: memref<20480x128xf32, #tpu.memory_space<hbm>>, %arg3: memref<163840xi32, #tpu.memory_space<hbm>>, %arg4: memref<163840xi32, #tpu.memory_space<hbm>>, %arg5: memref<20480x128xf32, #tpu.memory_space<hbm>>, %arg6: memref<128xi32, #tpu.memory_space<vmem>>, %arg7: memref<128xi32, #tpu.memory_space<vmem>>, %arg8: memref<128xi32, #tpu.memory_space<vmem>>, %arg9: memref<128x128xf32, #tpu.memory_space<vmem>>, %arg10: memref<!tpu.dma_semaphore, #tpu.memory_space<semaphore_mem>>, %arg11: memref<128xi32, #tpu.memory_space<vmem>>, %arg12: memref<128xi32, #tpu.memory_space<vmem>>, %arg13: memref<128xi32, #tpu.memory_space<vmem>>, %arg14: memref<128x128xf32, #tpu.memory_space<vmem>>, %arg15: memref<!tpu.dma_semaphore, #tpu.memory_space<semaphore_mem>>, %arg16: memref<10240x128xf32, #tpu.memory_space<vmem_shared>>) attributes {dimension_semantics = [#tpu.dimension_semantics<core_parallel>, #tpu.dimension_semantics<subcore_parallel>], iteration_bounds = array<i64: 2, 16>, scalar_prefetch = 0 : i64, scratch_operands = 11 : i64, tpu.core_type = #tpu.core_type<sc_vector_subcore>, window_params = [{transform_indices = #map}, {transform_indices = #map1}, {transform_indices = #map1}, {transform_indices = #map}]} {
    %mul3A = arith.constant 1 : i32
    %mul3A_0 = arith.muli %arg0, %mul3A : i32
    %add3A = arith.constant 0 : i32
    %add3A_1 = arith.addi %mul3A_0, %add3A : i32
    %mul3A_2 = arith.constant 10240 : i32
    %mul3A_3 = arith.muli %add3A_1, %mul3A_2 : i32
    %mul3A_4 = arith.constant 640 : i32
    %mul3A_5 = arith.muli %arg1, %mul3A_4 : i32
    %add3A_6 = arith.addi %mul3A_3, %mul3A_5 : i32
    %mul3A_7 = arith.constant 640 : i32
    %mul3A_8 = arith.muli %arg1, %mul3A_7 : i32
    "tpu.region"() ({
      %run_scoped3A = tpu.sem_alloc : memref<!tpu.dma_semaphore, #tpu.memory_space<semaphore_mem>>
      %dma_start3A_95 = arith.constant 0 : i32
      %dma_start3A_96 = tpu.memref_slice %arg16[%mul3A_8, %dma_start3A_95] : memref<10240x128xf32, #tpu.memory_space<vmem_shared>> -> memref<640x128xf32, #tpu.memory_space<vmem_shared>>
      %dma_start3A_97 = arith.constant 0 : i32
      %dma_start3A_98 = tpu.memref_slice %arg2[%add3A_6, %dma_start3A_97] : memref<20480x128xf32, #tpu.memory_space<hbm>> -> memref<640x128xf32, #tpu.memory_space<hbm>>
      tpu.enqueue_dma source(%dma_start3A_98 : memref<640x128xf32, #tpu.memory_space<hbm>>) target(%dma_start3A_96 : memref<640x128xf32, #tpu.memory_space<vmem_shared>>) target_semaphore(%run_scoped3A : memref<!tpu.dma_semaphore, #tpu.memory_space<semaphore_mem>>)
      %dma_wait3A = arith.constant 0 : i32
      %dma_wait3A_99 = tpu.memref_slice %arg16[%mul3A_8, %dma_wait3A] : memref<10240x128xf32, #tpu.memory_space<vmem_shared>> -> memref<640x128xf32, #tpu.memory_space<vmem_shared>>
      %dma_wait3A_100 = arith.constant 0 : i32
      %dma_wait3A_101 = tpu.memref_slice %arg2[%add3A_6, %dma_wait3A_100] : memref<20480x128xf32, #tpu.memory_space<hbm>> -> memref<640x128xf32, #tpu.memory_space<hbm>>
      tpu.wait_dma2 semaphore(%run_scoped3A : memref<!tpu.dma_semaphore, #tpu.memory_space<semaphore_mem>>) src(%dma_wait3A_101 : memref<640x128xf32, #tpu.memory_space<hbm>>) dst(%dma_wait3A_99 : memref<640x128xf32, #tpu.memory_space<vmem_shared>>)
      tpu.yield
    }) : () -> ()
    %barrier3A = arith.constant 0 : index
    tpu.barrier barrier_id(%barrier3A)
    %mul3A_9 = arith.constant 10240 : i32
    %mul3A_10 = arith.muli %arg1, %mul3A_9 : i32
    %multiple_of3A = tpu.assume_multiple %mul3A_10, 8 : i32
    "tpu.region"() ({
      %run_scoped3A = tpu.sem_alloc : memref<!tpu.dma_semaphore, #tpu.memory_space<semaphore_mem>>
      %dma_start3A_95 = tpu.memref_slice %arg3[%multiple_of3A] : memref<163840xi32, #tpu.memory_space<hbm>> -> memref<128xi32, #tpu.memory_space<hbm>>
      %dma_start3A_96 = tpu.memref_slice %arg3[%multiple_of3A] : memref<163840xi32, #tpu.memory_space<hbm>> -> memref<128xi32, #tpu.memory_space<hbm>>
      tpu.enqueue_dma source(%dma_start3A_96 : memref<128xi32, #tpu.memory_space<hbm>>) target(%arg6 : memref<128xi32, #tpu.memory_space<vmem>>) target_semaphore(%run_scoped3A : memref<!tpu.dma_semaphore, #tpu.memory_space<semaphore_mem>>)
      %dma_wait3A = tpu.memref_slice %arg3[%multiple_of3A] : memref<163840xi32, #tpu.memory_space<hbm>> -> memref<128xi32, #tpu.memory_space<hbm>>
      %dma_wait3A_97 = tpu.memref_slice %arg3[%multiple_of3A] : memref<163840xi32, #tpu.memory_space<hbm>> -> memref<128xi32, #tpu.memory_space<hbm>>
      tpu.wait_dma2 semaphore(%run_scoped3A : memref<!tpu.dma_semaphore, #tpu.memory_space<semaphore_mem>>) src(%dma_wait3A_97 : memref<128xi32, #tpu.memory_space<hbm>>) dst(%arg6 : memref<128xi32, #tpu.memory_space<vmem>>)
      tpu.yield
    }) : () -> ()
    %get3A = arith.constant 0 : index
    %get3A_11 = tpu.vector_load %arg6[%get3A] {strides = array<i32>} : memref<128xi32, #tpu.memory_space<vmem>>, vector<16xi32>,
    %get3A_12 = vector.shape_cast %get3A_11 : vector<16xi32> to vector<16xi32>
    %add3A_13 = vector.broadcast %mul3A_3 : i32 to vector<16xi32>
    %add3A_14 = arith.addi %get3A_12, %add3A_13 : vector<16xi32>
    %swap3A = arith.constant 0 : index
    %swap3A_15 = tpu.vector_load %arg7[%swap3A] {strides = array<i32>} : memref<128xi32, #tpu.memory_space<vmem>>, vector<16xi32>,
    %swap3A_16 = vector.shape_cast %swap3A_15 : vector<16xi32> to vector<16xi32>
    %swap3A_17 = vector.shape_cast %add3A_14 : vector<16xi32> to vector<16xi32>
    tpu.vector_store %arg7[%swap3A], %swap3A_17 {strides = array<i32>} : memref<128xi32, #tpu.memory_space<vmem>>, vector<16xi32>,
    %get3A_18 = arith.constant 16 : index
    %get3A_19 = tpu.vector_load %arg6[%get3A_18] {strides = array<i32>} : memref<128xi32, #tpu.memory_space<vmem>>, vector<16xi32>,
    %get3A_20 = vector.shape_cast %get3A_19 : vector<16xi32> to vector<16xi32>
    %add3A_21 = vector.broadcast %mul3A_3 : i32 to vector<16xi32>
    %add3A_22 = arith.addi %get3A_20, %add3A_21 : vector<16xi32>
    %swap3A_23 = arith.constant 16 : index
    %swap3A_24 = tpu.vector_load %arg7[%swap3A_23] {strides = array<i32>} : memref<128xi32, #tpu.memory_space<vmem>>, vector<16xi32>,
    %swap3A_25 = vector.shape_cast %swap3A_24 : vector<16xi32> to vector<16xi32>
    %swap3A_26 = vector.shape_cast %add3A_22 : vector<16xi32> to vector<16xi32>
    tpu.vector_store %arg7[%swap3A_23], %swap3A_26 {strides = array<i32>} : memref<128xi32, #tpu.memory_space<vmem>>, vector<16xi32>,
    %get3A_27 = arith.constant 32 : index
    %get3A_28 = tpu.vector_load %arg6[%get3A_27] {strides = array<i32>} : memref<128xi32, #tpu.memory_space<vmem>>, vector<16xi32>,
    %get3A_29 = vector.shape_cast %get3A_28 : vector<16xi32> to vector<16xi32>
    %add3A_30 = vector.broadcast %mul3A_3 : i32 to vector<16xi32>
    %add3A_31 = arith.addi %get3A_29, %add3A_30 : vector<16xi32>
    %swap3A_32 = arith.constant 32 : index
    %swap3A_33 = tpu.vector_load %arg7[%swap3A_32] {strides = array<i32>} : memref<128xi32, #tpu.memory_space<vmem>>, vector<16xi32>,
    %swap3A_34 = vector.shape_cast %swap3A_33 : vector<16xi32> to vector<16xi32>
    %swap3A_35 = vector.shape_cast %add3A_31 : vector<16xi32> to vector<16xi32>
    tpu.vector_store %arg7[%swap3A_32], %swap3A_35 {strides = array<i32>} : memref<128xi32, #tpu.memory_space<vmem>>, vector<16xi32>,
    %get3A_36 = arith.constant 48 : index
    %get3A_37 = tpu.vector_load %arg6[%get3A_36] {strides = array<i32>} : memref<128xi32, #tpu.memory_space<vmem>>, vector<16xi32>,
    %get3A_38 = vector.shape_cast %get3A_37 : vector<16xi32> to vector<16xi32>
    %add3A_39 = vector.broadcast %mul3A_3 : i32 to vector<16xi32>
    %add3A_40 = arith.addi %get3A_38, %add3A_39 : vector<16xi32>
    %swap3A_41 = arith.constant 48 : index
    %swap3A_42 = tpu.vector_load %arg7[%swap3A_41] {strides = array<i32>} : memref<128xi32, #tpu.memory_space<vmem>>, vector<16xi32>,
    %swap3A_43 = vector.shape_cast %swap3A_42 : vector<16xi32> to vector<16xi32>
    %swap3A_44 = vector.shape_cast %add3A_40 : vector<16xi32> to vector<16xi32>
    tpu.vector_store %arg7[%swap3A_41], %swap3A_44 {strides = array<i32>} : memref<128xi32, #tpu.memory_space<vmem>>, vector<16xi32>,
    %get3A_45 = arith.constant 64 : index
    %get3A_46 = tpu.vector_load %arg6[%get3A_45] {strides = array<i32>} : memref<128xi32, #tpu.memory_space<vmem>>, vector<16xi32>,
    %get3A_47 = vector.shape_cast %get3A_46 : vector<16xi32> to vector<16xi32>
    %add3A_48 = vector.broadcast %mul3A_3 : i32 to vector<16xi32>
    %add3A_49 = arith.addi %get3A_47, %add3A_48 : vector<16xi32>
    %swap3A_50 = arith.constant 64 : index
    %swap3A_51 = tpu.vector_load %arg7[%swap3A_50] {strides = array<i32>} : memref<128xi32, #tpu.memory_space<vmem>>, vector<16xi32>,
    %swap3A_52 = vector.shape_cast %swap3A_51 : vector<16xi32> to vector<16xi32>
    %swap3A_53 = vector.shape_cast %add3A_49 : vector<16xi32> to vector<16xi32>
    tpu.vector_store %arg7[%swap3A_50], %swap3A_53 {strides = array<i32>} : memref<128xi32, #tpu.memory_space<vmem>>, vector<16xi32>,
    %get3A_54 = arith.constant 80 : index
    %get3A_55 = tpu.vector_load %arg6[%get3A_54] {strides = array<i32>} : memref<128xi32, #tpu.memory_space<vmem>>, vector<16xi32>,
    %get3A_56 = vector.shape_cast %get3A_55 : vector<16xi32> to vector<16xi32>
    %add3A_57 = vector.broadcast %mul3A_3 : i32 to vector<16xi32>
    %add3A_58 = arith.addi %get3A_56, %add3A_57 : vector<16xi32>
    %swap3A_59 = arith.constant 80 : index
    %swap3A_60 = tpu.vector_load %arg7[%swap3A_59] {strides = array<i32>} : memref<128xi32, #tpu.memory_space<vmem>>, vector<16xi32>,
    %swap3A_61 = vector.shape_cast %swap3A_60 : vector<16xi32> to vector<16xi32>
    %swap3A_62 = vector.shape_cast %add3A_58 : vector<16xi32> to vector<16xi32>
    tpu.vector_store %arg7[%swap3A_59], %swap3A_62 {strides = array<i32>} : memref<128xi32, #tpu.memory_space<vmem>>, vector<16xi32>,
    %get3A_63 = arith.constant 96 : index
    %get3A_64 = tpu.vector_load %arg6[%get3A_63] {strides = array<i32>} : memref<128xi32, #tpu.memory_space<vmem>>, vector<16xi32>,
    %get3A_65 = vector.shape_cast %get3A_64 : vector<16xi32> to vector<16xi32>
    %add3A_66 = vector.broadcast %mul3A_3 : i32 to vector<16xi32>
    %add3A_67 = arith.addi %get3A_65, %add3A_66 : vector<16xi32>
    %swap3A_68 = arith.constant 96 : index
    %swap3A_69 = tpu.vector_load %arg7[%swap3A_68] {strides = array<i32>} : memref<128xi32, #tpu.memory_space<vmem>>, vector<16xi32>,
    %swap3A_70 = vector.shape_cast %swap3A_69 : vector<16xi32> to vector<16xi32>
    %swap3A_71 = vector.shape_cast %add3A_67 : vector<16xi32> to vector<16xi32>
    tpu.vector_store %arg7[%swap3A_68], %swap3A_71 {strides = array<i32>} : memref<128xi32, #tpu.memory_space<vmem>>, vector<16xi32>,
    %get3A_72 = arith.constant 112 : index
    %get3A_73 = tpu.vector_load %arg6[%get3A_72] {strides = array<i32>} : memref<128xi32, #tpu.memory_space<vmem>>, vector<16xi32>,
    %get3A_74 = vector.shape_cast %get3A_73 : vector<16xi32> to vector<16xi32>
    %add3A_75 = vector.broadcast %mul3A_3 : i32 to vector<16xi32>
    %add3A_76 = arith.addi %get3A_74, %add3A_75 : vector<16xi32>
    %swap3A_77 = arith.constant 112 : index
    %swap3A_78 = tpu.vector_load %arg7[%swap3A_77] {strides = array<i32>} : memref<128xi32, #tpu.memory_space<vmem>>, vector<16xi32>,
    %swap3A_79 = vector.shape_cast %swap3A_78 : vector<16xi32> to vector<16xi32>
    %swap3A_80 = vector.shape_cast %add3A_76 : vector<16xi32> to vector<16xi32>
    tpu.vector_store %arg7[%swap3A_77], %swap3A_80 {strides = array<i32>} : memref<128xi32, #tpu.memory_space<vmem>>, vector<16xi32>,
    "tpu.region"() ({
      %run_scoped3A = tpu.sem_alloc : memref<!tpu.dma_semaphore, #tpu.memory_space<semaphore_mem>>
      %dma_start3A_95 = tpu.memref_slice %arg4[%multiple_of3A] : memref<163840xi32, #tpu.memory_space<hbm>> -> memref<128xi32, #tpu.memory_space<hbm>>
      %dma_start3A_96 = tpu.memref_slice %arg4[%multiple_of3A] : memref<163840xi32, #tpu.memory_space<hbm>> -> memref<128xi32, #tpu.memory_space<hbm>>
      tpu.enqueue_dma source(%dma_start3A_96 : memref<128xi32, #tpu.memory_space<hbm>>) target(%arg8 : memref<128xi32, #tpu.memory_space<vmem>>) target_semaphore(%run_scoped3A : memref<!tpu.dma_semaphore, #tpu.memory_space<semaphore_mem>>)
      %dma_wait3A = tpu.memref_slice %arg4[%multiple_of3A] : memref<163840xi32, #tpu.memory_space<hbm>> -> memref<128xi32, #tpu.memory_space<hbm>>
      %dma_wait3A_97 = tpu.memref_slice %arg4[%multiple_of3A] : memref<163840xi32, #tpu.memory_space<hbm>> -> memref<128xi32, #tpu.memory_space<hbm>>
      tpu.wait_dma2 semaphore(%run_scoped3A : memref<!tpu.dma_semaphore, #tpu.memory_space<semaphore_mem>>) src(%dma_wait3A_97 : memref<128xi32, #tpu.memory_space<hbm>>) dst(%arg8 : memref<128xi32, #tpu.memory_space<vmem>>)
      tpu.yield
    }) : () -> ()
    %dma_start3A = arith.constant 0 : i32
    %dma_start3A_81 = arith.constant 0 : i32
    %dma_start3A_82 = tpu.memref_slice %arg2[%dma_start3A, %dma_start3A_81] : memref<20480x128xf32, #tpu.memory_space<hbm>> -> memref<20480x128xf32, #tpu.memory_space<hbm>>
    tpu.enqueue_indirect_dma source(%dma_start3A_82 : memref<20480x128xf32, #tpu.memory_space<hbm>>) target(%arg9 : memref<128x128xf32, #tpu.memory_space<vmem>>) offsets(%arg7 : memref<128xi32, #tpu.memory_space<vmem>>) semaphore(%arg10 : memref<!tpu.dma_semaphore, #tpu.memory_space<semaphore_mem>>)
    %scan3A = arith.constant 0 : i32
    %scan3A_83 = arith.constant 0 : i32
    %scan3A_84 = arith.constant 40 : i32
    %scan3A_85 = arith.addi %scan3A_83, %scan3A_84 : i32
    %scan3A_86 = arith.constant 1 : i32
    scf.for %scan3A_95 = %scan3A_83 to %scan3A_85 step %scan3A_86  : i32 {
      %mul3A_96 = arith.constant 2 : i32
      %mul3A_97 = arith.muli %mul3A_96, %scan3A_95 : i32
      %mul3A_98 = arith.constant 128 : i32
      %mul3A_99 = arith.muli %mul3A_97, %mul3A_98 : i32
      %add3A_100 = arith.addi %mul3A_10, %mul3A_99 : i32
      %multiple_of3A_101 = tpu.assume_multiple %add3A_100, 8 : i32
      %add3A_102 = arith.constant 128 : i32
      %add3A_103 = arith.addi %multiple_of3A_101, %add3A_102 : i32
      "tpu.region"() ({
        %run_scoped3A = tpu.sem_alloc : memref<!tpu.dma_semaphore, #tpu.memory_space<semaphore_mem>>
        %dma_start3A_186 = tpu.memref_slice %arg3[%add3A_103] : memref<163840xi32, #tpu.memory_space<hbm>> -> memref<128xi32, #tpu.memory_space<hbm>>
        %dma_start3A_187 = tpu.memref_slice %arg3[%add3A_103] : memref<163840xi32, #tpu.memory_space<hbm>> -> memref<128xi32, #tpu.memory_space<hbm>>
        tpu.enqueue_dma source(%dma_start3A_187 : memref<128xi32, #tpu.memory_space<hbm>>) target(%arg11 : memref<128xi32, #tpu.memory_space<vmem>>) target_semaphore(%run_scoped3A : memref<!tpu.dma_semaphore, #tpu.memory_space<semaphore_mem>>)
        %dma_wait3A_188 = tpu.memref_slice %arg3[%add3A_103] : memref<163840xi32, #tpu.memory_space<hbm>> -> memref<128xi32, #tpu.memory_space<hbm>>
        %dma_wait3A_189 = tpu.memref_slice %arg3[%add3A_103] : memref<163840xi32, #tpu.memory_space<hbm>> -> memref<128xi32, #tpu.memory_space<hbm>>
        tpu.wait_dma2 semaphore(%run_scoped3A : memref<!tpu.dma_semaphore, #tpu.memory_space<semaphore_mem>>) src(%dma_wait3A_189 : memref<128xi32, #tpu.memory_space<hbm>>) dst(%arg11 : memref<128xi32, #tpu.memory_space<vmem>>)
        tpu.yield
      }) : () -> ()
      %get3A_104 = arith.constant 0 : index
      %get3A_105 = tpu.vector_load %arg11[%get3A_104] {strides = array<i32>} : memref<128xi32, #tpu.memory_space<vmem>>, vector<16xi32>,
      %get3A_106 = vector.shape_cast %get3A_105 : vector<16xi32> to vector<16xi32>
      %add3A_107 = vector.broadcast %mul3A_3 : i32 to vector<16xi32>
      %add3A_108 = arith.addi %get3A_106, %add3A_107 : vector<16xi32>
      %swap3A_109 = arith.constant 0 : index
      %swap3A_110 = tpu.vector_load %arg12[%swap3A_109] {strides = array<i32>} : memref<128xi32, #tpu.memory_space<vmem>>, vector<16xi32>,
      %swap3A_111 = vector.shape_cast %swap3A_110 : vector<16xi32> to vector<16xi32>
      %swap3A_112 = vector.shape_cast %add3A_108 : vector<16xi32> to vector<16xi32>
      tpu.vector_store %arg12[%swap3A_109], %swap3A_112 {strides = array<i32>} : memref<128xi32, #tpu.memory_space<vmem>>, vector<16xi32>,
      %get3A_113 = arith.constant 16 : index
      %get3A_114 = tpu.vector_load %arg11[%get3A_113] {strides = array<i32>} : memref<128xi32, #tpu.memory_space<vmem>>, vector<16xi32>,
      %get3A_115 = vector.shape_cast %get3A_114 : vector<16xi32> to vector<16xi32>
      %add3A_116 = vector.broadcast %mul3A_3 : i32 to vector<16xi32>
      %add3A_117 = arith.addi %get3A_115, %add3A_116 : vector<16xi32>
      %swap3A_118 = arith.constant 16 : index
      %swap3A_119 = tpu.vector_load %arg12[%swap3A_118] {strides = array<i32>} : memref<128xi32, #tpu.memory_space<vmem>>, vector<16xi32>,
      %swap3A_120 = vector.shape_cast %swap3A_119 : vector<16xi32> to vector<16xi32>
      %swap3A_121 = vector.shape_cast %add3A_117 : vector<16xi32> to vector<16xi32>
      tpu.vector_store %arg12[%swap3A_118], %swap3A_121 {strides = array<i32>} : memref<128xi32, #tpu.memory_space<vmem>>, vector<16xi32>,
      %get3A_122 = arith.constant 32 : index
      %get3A_123 = tpu.vector_load %arg11[%get3A_122] {strides = array<i32>} : memref<128xi32, #tpu.memory_space<vmem>>, vector<16xi32>,
      %get3A_124 = vector.shape_cast %get3A_123 : vector<16xi32> to vector<16xi32>
      %add3A_125 = vector.broadcast %mul3A_3 : i32 to vector<16xi32>
      %add3A_126 = arith.addi %get3A_124, %add3A_125 : vector<16xi32>
      %swap3A_127 = arith.constant 32 : index
      %swap3A_128 = tpu.vector_load %arg12[%swap3A_127] {strides = array<i32>} : memref<128xi32, #tpu.memory_space<vmem>>, vector<16xi32>,
      %swap3A_129 = vector.shape_cast %swap3A_128 : vector<16xi32> to vector<16xi32>
      %swap3A_130 = vector.shape_cast %add3A_126 : vector<16xi32> to vector<16xi32>
      tpu.vector_store %arg12[%swap3A_127], %swap3A_130 {strides = array<i32>} : memref<128xi32, #tpu.memory_space<vmem>>, vector<16xi32>,
      %get3A_131 = arith.constant 48 : index
      %get3A_132 = tpu.vector_load %arg11[%get3A_131] {strides = array<i32>} : memref<128xi32, #tpu.memory_space<vmem>>, vector<16xi32>,
      %get3A_133 = vector.shape_cast %get3A_132 : vector<16xi32> to vector<16xi32>
      %add3A_134 = vector.broadcast %mul3A_3 : i32 to vector<16xi32>
      %add3A_135 = arith.addi %get3A_133, %add3A_134 : vector<16xi32>
      %swap3A_136 = arith.constant 48 : index
      %swap3A_137 = tpu.vector_load %arg12[%swap3A_136] {strides = array<i32>} : memref<128xi32, #tpu.memory_space<vmem>>, vector<16xi32>,
      %swap3A_138 = vector.shape_cast %swap3A_137 : vector<16xi32> to vector<16xi32>
      %swap3A_139 = vector.shape_cast %add3A_135 : vector<16xi32> to vector<16xi32>
      tpu.vector_store %arg12[%swap3A_136], %swap3A_139 {strides = array<i32>} : memref<128xi32, #tpu.memory_space<vmem>>, vector<16xi32>,
      %get3A_140 = arith.constant 64 : index
      %get3A_141 = tpu.vector_load %arg11[%get3A_140] {strides = array<i32>} : memref<128xi32, #tpu.memory_space<vmem>>, vector<16xi32>,
      %get3A_142 = vector.shape_cast %get3A_141 : vector<16xi32> to vector<16xi32>
      %add3A_143 = vector.broadcast %mul3A_3 : i32 to vector<16xi32>
      %add3A_144 = arith.addi %get3A_142, %add3A_143 : vector<16xi32>
      %swap3A_145 = arith.constant 64 : index
      %swap3A_146 = tpu.vector_load %arg12[%swap3A_145] {strides = array<i32>} : memref<128xi32, #tpu.memory_space<vmem>>, vector<16xi32>,
      %swap3A_147 = vector.shape_cast %swap3A_146 : vector<16xi32> to vector<16xi32>
      %swap3A_148 = vector.shape_cast %add3A_144 : vector<16xi32> to vector<16xi32>
      tpu.vector_store %arg12[%swap3A_145], %swap3A_148 {strides = array<i32>} : memref<128xi32, #tpu.memory_space<vmem>>, vector<16xi32>,
      %get3A_149 = arith.constant 80 : index
      %get3A_150 = tpu.vector_load %arg11[%get3A_149] {strides = array<i32>} : memref<128xi32, #tpu.memory_space<vmem>>, vector<16xi32>,
      %get3A_151 = vector.shape_cast %get3A_150 : vector<16xi32> to vector<16xi32>
      %add3A_152 = vector.broadcast %mul3A_3 : i32 to vector<16xi32>
      %add3A_153 = arith.addi %get3A_151, %add3A_152 : vector<16xi32>
      %swap3A_154 = arith.constant 80 : index
      %swap3A_155 = tpu.vector_load %arg12[%swap3A_154] {strides = array<i32>} : memref<128xi32, #tpu.memory_space<vmem>>, vector<16xi32>,
      %swap3A_156 = vector.shape_cast %swap3A_155 : vector<16xi32> to vector<16xi32>
      %swap3A_157 = vector.shape_cast %add3A_153 : vector<16xi32> to vector<16xi32>
      tpu.vector_store %arg12[%swap3A_154], %swap3A_157 {strides = array<i32>} : memref<128xi32, #tpu.memory_space<vmem>>, vector<16xi32>,
      %get3A_158 = arith.constant 96 : index
      %get3A_159 = tpu.vector_load %arg11[%get3A_158] {strides = array<i32>} : memref<128xi32, #tpu.memory_space<vmem>>, vector<16xi32>,
      %get3A_160 = vector.shape_cast %get3A_159 : vector<16xi32> to vector<16xi32>
      %add3A_161 = vector.broadcast %mul3A_3 : i32 to vector<16xi32>
      %add3A_162 = arith.addi %get3A_160, %add3A_161 : vector<16xi32>
      %swap3A_163 = arith.constant 96 : index
      %swap3A_164 = tpu.vector_load %arg12[%swap3A_163] {strides = array<i32>} : memref<128xi32, #tpu.memory_space<vmem>>, vector<16xi32>,
      %swap3A_165 = vector.shape_cast %swap3A_164 : vector<16xi32> to vector<16xi32>
      %swap3A_166 = vector.shape_cast %add3A_162 : vector<16xi32> to vector<16xi32>
      tpu.vector_store %arg12[%swap3A_163], %swap3A_166 {strides = array<i32>} : memref<128xi32, #tpu.memory_space<vmem>>, vector<16xi32>,
      %get3A_167 = arith.constant 112 : index
      %get3A_168 = tpu.vector_load %arg11[%get3A_167] {strides = array<i32>} : memref<128xi32, #tpu.memory_space<vmem>>, vector<16xi32>,
      %get3A_169 = vector.shape_cast %get3A_168 : vector<16xi32> to vector<16xi32>
      %add3A_170 = vector.broadcast %mul3A_3 : i32 to vector<16xi32>
      %add3A_171 = arith.addi %get3A_169, %add3A_170 : vector<16xi32>
      %swap3A_172 = arith.constant 112 : index
      %swap3A_173 = tpu.vector_load %arg12[%swap3A_172] {strides = array<i32>} : memref<128xi32, #tpu.memory_space<vmem>>, vector<16xi32>,
      %swap3A_174 = vector.shape_cast %swap3A_173 : vector<16xi32> to vector<16xi32>
      %swap3A_175 = vector.shape_cast %add3A_171 : vector<16xi32> to vector<16xi32>
      tpu.vector_store %arg12[%swap3A_172], %swap3A_175 {strides = array<i32>} : memref<128xi32, #tpu.memory_space<vmem>>, vector<16xi32>,
      "tpu.region"() ({
        %run_scoped3A = tpu.sem_alloc : memref<!tpu.dma_semaphore, #tpu.memory_space<semaphore_mem>>
        %dma_start3A_186 = tpu.memref_slice %arg4[%add3A_103] : memref<163840xi32, #tpu.memory_space<hbm>> -> memref<128xi32, #tpu.memory_space<hbm>>
        %dma_start3A_187 = tpu.memref_slice %arg4[%add3A_103] : memref<163840xi32, #tpu.memory_space<hbm>> -> memref<128xi32, #tpu.memory_space<hbm>>
        tpu.enqueue_dma source(%dma_start3A_187 : memref<128xi32, #tpu.memory_space<hbm>>) target(%arg13 : memref<128xi32, #tpu.memory_space<vmem>>) target_semaphore(%run_scoped3A : memref<!tpu.dma_semaphore, #tpu.memory_space<semaphore_mem>>)
        %dma_wait3A_188 = tpu.memref_slice %arg4[%add3A_103] : memref<163840xi32, #tpu.memory_space<hbm>> -> memref<128xi32, #tpu.memory_space<hbm>>
        %dma_wait3A_189 = tpu.memref_slice %arg4[%add3A_103] : memref<163840xi32, #tpu.memory_space<hbm>> -> memref<128xi32, #tpu.memory_space<hbm>>
        tpu.wait_dma2 semaphore(%run_scoped3A : memref<!tpu.dma_semaphore, #tpu.memory_space<semaphore_mem>>) src(%dma_wait3A_189 : memref<128xi32, #tpu.memory_space<hbm>>) dst(%arg13 : memref<128xi32, #tpu.memory_space<vmem>>)
        tpu.yield
      }) : () -> ()
      %dma_wait3A = arith.constant 0 : i32
      %dma_wait3A_176 = arith.constant 0 : i32
      %dma_wait3A_177 = tpu.memref_slice %arg2[%dma_wait3A, %dma_wait3A_176] : memref<20480x128xf32, #tpu.memory_space<hbm>> -> memref<20480x128xf32, #tpu.memory_space<hbm>>
      tpu.wait_indirect_dma semaphore(%arg10 : memref<!tpu.dma_semaphore, #tpu.memory_space<semaphore_mem>>) src(%dma_wait3A_177 : memref<20480x128xf32, #tpu.memory_space<hbm>>) dst(%arg9 : memref<128x128xf32, #tpu.memory_space<vmem>>)
      %dma_start3A_178 = arith.constant 0 : i32
      %dma_start3A_179 = arith.constant 0 : i32
      %dma_start3A_180 = tpu.memref_slice %arg2[%dma_start3A_178, %dma_start3A_179] : memref<20480x128xf32, #tpu.memory_space<hbm>> -> memref<20480x128xf32, #tpu.memory_space<hbm>>
      tpu.enqueue_indirect_dma source(%dma_start3A_180 : memref<20480x128xf32, #tpu.memory_space<hbm>>) target(%arg14 : memref<128x128xf32, #tpu.memory_space<vmem>>) offsets(%arg12 : memref<128xi32, #tpu.memory_space<vmem>>) semaphore(%arg15 : memref<!tpu.dma_semaphore, #tpu.memory_space<semaphore_mem>>)
      "tpu.region"() ({
        %run_scoped3A = tpu.sem_alloc : memref<!tpu.dma_semaphore, #tpu.memory_space<semaphore_mem>>
        %dma_start3A_186 = arith.constant 0 : i32
        %dma_start3A_187 = arith.constant 0 : i32
        %dma_start3A_188 = tpu.memref_slice %arg16[%dma_start3A_186, %dma_start3A_187] : memref<10240x128xf32, #tpu.memory_space<vmem_shared>> -> memref<10240x128xf32, #tpu.memory_space<vmem_shared>>
        tpu.enqueue_indirect_dma source(%arg9 : memref<128x128xf32, #tpu.memory_space<vmem>>) target(%dma_start3A_188 : memref<10240x128xf32, #tpu.memory_space<vmem_shared>>) offsets(%arg8 : memref<128xi32, #tpu.memory_space<vmem>>) semaphore(%run_scoped3A : memref<!tpu.dma_semaphore, #tpu.memory_space<semaphore_mem>>) {add = true}
        %dma_wait3A_189 = arith.constant 0 : i32
        %dma_wait3A_190 = arith.constant 0 : i32
        %dma_wait3A_191 = tpu.memref_slice %arg16[%dma_wait3A_189, %dma_wait3A_190] : memref<10240x128xf32, #tpu.memory_space<vmem_shared>> -> memref<10240x128xf32, #tpu.memory_space<vmem_shared>>
        tpu.wait_indirect_dma semaphore(%run_scoped3A : memref<!tpu.dma_semaphore, #tpu.memory_space<semaphore_mem>>) src(%arg9 : memref<128x128xf32, #tpu.memory_space<vmem>>) dst(%dma_wait3A_191 : memref<10240x128xf32, #tpu.memory_space<vmem_shared>>)
        tpu.yield
      }) : () -> ()
      %lt3A = arith.constant 39 : i32
      %lt3A_181 = arith.cmpi slt, %scan3A_95, %lt3A : i32
      %convert_element_type3A = arith.extui %lt3A_181 : i1 to i32
      %cond3A = arith.constant 0 : i32
      %cond3A_182 = arith.cmpi ne, %convert_element_type3A, %cond3A : i32
      scf.if %cond3A_182 {
        %add3A_186 = arith.constant 256 : i32
        %add3A_187 = arith.addi %multiple_of3A_101, %add3A_186 : i32
        "tpu.region"() ({
          %run_scoped3A = tpu.sem_alloc : memref<!tpu.dma_semaphore, #tpu.memory_space<semaphore_mem>>
          %dma_start3A_263 = tpu.memref_slice %arg3[%add3A_187] : memref<163840xi32, #tpu.memory_space<hbm>> -> memref<128xi32, #tpu.memory_space<hbm>>
          %dma_start3A_264 = tpu.memref_slice %arg3[%add3A_187] : memref<163840xi32, #tpu.memory_space<hbm>> -> memref<128xi32, #tpu.memory_space<hbm>>
          tpu.enqueue_dma source(%dma_start3A_264 : memref<128xi32, #tpu.memory_space<hbm>>) target(%arg6 : memref<128xi32, #tpu.memory_space<vmem>>) target_semaphore(%run_scoped3A : memref<!tpu.dma_semaphore, #tpu.memory_space<semaphore_mem>>)
          %dma_wait3A_265 = tpu.memref_slice %arg3[%add3A_187] : memref<163840xi32, #tpu.memory_space<hbm>> -> memref<128xi32, #tpu.memory_space<hbm>>
          %dma_wait3A_266 = tpu.memref_slice %arg3[%add3A_187] : memref<163840xi32, #tpu.memory_space<hbm>> -> memref<128xi32, #tpu.memory_space<hbm>>
          tpu.wait_dma2 semaphore(%run_scoped3A : memref<!tpu.dma_semaphore, #tpu.memory_space<semaphore_mem>>) src(%dma_wait3A_266 : memref<128xi32, #tpu.memory_space<hbm>>) dst(%arg6 : memref<128xi32, #tpu.memory_space<vmem>>)
          tpu.yield
        }) : () -> ()
        %get3A_188 = arith.constant 0 : index
        %get3A_189 = tpu.vector_load %arg6[%get3A_188] {strides = array<i32>} : memref<128xi32, #tpu.memory_space<vmem>>, vector<16xi32>,
        %get3A_190 = vector.shape_cast %get3A_189 : vector<16xi32> to vector<16xi32>
        %add3A_191 = vector.broadcast %mul3A_3 : i32 to vector<16xi32>
        %add3A_192 = arith.addi %get3A_190, %add3A_191 : vector<16xi32>
        %swap3A_193 = arith.constant 0 : index
        %swap3A_194 = tpu.vector_load %arg7[%swap3A_193] {strides = array<i32>} : memref<128xi32, #tpu.memory_space<vmem>>, vector<16xi32>,
        %swap3A_195 = vector.shape_cast %swap3A_194 : vector<16xi32> to vector<16xi32>
        %swap3A_196 = vector.shape_cast %add3A_192 : vector<16xi32> to vector<16xi32>
        tpu.vector_store %arg7[%swap3A_193], %swap3A_196 {strides = array<i32>} : memref<128xi32, #tpu.memory_space<vmem>>, vector<16xi32>,
        %get3A_197 = arith.constant 16 : index
        %get3A_198 = tpu.vector_load %arg6[%get3A_197] {strides = array<i32>} : memref<128xi32, #tpu.memory_space<vmem>>, vector<16xi32>,
        %get3A_199 = vector.shape_cast %get3A_198 : vector<16xi32> to vector<16xi32>
        %add3A_200 = vector.broadcast %mul3A_3 : i32 to vector<16xi32>
        %add3A_201 = arith.addi %get3A_199, %add3A_200 : vector<16xi32>
        %swap3A_202 = arith.constant 16 : index
        %swap3A_203 = tpu.vector_load %arg7[%swap3A_202] {strides = array<i32>} : memref<128xi32, #tpu.memory_space<vmem>>, vector<16xi32>,
        %swap3A_204 = vector.shape_cast %swap3A_203 : vector<16xi32> to vector<16xi32>
        %swap3A_205 = vector.shape_cast %add3A_201 : vector<16xi32> to vector<16xi32>
        tpu.vector_store %arg7[%swap3A_202], %swap3A_205 {strides = array<i32>} : memref<128xi32, #tpu.memory_space<vmem>>, vector<16xi32>,
        %get3A_206 = arith.constant 32 : index
        %get3A_207 = tpu.vector_load %arg6[%get3A_206] {strides = array<i32>} : memref<128xi32, #tpu.memory_space<vmem>>, vector<16xi32>,
        %get3A_208 = vector.shape_cast %get3A_207 : vector<16xi32> to vector<16xi32>
        %add3A_209 = vector.broadcast %mul3A_3 : i32 to vector<16xi32>
        %add3A_210 = arith.addi %get3A_208, %add3A_209 : vector<16xi32>
        %swap3A_211 = arith.constant 32 : index
        %swap3A_212 = tpu.vector_load %arg7[%swap3A_211] {strides = array<i32>} : memref<128xi32, #tpu.memory_space<vmem>>, vector<16xi32>,
        %swap3A_213 = vector.shape_cast %swap3A_212 : vector<16xi32> to vector<16xi32>
        %swap3A_214 = vector.shape_cast %add3A_210 : vector<16xi32> to vector<16xi32>
        tpu.vector_store %arg7[%swap3A_211], %swap3A_214 {strides = array<i32>} : memref<128xi32, #tpu.memory_space<vmem>>, vector<16xi32>,
        %get3A_215 = arith.constant 48 : index
        %get3A_216 = tpu.vector_load %arg6[%get3A_215] {strides = array<i32>} : memref<128xi32, #tpu.memory_space<vmem>>, vector<16xi32>,
        %get3A_217 = vector.shape_cast %get3A_216 : vector<16xi32> to vector<16xi32>
        %add3A_218 = vector.broadcast %mul3A_3 : i32 to vector<16xi32>
        %add3A_219 = arith.addi %get3A_217, %add3A_218 : vector<16xi32>
        %swap3A_220 = arith.constant 48 : index
        %swap3A_221 = tpu.vector_load %arg7[%swap3A_220] {strides = array<i32>} : memref<128xi32, #tpu.memory_space<vmem>>, vector<16xi32>,
        %swap3A_222 = vector.shape_cast %swap3A_221 : vector<16xi32> to vector<16xi32>
        %swap3A_223 = vector.shape_cast %add3A_219 : vector<16xi32> to vector<16xi32>
        tpu.vector_store %arg7[%swap3A_220], %swap3A_223 {strides = array<i32>} : memref<128xi32, #tpu.memory_space<vmem>>, vector<16xi32>,
        %get3A_224 = arith.constant 64 : index
        %get3A_225 = tpu.vector_load %arg6[%get3A_224] {strides = array<i32>} : memref<128xi32, #tpu.memory_space<vmem>>, vector<16xi32>,
        %get3A_226 = vector.shape_cast %get3A_225 : vector<16xi32> to vector<16xi32>
        %add3A_227 = vector.broadcast %mul3A_3 : i32 to vector<16xi32>
        %add3A_228 = arith.addi %get3A_226, %add3A_227 : vector<16xi32>
        %swap3A_229 = arith.constant 64 : index
        %swap3A_230 = tpu.vector_load %arg7[%swap3A_229] {strides = array<i32>} : memref<128xi32, #tpu.memory_space<vmem>>, vector<16xi32>,
        %swap3A_231 = vector.shape_cast %swap3A_230 : vector<16xi32> to vector<16xi32>
        %swap3A_232 = vector.shape_cast %add3A_228 : vector<16xi32> to vector<16xi32>
        tpu.vector_store %arg7[%swap3A_229], %swap3A_232 {strides = array<i32>} : memref<128xi32, #tpu.memory_space<vmem>>, vector<16xi32>,
        %get3A_233 = arith.constant 80 : index
        %get3A_234 = tpu.vector_load %arg6[%get3A_233] {strides = array<i32>} : memref<128xi32, #tpu.memory_space<vmem>>, vector<16xi32>,
        %get3A_235 = vector.shape_cast %get3A_234 : vector<16xi32> to vector<16xi32>
        %add3A_236 = vector.broadcast %mul3A_3 : i32 to vector<16xi32>
        %add3A_237 = arith.addi %get3A_235, %add3A_236 : vector<16xi32>
        %swap3A_238 = arith.constant 80 : index
        %swap3A_239 = tpu.vector_load %arg7[%swap3A_238] {strides = array<i32>} : memref<128xi32, #tpu.memory_space<vmem>>, vector<16xi32>,
        %swap3A_240 = vector.shape_cast %swap3A_239 : vector<16xi32> to vector<16xi32>
        %swap3A_241 = vector.shape_cast %add3A_237 : vector<16xi32> to vector<16xi32>
        tpu.vector_store %arg7[%swap3A_238], %swap3A_241 {strides = array<i32>} : memref<128xi32, #tpu.memory_space<vmem>>, vector<16xi32>,
        %get3A_242 = arith.constant 96 : index
        %get3A_243 = tpu.vector_load %arg6[%get3A_242] {strides = array<i32>} : memref<128xi32, #tpu.memory_space<vmem>>, vector<16xi32>,
        %get3A_244 = vector.shape_cast %get3A_243 : vector<16xi32> to vector<16xi32>
        %add3A_245 = vector.broadcast %mul3A_3 : i32 to vector<16xi32>
        %add3A_246 = arith.addi %get3A_244, %add3A_245 : vector<16xi32>
        %swap3A_247 = arith.constant 96 : index
        %swap3A_248 = tpu.vector_load %arg7[%swap3A_247] {strides = array<i32>} : memref<128xi32, #tpu.memory_space<vmem>>, vector<16xi32>,
        %swap3A_249 = vector.shape_cast %swap3A_248 : vector<16xi32> to vector<16xi32>
        %swap3A_250 = vector.shape_cast %add3A_246 : vector<16xi32> to vector<16xi32>
        tpu.vector_store %arg7[%swap3A_247], %swap3A_250 {strides = array<i32>} : memref<128xi32, #tpu.memory_space<vmem>>, vector<16xi32>,
        %get3A_251 = arith.constant 112 : index
        %get3A_252 = tpu.vector_load %arg6[%get3A_251] {strides = array<i32>} : memref<128xi32, #tpu.memory_space<vmem>>, vector<16xi32>,
        %get3A_253 = vector.shape_cast %get3A_252 : vector<16xi32> to vector<16xi32>
        %add3A_254 = vector.broadcast %mul3A_3 : i32 to vector<16xi32>
        %add3A_255 = arith.addi %get3A_253, %add3A_254 : vector<16xi32>
        %swap3A_256 = arith.constant 112 : index
        %swap3A_257 = tpu.vector_load %arg7[%swap3A_256] {strides = array<i32>} : memref<128xi32, #tpu.memory_space<vmem>>, vector<16xi32>,
        %swap3A_258 = vector.shape_cast %swap3A_257 : vector<16xi32> to vector<16xi32>
        %swap3A_259 = vector.shape_cast %add3A_255 : vector<16xi32> to vector<16xi32>
        tpu.vector_store %arg7[%swap3A_256], %swap3A_259 {strides = array<i32>} : memref<128xi32, #tpu.memory_space<vmem>>, vector<16xi32>,
        "tpu.region"() ({
          %run_scoped3A = tpu.sem_alloc : memref<!tpu.dma_semaphore, #tpu.memory_space<semaphore_mem>>
          %dma_start3A_263 = tpu.memref_slice %arg4[%add3A_187] : memref<163840xi32, #tpu.memory_space<hbm>> -> memref<128xi32, #tpu.memory_space<hbm>>
          %dma_start3A_264 = tpu.memref_slice %arg4[%add3A_187] : memref<163840xi32, #tpu.memory_space<hbm>> -> memref<128xi32, #tpu.memory_space<hbm>>
          tpu.enqueue_dma source(%dma_start3A_264 : memref<128xi32, #tpu.memory_space<hbm>>) target(%arg8 : memref<128xi32, #tpu.memory_space<vmem>>) target_semaphore(%run_scoped3A : memref<!tpu.dma_semaphore, #tpu.memory_space<semaphore_mem>>)
          %dma_wait3A_265 = tpu.memref_slice %arg4[%add3A_187] : memref<163840xi32, #tpu.memory_space<hbm>> -> memref<128xi32, #tpu.memory_space<hbm>>
          %dma_wait3A_266 = tpu.memref_slice %arg4[%add3A_187] : memref<163840xi32, #tpu.memory_space<hbm>> -> memref<128xi32, #tpu.memory_space<hbm>>
          tpu.wait_dma2 semaphore(%run_scoped3A : memref<!tpu.dma_semaphore, #tpu.memory_space<semaphore_mem>>) src(%dma_wait3A_266 : memref<128xi32, #tpu.memory_space<hbm>>) dst(%arg8 : memref<128xi32, #tpu.memory_space<vmem>>)
          tpu.yield
        }) : () -> ()
        %dma_start3A_260 = arith.constant 0 : i32
        %dma_start3A_261 = arith.constant 0 : i32
        %dma_start3A_262 = tpu.memref_slice %arg2[%dma_start3A_260, %dma_start3A_261] : memref<20480x128xf32, #tpu.memory_space<hbm>> -> memref<20480x128xf32, #tpu.memory_space<hbm>>
        tpu.enqueue_indirect_dma source(%dma_start3A_262 : memref<20480x128xf32, #tpu.memory_space<hbm>>) target(%arg9 : memref<128x128xf32, #tpu.memory_space<vmem>>) offsets(%arg7 : memref<128xi32, #tpu.memory_space<vmem>>) semaphore(%arg10 : memref<!tpu.dma_semaphore, #tpu.memory_space<semaphore_mem>>)
      } else {
      }
      %dma_wait3A_183 = arith.constant 0 : i32
      %dma_wait3A_184 = arith.constant 0 : i32
      %dma_wait3A_185 = tpu.memref_slice %arg2[%dma_wait3A_183, %dma_wait3A_184] : memref<20480x128xf32, #tpu.memory_space<hbm>> -> memref<20480x128xf32, #tpu.memory_space<hbm>>
      tpu.wait_indirect_dma semaphore(%arg15 : memref<!tpu.dma_semaphore, #tpu.memory_space<semaphore_mem>>) src(%dma_wait3A_185 : memref<20480x128xf32, #tpu.memory_space<hbm>>) dst(%arg14 : memref<128x128xf32, #tpu.memory_space<vmem>>)
      "tpu.region"() ({
        %run_scoped3A = tpu.sem_alloc : memref<!tpu.dma_semaphore, #tpu.memory_space<semaphore_mem>>
        %dma_start3A_186 = arith.constant 0 : i32
        %dma_start3A_187 = arith.constant 0 : i32
        %dma_start3A_188 = tpu.memref_slice %arg16[%dma_start3A_186, %dma_start3A_187] : memref<10240x128xf32, #tpu.memory_space<vmem_shared>> -> memref<10240x128xf32, #tpu.memory_space<vmem_shared>>
        tpu.enqueue_indirect_dma source(%arg14 : memref<128x128xf32, #tpu.memory_space<vmem>>) target(%dma_start3A_188 : memref<10240x128xf32, #tpu.memory_space<vmem_shared>>) offsets(%arg13 : memref<128xi32, #tpu.memory_space<vmem>>) semaphore(%run_scoped3A : memref<!tpu.dma_semaphore, #tpu.memory_space<semaphore_mem>>) {add = true}
        %dma_wait3A_189 = arith.constant 0 : i32
        %dma_wait3A_190 = arith.constant 0 : i32
        %dma_wait3A_191 = tpu.memref_slice %arg16[%dma_wait3A_189, %dma_wait3A_190] : memref<10240x128xf32, #tpu.memory_space<vmem_shared>> -> memref<10240x128xf32, #tpu.memory_space<vmem_shared>>
        tpu.wait_indirect_dma semaphore(%run_scoped3A : memref<!tpu.dma_semaphore, #tpu.memory_space<semaphore_mem>>) src(%arg14 : memref<128x128xf32, #tpu.memory_space<vmem>>) dst(%dma_wait3A_191 : memref<10240x128xf32, #tpu.memory_space<vmem_shared>>)
        tpu.yield
      }) : () -> ()
    }
    %scan3A_87 = arith.constant 40 : i32
    %barrier3A_88 = arith.constant 0 : index
    tpu.barrier barrier_id(%barrier3A_88)
    %mul3A_89 = arith.constant 640 : i32
    %mul3A_90 = arith.muli %arg1, %mul3A_89 : i32
    %mul3A_91 = arith.constant 640 : i32
    %mul3A_92 = arith.muli %arg1, %mul3A_91 : i32
    %add3A_93 = arith.addi %mul3A_3, %mul3A_92 : i32
    "tpu.region"() ({
      %run_scoped3A = tpu.sem_alloc : memref<!tpu.dma_semaphore, #tpu.memory_space<semaphore_mem>>
      %dma_start3A_95 = arith.constant 0 : i32
      %dma_start3A_96 = tpu.memref_slice %arg5[%add3A_93, %dma_start3A_95] : memref<20480x128xf32, #tpu.memory_space<hbm>> -> memref<640x128xf32, #tpu.memory_space<hbm>>
      %dma_start3A_97 = arith.constant 0 : i32
      %dma_start3A_98 = tpu.memref_slice %arg16[%mul3A_90, %dma_start3A_97] : memref<10240x128xf32, #tpu.memory_space<vmem_shared>> -> memref<640x128xf32, #tpu.memory_space<vmem_shared>>
      tpu.enqueue_dma source(%dma_start3A_98 : memref<640x128xf32, #tpu.memory_space<vmem_shared>>) target(%dma_start3A_96 : memref<640x128xf32, #tpu.memory_space<hbm>>) target_semaphore(%run_scoped3A : memref<!tpu.dma_semaphore, #tpu.memory_space<semaphore_mem>>)
      %dma_wait3A = arith.constant 0 : i32
      %dma_wait3A_99 = tpu.memref_slice %arg5[%add3A_93, %dma_wait3A] : memref<20480x128xf32, #tpu.memory_space<hbm>> -> memref<640x128xf32, #tpu.memory_space<hbm>>
      %dma_wait3A_100 = arith.constant 0 : i32
      %dma_wait3A_101 = tpu.memref_slice %arg16[%mul3A_90, %dma_wait3A_100] : memref<10240x128xf32, #tpu.memory_space<vmem_shared>> -> memref<640x128xf32, #tpu.memory_space<vmem_shared>>
      tpu.wait_dma2 semaphore(%run_scoped3A : memref<!tpu.dma_semaphore, #tpu.memory_space<semaphore_mem>>) src(%dma_wait3A_101 : memref<640x128xf32, #tpu.memory_space<vmem_shared>>) dst(%dma_wait3A_99 : memref<640x128xf32, #tpu.memory_space<hbm>>)
      tpu.yield
    }) : () -> ()
    %barrier3A_94 = arith.constant 0 : index
    tpu.barrier barrier_id(%barrier3A_94)
    return
  }
}

module attributes {stable_mosaic.version = 14 : i64} {
  func.func @_scale_body(%arg0: i32, %arg1: memref<2x1024x128xf32, #tpu.memory_space<vmem>>, %arg2: memref<1024x256xf32, #tpu.memory_space<vmem>>, %arg3: memref<2x1024x128xf32, #tpu.memory_space<vmem>>, %arg4: memref<1024x1xf32, #tpu.memory_space<vmem>>) attributes {dimension_semantics = [#tpu.dimension_semantics<arbitrary>], iteration_bounds = array<i64: 10>, scalar_prefetch = 0 : i64, scratch_operands = 0 : i64, tpu.core_type = #tpu.core_type<tc>, window_params = [{transform_indices = @transform_0, window_bounds = array<i64: 2, 1024, 128>}, {transform_indices = @transform_1, window_bounds = array<i64: 1024, 256>}, {transform_indices = @transform_2, window_bounds = array<i64: 2, 1024, 128>}, {transform_indices = @transform_3, window_bounds = array<i64: 1024, 1>}]} {
    %get3A = arith.constant 0 : index
    %get3A_0 = arith.constant 0 : index
    %get3A_1 = arith.constant 0 : index
    %get3A_2 = vector.load %arg1[%get3A, %get3A_0, %get3A_1] : memref<2x1024x128xf32, #tpu.memory_space<vmem>>, vector<2x1024x128xf32>
    %slice3A = vector.extract_strided_slice %get3A_2 {offsets = [0, 0, 0], sizes = [1, 1024, 128], strides = [1, 1, 1]} : vector<2x1024x128xf32> to vector<1x1024x128xf32>
    %squeeze3A = vector.shape_cast %slice3A : vector<1x1024x128xf32> to vector<1024x128xf32>
    %slice3A_3 = vector.extract_strided_slice %squeeze3A {offsets = [0, 0], sizes = [1024, 1], strides = [1, 1]} : vector<1024x128xf32> to vector<1024x1xf32>
    %slice3A_4 = vector.extract_strided_slice %get3A_2 {offsets = [1, 0, 0], sizes = [1, 1024, 128], strides = [1, 1, 1]} : vector<2x1024x128xf32> to vector<1x1024x128xf32>
    %squeeze3A_5 = vector.shape_cast %slice3A_4 : vector<1x1024x128xf32> to vector<1024x128xf32>
    %slice3A_6 = vector.extract_strided_slice %squeeze3A_5 {offsets = [0, 0], sizes = [1024, 1], strides = [1, 1]} : vector<1024x128xf32> to vector<1024x1xf32>
    %add3A = arith.addf %slice3A_3, %slice3A_6 : vector<1024x1xf32>
    %add3A_7 = arith.constant 1.000000e+00 : f32
    %add3A_8 = vector.broadcast %add3A_7 : f32 to vector<1024x1xf32>
    %add3A_9 = arith.addf %add3A, %add3A_8 : vector<1024x1xf32>
    %max3A = arith.constant 9.99999996E-13 : f32
    %max3A_10 = vector.broadcast %max3A : f32 to vector<1024x1xf32>
    %max3A_11 = arith.maximumf %add3A_9, %max3A_10 : vector<1024x1xf32>
    %rsqrt3A = math.rsqrt %max3A_11 : vector<1024x1xf32>
    %swap3A = arith.constant 0 : index
    %swap3A_12 = arith.constant 0 : index
    %swap3A_13 = vector.load %arg4[%swap3A, %swap3A_12] : memref<1024x1xf32, #tpu.memory_space<vmem>>, vector<1024x1xf32>
    tpu.vector_store %arg4[%swap3A, %swap3A_12], %rsqrt3A {strides = array<i32>} : memref<1024x1xf32, #tpu.memory_space<vmem>>, vector<1024x1xf32>,
    %get3A_14 = arith.constant 0 : index
    %get3A_15 = arith.constant 0 : index
    %get3A_16 = vector.load %arg2[%get3A_14, %get3A_15] : memref<1024x256xf32, #tpu.memory_space<vmem>>, vector<1024x256xf32>
    %mul3A = vector.broadcast %rsqrt3A : vector<1024x1xf32> to vector<1024x256xf32>
    %mul3A_17 = arith.mulf %get3A_16, %mul3A : vector<1024x256xf32>
    %slice3A_18 = vector.extract_strided_slice %mul3A_17 {offsets = [0, 0], sizes = [1024, 128], strides = [1, 1]} : vector<1024x256xf32> to vector<1024x128xf32>
    %swap3A_19 = arith.constant 0 : index
    %swap3A_20 = arith.constant 0 : index
    %swap3A_21 = arith.constant 0 : index
    %swap3A_22 = vector.load %arg3[%swap3A_19, %swap3A_20, %swap3A_21] : memref<2x1024x128xf32, #tpu.memory_space<vmem>>, vector<1x1024x128xf32>
    %swap3A_23 = vector.shape_cast %swap3A_22 : vector<1x1024x128xf32> to vector<1024x128xf32>
    %swap3A_24 = vector.shape_cast %slice3A_18 : vector<1024x128xf32> to vector<1x1024x128xf32>
    tpu.vector_store %arg3[%swap3A_19, %swap3A_20, %swap3A_21], %swap3A_24 {strides = array<i32>} : memref<2x1024x128xf32, #tpu.memory_space<vmem>>, vector<1x1024x128xf32>,
    %slice3A_25 = vector.extract_strided_slice %mul3A_17 {offsets = [0, 128], sizes = [1024, 128], strides = [1, 1]} : vector<1024x256xf32> to vector<1024x128xf32>
    %swap3A_26 = arith.constant 1 : index
    %swap3A_27 = arith.constant 0 : index
    %swap3A_28 = arith.constant 0 : index
    %swap3A_29 = vector.load %arg3[%swap3A_26, %swap3A_27, %swap3A_28] : memref<2x1024x128xf32, #tpu.memory_space<vmem>>, vector<1x1024x128xf32>
    %swap3A_30 = vector.shape_cast %swap3A_29 : vector<1x1024x128xf32> to vector<1024x128xf32>
    %swap3A_31 = vector.shape_cast %slice3A_25 : vector<1024x128xf32> to vector<1x1024x128xf32>
    tpu.vector_store %arg3[%swap3A_26, %swap3A_27, %swap3A_28], %swap3A_31 {strides = array<i32>} : memref<2x1024x128xf32, #tpu.memory_space<vmem>>, vector<1x1024x128xf32>,
    return
  }
  func.func @transform_0(%arg0: i32) -> (i32, i32, i32) {
    %c0_i32 = arith.constant 0 : i32
    %c0_i32_0 = arith.constant 0 : i32
    %c0_i32_1 = arith.constant 0 : i32
    return %c0_i32, %arg0, %c0_i32_0 : i32, i32, i32
  }
  func.func @transform_1(%arg0: i32) -> (i32, i32) {
    %c0_i32 = arith.constant 0 : i32
    %c0_i32_0 = arith.constant 0 : i32
    return %arg0, %c0_i32 : i32, i32
  }
  func.func @transform_2(%arg0: i32) -> (i32, i32, i32) {
    %c0_i32 = arith.constant 0 : i32
    %c0_i32_0 = arith.constant 0 : i32
    %c0_i32_1 = arith.constant 0 : i32
    return %c0_i32, %arg0, %c0_i32_0 : i32, i32, i32
  }
  func.func @transform_3(%arg0: i32) -> (i32, i32) {
    %c0_i32 = arith.constant 0 : i32
    %c0_i32_0 = arith.constant 0 : i32
    return %arg0, %c0_i32 : i32, i32
  }
}

module attributes {stable_mosaic.version = 14 : i64} {
  func.func @_l1_body(%arg0: i32, %arg1: memref<2x1024x128xf32, #tpu.memory_space<vmem>>, %arg2: memref<256x512xf32, #tpu.memory_space<vmem>>, %arg3: memref<1x512xf32, #tpu.memory_space<vmem>>, %arg4: memref<1024x1xf32, #tpu.memory_space<vmem>>, %arg5: memref<4x1024x128xf32, #tpu.memory_space<vmem>>) attributes {dimension_semantics = [#tpu.dimension_semantics<arbitrary>], iteration_bounds = array<i64: 10>, scalar_prefetch = 0 : i64, scratch_operands = 0 : i64, tpu.core_type = #tpu.core_type<tc>, window_params = [{transform_indices = @transform_0, window_bounds = array<i64: 2, 1024, 128>}, {pipeline_mode = #tpu.pipeline_mode<synchronous>, transform_indices = @transform_1, window_bounds = array<i64: 256, 512>}, {pipeline_mode = #tpu.pipeline_mode<synchronous>, transform_indices = @transform_2, window_bounds = array<i64: 1, 512>}, {transform_indices = @transform_3, window_bounds = array<i64: 1024, 1>}, {transform_indices = @transform_4, window_bounds = array<i64: 4, 1024, 128>}]} {
    %get3A = arith.constant 0 : index
    %get3A_0 = arith.constant 0 : index
    %get3A_1 = arith.constant 0 : index
    %get3A_2 = vector.load %arg1[%get3A, %get3A_0, %get3A_1] : memref<2x1024x128xf32, #tpu.memory_space<vmem>>, vector<2x1024x128xf32>
    %slice3A = vector.extract_strided_slice %get3A_2 {offsets = [0, 0, 0], sizes = [1, 1024, 128], strides = [1, 1, 1]} : vector<2x1024x128xf32> to vector<1x1024x128xf32>
    %squeeze3A = vector.shape_cast %slice3A : vector<1x1024x128xf32> to vector<1024x128xf32>
    %slice3A_3 = vector.extract_strided_slice %get3A_2 {offsets = [1, 0, 0], sizes = [1, 1024, 128], strides = [1, 1, 1]} : vector<2x1024x128xf32> to vector<1x1024x128xf32>
    %squeeze3A_4 = vector.shape_cast %slice3A_3 : vector<1x1024x128xf32> to vector<1024x128xf32>
    %concatenate3A = tpu.concatenate %squeeze3A, %squeeze3A_4 in 1 : vector<1024x128xf32>, vector<1024x128xf32> -> vector<1024x256xf32>
    %get3A_5 = arith.constant 0 : index
    %get3A_6 = arith.constant 0 : index
    %get3A_7 = vector.load %arg2[%get3A_5, %get3A_6] : memref<256x512xf32, #tpu.memory_space<vmem>>, vector<256x512xf32>
    %dot_general3A = arith.constant dense<0.000000e+00> : vector<1024x512xf32>
    %dot_general3A_8 = tpu.matmul %concatenate3A, %get3A_7, %dot_general3A {dimension_numbers = #tpu.dot_dimension_numbers<[1], [0], [0], [1], [0, 0, 1, 1], [], []>, transpose_lhs_hint = false} : vector<1024x256xf32>, vector<256x512xf32>, vector<1024x512xf32> -> vector<1024x512xf32>
    %get3A_9 = arith.constant 0 : index
    %get3A_10 = arith.constant 0 : index
    %get3A_11 = vector.load %arg4[%get3A_9, %get3A_10] : memref<1024x1xf32, #tpu.memory_space<vmem>>, vector<1024x1xf32>
    %mul3A = vector.broadcast %get3A_11 : vector<1024x1xf32> to vector<1024x512xf32>
    %mul3A_12 = arith.mulf %dot_general3A_8, %mul3A : vector<1024x512xf32>
    %get3A_13 = arith.constant 0 : index
    %get3A_14 = arith.constant 0 : index
    %get3A_15 = vector.load %arg3[%get3A_13, %get3A_14] : memref<1x512xf32, #tpu.memory_space<vmem>>, vector<1x512xf32>
    %add3A = vector.broadcast %get3A_15 : vector<1x512xf32> to vector<1024x512xf32>
    %add3A_16 = arith.addf %mul3A_12, %add3A : vector<1024x512xf32>
    %max3A = arith.constant 0.000000e+00 : f32
    %max3A_17 = vector.broadcast %max3A : f32 to vector<1024x512xf32>
    %max3A_18 = arith.maximumf %add3A_16, %max3A_17 : vector<1024x512xf32>
    %mul3A_19 = vector.broadcast %get3A_11 : vector<1024x1xf32> to vector<1024x512xf32>
    %mul3A_20 = arith.mulf %max3A_18, %mul3A_19 : vector<1024x512xf32>
    %slice3A_21 = vector.extract_strided_slice %mul3A_20 {offsets = [0, 0], sizes = [1024, 128], strides = [1, 1]} : vector<1024x512xf32> to vector<1024x128xf32>
    %swap3A = arith.constant 0 : index
    %swap3A_22 = arith.constant 0 : index
    %swap3A_23 = arith.constant 0 : index
    %swap3A_24 = vector.load %arg5[%swap3A, %swap3A_22, %swap3A_23] : memref<4x1024x128xf32, #tpu.memory_space<vmem>>, vector<1x1024x128xf32>
    %swap3A_25 = vector.shape_cast %swap3A_24 : vector<1x1024x128xf32> to vector<1024x128xf32>
    %swap3A_26 = vector.shape_cast %slice3A_21 : vector<1024x128xf32> to vector<1x1024x128xf32>
    tpu.vector_store %arg5[%swap3A, %swap3A_22, %swap3A_23], %swap3A_26 {strides = array<i32>} : memref<4x1024x128xf32, #tpu.memory_space<vmem>>, vector<1x1024x128xf32>,
    %slice3A_27 = vector.extract_strided_slice %mul3A_20 {offsets = [0, 128], sizes = [1024, 128], strides = [1, 1]} : vector<1024x512xf32> to vector<1024x128xf32>
    %swap3A_28 = arith.constant 1 : index
    %swap3A_29 = arith.constant 0 : index
    %swap3A_30 = arith.constant 0 : index
    %swap3A_31 = vector.load %arg5[%swap3A_28, %swap3A_29, %swap3A_30] : memref<4x1024x128xf32, #tpu.memory_space<vmem>>, vector<1x1024x128xf32>
    %swap3A_32 = vector.shape_cast %swap3A_31 : vector<1x1024x128xf32> to vector<1024x128xf32>
    %swap3A_33 = vector.shape_cast %slice3A_27 : vector<1024x128xf32> to vector<1x1024x128xf32>
    tpu.vector_store %arg5[%swap3A_28, %swap3A_29, %swap3A_30], %swap3A_33 {strides = array<i32>} : memref<4x1024x128xf32, #tpu.memory_space<vmem>>, vector<1x1024x128xf32>,
    %slice3A_34 = vector.extract_strided_slice %mul3A_20 {offsets = [0, 256], sizes = [1024, 128], strides = [1, 1]} : vector<1024x512xf32> to vector<1024x128xf32>
    %swap3A_35 = arith.constant 2 : index
    %swap3A_36 = arith.constant 0 : index
    %swap3A_37 = arith.constant 0 : index
    %swap3A_38 = vector.load %arg5[%swap3A_35, %swap3A_36, %swap3A_37] : memref<4x1024x128xf32, #tpu.memory_space<vmem>>, vector<1x1024x128xf32>
    %swap3A_39 = vector.shape_cast %swap3A_38 : vector<1x1024x128xf32> to vector<1024x128xf32>
    %swap3A_40 = vector.shape_cast %slice3A_34 : vector<1024x128xf32> to vector<1x1024x128xf32>
    tpu.vector_store %arg5[%swap3A_35, %swap3A_36, %swap3A_37], %swap3A_40 {strides = array<i32>} : memref<4x1024x128xf32, #tpu.memory_space<vmem>>, vector<1x1024x128xf32>,
    %slice3A_41 = vector.extract_strided_slice %mul3A_20 {offsets = [0, 384], sizes = [1024, 128], strides = [1, 1]} : vector<1024x512xf32> to vector<1024x128xf32>
    %swap3A_42 = arith.constant 3 : index
    %swap3A_43 = arith.constant 0 : index
    %swap3A_44 = arith.constant 0 : index
    %swap3A_45 = vector.load %arg5[%swap3A_42, %swap3A_43, %swap3A_44] : memref<4x1024x128xf32, #tpu.memory_space<vmem>>, vector<1x1024x128xf32>
    %swap3A_46 = vector.shape_cast %swap3A_45 : vector<1x1024x128xf32> to vector<1024x128xf32>
    %swap3A_47 = vector.shape_cast %slice3A_41 : vector<1024x128xf32> to vector<1x1024x128xf32>
    tpu.vector_store %arg5[%swap3A_42, %swap3A_43, %swap3A_44], %swap3A_47 {strides = array<i32>} : memref<4x1024x128xf32, #tpu.memory_space<vmem>>, vector<1x1024x128xf32>,
    return
  }
  func.func @transform_0(%arg0: i32) -> (i32, i32, i32) {
    %c0_i32 = arith.constant 0 : i32
    %c0_i32_0 = arith.constant 0 : i32
    %c0_i32_1 = arith.constant 0 : i32
    return %c0_i32, %arg0, %c0_i32_0 : i32, i32, i32
  }
  func.func @transform_1(%arg0: i32) -> (i32, i32) {
    %c0_i32 = arith.constant 0 : i32
    %c0_i32_0 = arith.constant 0 : i32
    %c0_i32_1 = arith.constant 0 : i32
    return %c0_i32, %c0_i32_0 : i32, i32
  }
  func.func @transform_2(%arg0: i32) -> (i32, i32) {
    %c0_i32 = arith.constant 0 : i32
    %c0_i32_0 = arith.constant 0 : i32
    %c0_i32_1 = arith.constant 0 : i32
    return %c0_i32, %c0_i32_0 : i32, i32
  }
  func.func @transform_3(%arg0: i32) -> (i32, i32) {
    %c0_i32 = arith.constant 0 : i32
    %c0_i32_0 = arith.constant 0 : i32
    return %arg0, %c0_i32 : i32, i32
  }
  func.func @transform_4(%arg0: i32) -> (i32, i32, i32) {
    %c0_i32 = arith.constant 0 : i32
    %c0_i32_0 = arith.constant 0 : i32
    %c0_i32_1 = arith.constant 0 : i32
    return %c0_i32, %arg0, %c0_i32_0 : i32, i32, i32
  }
}

module attributes {stable_mosaic.version = 14 : i64} {
  func.func @_mlp_body(%arg0: i32, %arg1: memref<4x1024x128xf32, #tpu.memory_space<vmem>>, %arg2: memref<512x512xf32, #tpu.memory_space<vmem>>, %arg3: memref<1x512xf32, #tpu.memory_space<vmem>>, %arg4: memref<1024x1xf32, #tpu.memory_space<vmem>>, %arg5: memref<512x256xf32, #tpu.memory_space<vmem>>, %arg6: memref<1x256xf32, #tpu.memory_space<vmem>>, %arg7: memref<256x128xf32, #tpu.memory_space<vmem>>, %arg8: memref<1x128xf32, #tpu.memory_space<vmem>>, %arg9: memref<128x256xf32, #tpu.memory_space<vmem>>, %arg10: memref<1x256xf32, #tpu.memory_space<vmem>>, %arg11: memref<1024x256xf32, #tpu.memory_space<vmem>>) attributes {dimension_semantics = [#tpu.dimension_semantics<arbitrary>], iteration_bounds = array<i64: 10>, scalar_prefetch = 0 : i64, scratch_operands = 0 : i64, tpu.core_type = #tpu.core_type<tc>, window_params = [{transform_indices = @transform_0, window_bounds = array<i64: 4, 1024, 128>}, {pipeline_mode = #tpu.pipeline_mode<synchronous>, transform_indices = @transform_1, window_bounds = array<i64: 512, 512>}, {pipeline_mode = #tpu.pipeline_mode<synchronous>, transform_indices = @transform_2, window_bounds = array<i64: 1, 512>}, {transform_indices = @transform_3, window_bounds = array<i64: 1024, 1>}, {pipeline_mode = #tpu.pipeline_mode<synchronous>, transform_indices = @transform_4, window_bounds = array<i64: 512, 256>}, {pipeline_mode = #tpu.pipeline_mode<synchronous>, transform_indices = @transform_5, window_bounds = array<i64: 1, 256>}, {pipeline_mode = #tpu.pipeline_mode<synchronous>, transform_indices = @transform_6, window_bounds = array<i64: 256, 128>}, {pipeline_mode = #tpu.pipeline_mode<synchronous>, transform_indices = @transform_7, window_bounds = array<i64: 1, 128>}, {pipeline_mode = #tpu.pipeline_mode<synchronous>, transform_indices = @transform_8, window_bounds = array<i64: 128, 256>}, {pipeline_mode = #tpu.pipeline_mode<synchronous>, transform_indices = @transform_9, window_bounds = array<i64: 1, 256>}, {transform_indices = @transform_10, window_bounds = array<i64: 1024, 256>}]} {
    %get3A = arith.constant 0 : index
    %get3A_0 = arith.constant 0 : index
    %get3A_1 = arith.constant 0 : index
    %get3A_2 = vector.load %arg1[%get3A, %get3A_0, %get3A_1] : memref<4x1024x128xf32, #tpu.memory_space<vmem>>, vector<4x1024x128xf32>
    %slice3A = vector.extract_strided_slice %get3A_2 {offsets = [0, 0, 0], sizes = [1, 1024, 128], strides = [1, 1, 1]} : vector<4x1024x128xf32> to vector<1x1024x128xf32>
    %squeeze3A = vector.shape_cast %slice3A : vector<1x1024x128xf32> to vector<1024x128xf32>
    %slice3A_3 = vector.extract_strided_slice %get3A_2 {offsets = [1, 0, 0], sizes = [1, 1024, 128], strides = [1, 1, 1]} : vector<4x1024x128xf32> to vector<1x1024x128xf32>
    %squeeze3A_4 = vector.shape_cast %slice3A_3 : vector<1x1024x128xf32> to vector<1024x128xf32>
    %slice3A_5 = vector.extract_strided_slice %get3A_2 {offsets = [2, 0, 0], sizes = [1, 1024, 128], strides = [1, 1, 1]} : vector<4x1024x128xf32> to vector<1x1024x128xf32>
    %squeeze3A_6 = vector.shape_cast %slice3A_5 : vector<1x1024x128xf32> to vector<1024x128xf32>
    %slice3A_7 = vector.extract_strided_slice %get3A_2 {offsets = [3, 0, 0], sizes = [1, 1024, 128], strides = [1, 1, 1]} : vector<4x1024x128xf32> to vector<1x1024x128xf32>
    %squeeze3A_8 = vector.shape_cast %slice3A_7 : vector<1x1024x128xf32> to vector<1024x128xf32>
    %concatenate3A = tpu.concatenate %squeeze3A, %squeeze3A_4, %squeeze3A_6, %squeeze3A_8 in 1 : vector<1024x128xf32>, vector<1024x128xf32>, vector<1024x128xf32>, vector<1024x128xf32> -> vector<1024x512xf32>
    %get3A_9 = arith.constant 0 : index
    %get3A_10 = arith.constant 0 : index
    %get3A_11 = vector.load %arg2[%get3A_9, %get3A_10] : memref<512x512xf32, #tpu.memory_space<vmem>>, vector<512x512xf32>
    %dot_general3A = arith.constant dense<0.000000e+00> : vector<1024x512xf32>
    %dot_general3A_12 = tpu.matmul %concatenate3A, %get3A_11, %dot_general3A {dimension_numbers = #tpu.dot_dimension_numbers<[1], [0], [0], [1], [0, 0, 1, 1], [], []>, transpose_lhs_hint = false} : vector<1024x512xf32>, vector<512x512xf32>, vector<1024x512xf32> -> vector<1024x512xf32>
    %get3A_13 = arith.constant 0 : index
    %get3A_14 = arith.constant 0 : index
    %get3A_15 = vector.load %arg4[%get3A_13, %get3A_14] : memref<1024x1xf32, #tpu.memory_space<vmem>>, vector<1024x1xf32>
    %mul3A = vector.broadcast %get3A_15 : vector<1024x1xf32> to vector<1024x512xf32>
    %mul3A_16 = arith.mulf %dot_general3A_12, %mul3A : vector<1024x512xf32>
    %get3A_17 = arith.constant 0 : index
    %get3A_18 = arith.constant 0 : index
    %get3A_19 = vector.load %arg3[%get3A_17, %get3A_18] : memref<1x512xf32, #tpu.memory_space<vmem>>, vector<1x512xf32>
    %add3A = vector.broadcast %get3A_19 : vector<1x512xf32> to vector<1024x512xf32>
    %add3A_20 = arith.addf %mul3A_16, %add3A : vector<1024x512xf32>
    %max3A = arith.constant 0.000000e+00 : f32
    %max3A_21 = vector.broadcast %max3A : f32 to vector<1024x512xf32>
    %max3A_22 = arith.maximumf %add3A_20, %max3A_21 : vector<1024x512xf32>
    %get3A_23 = arith.constant 0 : index
    %get3A_24 = arith.constant 0 : index
    %get3A_25 = vector.load %arg5[%get3A_23, %get3A_24] : memref<512x256xf32, #tpu.memory_space<vmem>>, vector<512x256xf32>
    %dot_general3A_26 = arith.constant dense<0.000000e+00> : vector<1024x256xf32>
    %dot_general3A_27 = tpu.matmul %max3A_22, %get3A_25, %dot_general3A_26 {dimension_numbers = #tpu.dot_dimension_numbers<[1], [0], [0], [1], [0, 0, 1, 1], [], []>, transpose_lhs_hint = false} : vector<1024x512xf32>, vector<512x256xf32>, vector<1024x256xf32> -> vector<1024x256xf32>
    %get3A_28 = arith.constant 0 : index
    %get3A_29 = arith.constant 0 : index
    %get3A_30 = vector.load %arg6[%get3A_28, %get3A_29] : memref<1x256xf32, #tpu.memory_space<vmem>>, vector<1x256xf32>
    %add3A_31 = vector.broadcast %get3A_30 : vector<1x256xf32> to vector<1024x256xf32>
    %add3A_32 = arith.addf %dot_general3A_27, %add3A_31 : vector<1024x256xf32>
    %max3A_33 = arith.constant 0.000000e+00 : f32
    %max3A_34 = vector.broadcast %max3A_33 : f32 to vector<1024x256xf32>
    %max3A_35 = arith.maximumf %add3A_32, %max3A_34 : vector<1024x256xf32>
    %get3A_36 = arith.constant 0 : index
    %get3A_37 = arith.constant 0 : index
    %get3A_38 = vector.load %arg7[%get3A_36, %get3A_37] : memref<256x128xf32, #tpu.memory_space<vmem>>, vector<256x128xf32>
    %dot_general3A_39 = arith.constant dense<0.000000e+00> : vector<1024x128xf32>
    %dot_general3A_40 = tpu.matmul %max3A_35, %get3A_38, %dot_general3A_39 {dimension_numbers = #tpu.dot_dimension_numbers<[1], [0], [0], [1], [0, 0, 1, 1], [], []>, transpose_lhs_hint = false} : vector<1024x256xf32>, vector<256x128xf32>, vector<1024x128xf32> -> vector<1024x128xf32>
    %get3A_41 = arith.constant 0 : index
    %get3A_42 = arith.constant 0 : index
    %get3A_43 = vector.load %arg8[%get3A_41, %get3A_42] : memref<1x128xf32, #tpu.memory_space<vmem>>, vector<1x128xf32>
    %add3A_44 = vector.broadcast %get3A_43 : vector<1x128xf32> to vector<1024x128xf32>
    %add3A_45 = arith.addf %dot_general3A_40, %add3A_44 : vector<1024x128xf32>
    %max3A_46 = arith.constant 0.000000e+00 : f32
    %max3A_47 = vector.broadcast %max3A_46 : f32 to vector<1024x128xf32>
    %max3A_48 = arith.maximumf %add3A_45, %max3A_47 : vector<1024x128xf32>
    %get3A_49 = arith.constant 0 : index
    %get3A_50 = arith.constant 0 : index
    %get3A_51 = vector.load %arg9[%get3A_49, %get3A_50] : memref<128x256xf32, #tpu.memory_space<vmem>>, vector<128x256xf32>
    %dot_general3A_52 = arith.constant dense<0.000000e+00> : vector<1024x256xf32>
    %dot_general3A_53 = tpu.matmul %max3A_48, %get3A_51, %dot_general3A_52 {dimension_numbers = #tpu.dot_dimension_numbers<[1], [0], [0], [1], [0, 0, 1, 1], [], []>, transpose_lhs_hint = false} : vector<1024x128xf32>, vector<128x256xf32>, vector<1024x256xf32> -> vector<1024x256xf32>
    %get3A_54 = arith.constant 0 : index
    %get3A_55 = arith.constant 0 : index
    %get3A_56 = vector.load %arg10[%get3A_54, %get3A_55] : memref<1x256xf32, #tpu.memory_space<vmem>>, vector<1x256xf32>
    %add3A_57 = vector.broadcast %get3A_56 : vector<1x256xf32> to vector<1024x256xf32>
    %add3A_58 = arith.addf %dot_general3A_53, %add3A_57 : vector<1024x256xf32>
    %swap3A = arith.constant 0 : index
    %swap3A_59 = arith.constant 0 : index
    %swap3A_60 = vector.load %arg11[%swap3A, %swap3A_59] : memref<1024x256xf32, #tpu.memory_space<vmem>>, vector<1024x256xf32>
    tpu.vector_store %arg11[%swap3A, %swap3A_59], %add3A_58 {strides = array<i32>} : memref<1024x256xf32, #tpu.memory_space<vmem>>, vector<1024x256xf32>,
    return
  }
  func.func @transform_0(%arg0: i32) -> (i32, i32, i32) {
    %c0_i32 = arith.constant 0 : i32
    %c0_i32_0 = arith.constant 0 : i32
    %c0_i32_1 = arith.constant 0 : i32
    return %c0_i32, %arg0, %c0_i32_0 : i32, i32, i32
  }
  func.func @transform_1(%arg0: i32) -> (i32, i32) {
    %c0_i32 = arith.constant 0 : i32
    %c0_i32_0 = arith.constant 0 : i32
    %c0_i32_1 = arith.constant 0 : i32
    return %c0_i32, %c0_i32_0 : i32, i32
  }
  func.func @transform_2(%arg0: i32) -> (i32, i32) {
    %c0_i32 = arith.constant 0 : i32
    %c0_i32_0 = arith.constant 0 : i32
    %c0_i32_1 = arith.constant 0 : i32
    return %c0_i32, %c0_i32_0 : i32, i32
  }
  func.func @transform_3(%arg0: i32) -> (i32, i32) {
    %c0_i32 = arith.constant 0 : i32
    %c0_i32_0 = arith.constant 0 : i32
    return %arg0, %c0_i32 : i32, i32
  }
  func.func @transform_4(%arg0: i32) -> (i32, i32) {
    %c0_i32 = arith.constant 0 : i32
    %c0_i32_0 = arith.constant 0 : i32
    %c0_i32_1 = arith.constant 0 : i32
    return %c0_i32, %c0_i32_0 : i32, i32
  }
  func.func @transform_5(%arg0: i32) -> (i32, i32) {
    %c0_i32 = arith.constant 0 : i32
    %c0_i32_0 = arith.constant 0 : i32
    %c0_i32_1 = arith.constant 0 : i32
    return %c0_i32, %c0_i32_0 : i32, i32
  }
  func.func @transform_6(%arg0: i32) -> (i32, i32) {
    %c0_i32 = arith.constant 0 : i32
    %c0_i32_0 = arith.constant 0 : i32
    %c0_i32_1 = arith.constant 0 : i32
    return %c0_i32, %c0_i32_0 : i32, i32
  }
  func.func @transform_7(%arg0: i32) -> (i32, i32) {
    %c0_i32 = arith.constant 0 : i32
    %c0_i32_0 = arith.constant 0 : i32
    %c0_i32_1 = arith.constant 0 : i32
    return %c0_i32, %c0_i32_0 : i32, i32
  }
  func.func @transform_8(%arg0: i32) -> (i32, i32) {
    %c0_i32 = arith.constant 0 : i32
    %c0_i32_0 = arith.constant 0 : i32
    %c0_i32_1 = arith.constant 0 : i32
    return %c0_i32, %c0_i32_0 : i32, i32
  }
  func.func @transform_9(%arg0: i32) -> (i32, i32) {
    %c0_i32 = arith.constant 0 : i32
    %c0_i32_0 = arith.constant 0 : i32
    %c0_i32_1 = arith.constant 0 : i32
    return %c0_i32, %c0_i32_0 : i32, i32
  }
  func.func @transform_10(%arg0: i32) -> (i32, i32) {
    %c0_i32 = arith.constant 0 : i32
    %c0_i32_0 = arith.constant 0 : i32
    return %arg0, %c0_i32 : i32, i32
  }
}

</mosaic_0001>

<sc_bundles>
// kernel: kernel.11.cloned.1.call-start
scs
__scs_entry_jumppad:
0x0: {  	(pc) =	sbr.rel $0x88, $3  }
0x1: {  	(tag) =	ssettag $0x0;
	lr =	simm.s32 $0x1  }
0x2: {  	[smem:$0x3F95] =	sst lr;
	_ =	strace $0xD0000000  }
0x3: {  	_ = 	snop  }
0x4: {  	_ = 	snop  }
0x5: {  	_ = 	snop  }
0x6: {  	_ = 	snop  }
0x7: {  	_ = 	snop  }
__scs_overlays_trampoline_lowered:
0x8: {  	[smem:$0x3FA4] =	sst s0  }
0x9: {  	[smem:$0x3FA5] =	sst s1  }
0xa: {  	[smem:$0x3FA6] =	sst s2  }
0xb: {  	[smem:$0x3FA7] =	sst s3  }
0xc: {  	[smem:$0x3FA8] =	sst s4  }
0xd: {  	[smem:$0x3FA9] =	sst s5  }
0xe: {  	[smem:$0x3FAA] =	sst s6  }
0xf: {  	[smem:$0x3FAB] =	sst s7  }
0x10: {  	[smem:$0x3FAC] =	sst s8  }
0x11: {  	[smem:$0x3FAD] =	sst s9;
	s0 =	simm.s32 @!p0 $0x0  }
0x12: {  	s1 =	sld [smem:$0x3F93];
	s0 =	simm.s32 @p0 $0x1  }
0x13: {  	[smem:$0x3FAE] =	sst s0;
	s0 =	simm.s32 @!p1 $0x0  }
0x14: {  	s2 =	sld [smem:$0x3F92];
	s0 =	simm.s32 @p1 $0x1  }
0x15: {  	[smem:$0x3FAF] =	sst s0;
	s0 =	simm.s32 @!p2 $0x0  }
0x16: {  	s3 =	sld [smem:$0x3FDB];
	s0 =	simm.s32 @p2 $0x1  }
0x17: {  	s4 =	simm.s32 $0x1BF5;
	[smem:$0x3FB1] =	sst s0  }
0x18: {  	s0 =	sld [smem:$0x3F94];
	_ =	swait.ge [sflag:s4], $0x0  }
0x19: {  	s7 =	sld [smem:$0x3F95]  }
0x1a: {  	s8 =	sadd.s32 $0xFFFFE003, lr  }
0x1b: {  	s9 =	sadd.s32 $0xFFFFFEF7, lr;
	s5 =	simm.s32 $0xFFFFFFFF;
	p2 =	slt.u32 s8, $0xFFFFF086  }
0x1c: {  	p1 =	slt.u32 s9, $0xF7A;
	s5 =	simm.s32 @!p2 $0x0  }
0x1d: {  	s5 =	simm.s32 @p1 $0x1;
	p0 =	seq.s32 s7, s2  }
0x1e: {  	s7 =	smul.u32 @!p0 $0xF7A, s2;
	p2 =	seq.s32 @!p0 s5, $0x0  }
0x1f: {  	s9 =	smul.u32 $0xF7A, s1;
	s8 =	simm.s32 @!p0 $0x1BF5;
	p2 =	por !p2, p0  }
0x20: {  	[sflag:s8] =	ssyncset.s32 @!p0 $0xFFFFF086;
	s6 =	sadd.s32 @!p0 s3, s7;
	s7 =	simm.s32 @!p0 $0x108  }
0x21: {  	s3 =	sadd.s32 s3, s9;
	s6 =	sadd.s32 @!p0 $0x88, s6;
	s7 =	simm.s32 @p2 $0x1082  }
0x22: {  	[simem:s7], [sflag:s8] =	dma.local @!p0 [hbm:s6], $0xF7A  }
0x23: {  	s9 =	sor.u32 $0xD0000000, s2;
	s6 =	simm.s32 $0x108;
	_ =	swait.ge @!p0 [sflag:s8], $0x0  }
0x24: {  	s3 =	sadd.s32 $0x88, s3;
	s6 =	simm.s32 @!p1 $0x1082;
	[sflag:s4] =	ssyncset.s32 $0xFFFFF086  }
0x25: {  	[simem:s6], [sflag:s4] =	dma.local [hbm:s3], $0xF7A  }
0x26: {  	[smem:$0x3F95] =	sst s1;
	(tag) =	ssettag s2;
	_ =	strace s9  }
0x27: {  	s1 =	sld [smem:$0x3FA5]  }
0x28: {  	s2 =	sld [smem:$0x3FA6]  }
0x29: {  	s4 =	sld [smem:$0x3FA8]  }
0x2a: {  	p0 =	seq.s32 s5, $0x0;
	s5 =	sld [smem:$0x3FA9]  }
0x2b: {  	s6 =	sld [smem:$0x3FAA]  }
0x2c: {  	s7 =	sld [smem:$0x3FAB]  }
0x2d: {  	s3 =	simm.s32 $0x108;
	s8 =	sld [smem:$0x3FAC]  }
0x2e: {  	s3 =	simm.s32 @!p0 $0x1082;
	s9 =	sld [smem:$0x3FAD]  }
0x2f: {  	lr =	sadd.s32 s0, s3;
	s0 =	sld [smem:$0x3FA4]  }
0x30: {  	s3 =	sld [smem:$0x3FA7]  }
0x31: {  	[smem:$0x3FB0] =	sst s10  }
0x32: {  	s10 =	sld [smem:$0x3FAE];
	_ =	sdelay $0x3  }
0x33: {  	p0 =	seq.s32 s10, $0x1;
	s10 =	sld [smem:$0x3FB0];
	_ =	sdelay $0x3  }
0x34: {  	[smem:$0x3FB0] =	sst s10  }
0x35: {  	s10 =	sld [smem:$0x3FAF];
	_ =	sdelay $0x3  }
0x36: {  	p1 =	seq.s32 s10, $0x1;
	s10 =	sld [smem:$0x3FB0];
	_ =	sdelay $0x3  }
0x37: {  	[smem:$0x3FB0] =	sst s10  }
0x38: {  	s10 =	sld [smem:$0x3FB1]  }
0x39: {  	_ = 	snop;
	(pc) =	sbr.ind lr, $3  }
0x3a: {  	_ = 	snop  }
0x3b: {  	_ = 	snop  }
0x3c: {  	p2 =	seq.s32 s10, $0x1;
	s10 =	sld [smem:$0x3FB0]  }
0x3d: {  	_ =	shalt  }
0x3e: {  	_ =	shalt  }
0x3f: {  	_ =	shalt  }
0x40: {  	_ =	shalt  }
0x41: {  	_ =	shalt  }
0x42: {  	_ =	shalt  }
0x43: {  	_ =	shalt  }
0x44: {  	_ =	shalt  }
0x45: {  	_ =	shalt  }
0x46: {  	_ =	shalt  }
0x47: {  	_ =	shalt  }
0x48: {  	_ =	shalt  }
0x49: {  	_ =	shalt  }
0x4a: {  	_ =	shalt  }
0x4b: {  	_ =	shalt  }
0x4c: {  	_ =	shalt  }
0x4d: {  	_ =	shalt  }
0x4e: {  	_ =	shalt  }
0x4f: {  	_ =	shalt  }
0x50: {  	_ =	shalt  }
0x51: {  	_ =	shalt  }
0x52: {  	_ =	shalt  }
0x53: {  	_ =	shalt  }
0x54: {  	_ =	shalt  }
0x55: {  	_ =	shalt  }
0x56: {  	_ =	shalt  }
0x57: {  	_ =	shalt  }
0x58: {  	_ =	shalt  }
0x59: {  	_ =	shalt  }
0x5a: {  	_ =	shalt  }
0x5b: {  	_ =	shalt  }
0x5c: {  	_ =	shalt  }
0x5d: {  	_ =	shalt  }
0x5e: {  	_ =	shalt  }
0x5f: {  	_ =	shalt  }
0x60: {  	_ =	shalt  }
0x61: {  	_ =	shalt  }
0x62: {  	_ =	shalt  }
0x63: {  	_ =	shalt  }
0x64: {  	_ =	shalt  }
0x65: {  	_ =	shalt  }
0x66: {  	_ =	shalt  }
0x67: {  	_ =	shalt  }
0x68: {  	_ =	shalt  }
0x69: {  	_ =	shalt  }
0x6a: {  	_ =	shalt  }
0x6b: {  	_ =	shalt  }
0x6c: {  	_ =	shalt  }
0x6d: {  	_ =	shalt  }
0x6e: {  	_ =	shalt  }
0x6f: {  	_ =	shalt  }
0x70: {  	_ =	shalt  }
0x71: {  	_ =	shalt  }
0x72: {  	_ =	shalt  }
0x73: {  	_ =	shalt  }
0x74: {  	_ =	shalt  }
0x75: {  	_ =	shalt  }
0x76: {  	_ =	shalt  }
0x77: {  	_ =	shalt  }
0x78: {  	_ =	shalt  }
0x79: {  	_ =	shalt  }
0x7a: {  	_ =	shalt  }
0x7b: {  	_ =	shalt  }
0x7c: {  	_ =	shalt  }
0x7d: {  	_ =	shalt  }
0x7e: {  	_ =	shalt  }
0x7f: {  	_ =	shalt  }
0x80: {  	_ =	shalt  }
0x81: {  	_ =	shalt  }
0x82: {  	_ =	shalt  }
0x83: {  	_ =	shalt  }
0x84: {  	_ =	shalt  }
0x85: {  	_ =	shalt  }
0x86: {  	_ =	shalt  }
0x87: {  	_ =	shalt  }
.Lfunc_end0:
.L_simem_size_0:
called_computation.1_lowered:
.L_overlay_start_0:
0x88: {  	s2 =	sld [smem:$0x3FD9]  }
0x89: {  	s3 =	sld [smem:$0x3FFE];
	_ =	sdelay $0x1  }
0x8a: {  	s1 =	srdreg.scid  }
0x8b: {  	s0 =	sand.u32 $0x1, s1  }
0x8c: {  	s16 =	sshll.u32 s0, $0xA;
	s2 =	sadd.s32 s3, s2  }
0x8d: {  	s2 =	sadd.s32 s2, s16  }
0x8e: {  	[smem:$0x3FBC] =	sst s2  }
0x8f: {  	_ = 	snop  }
0x90: {  	(tm) =	ssettm $0x1  }
0x91: {  	s17 =	sld [smem:$0x3FFB];
	_ =	sdelay $0x3  }
0x92: {  	_ =	strace s17  }
0x93: {  	s2 =	sld [smem:$0x3FFC];
	_ =	sdelay $0x3  }
0x94: {  	_ =	strace s2  }
0x95: {  	s2 =	sld [smem:$0x3FFD];
	_ =	sdelay $0x3  }
0x96: {  	_ =	strace s2  }
0x97: {  	_ =	strace $0x8FFFFFFF  }
0x98: {  	s18 =	sld [smem:$0x3FDB];
	_ =	sdelay $0x1  }
0x99: {  	s19 =	simm.s32 $_scs_section_size  }
0x9a: {  	s4 =	simm.s32 $_size__tile_overlayer_lowered;
	s5 =	simm.s32 $_tile_overlayer_lowered  }
0x9b: {  	s22 =	simm.s32 $0x1BFF;
	s21 =	sshll.u32 s5, $0x1;
	s2 =	sadd.s32 s19, s18  }
0x9c: {  	s6 =	simm.s32 $0x0;
	s20 =	sshll.u32 s4, $0x1;
	s4 =	sadd.s32 s21, s2  }
0x9d: {  	[timem:s6], [sflag:s22] =	dma.local [hbm:s4], s20  }
0x9e: {  	_ =	swait.ge [sflag:s22], s20  }
0x9f: {  	s3 =	ssub.s32 $0x0, s20;
	[sflag:s22] =	ssyncset.done $0x0  }
0xa0: {  	[sflag:s22] =	ssyncadd.s32 s3;
	_ =	sdelay $0x1  }
0xa1: {  	s23 =	simm.s32 $0x1B8B  }
0xa2: {  	_ =	swait.ge [sflag:s23], $0x1  }
0xa3: {  	[sflag:s23] =	ssyncset.done $0x0  }
0xa4: {  	s25 =	simm.s32 $0x1B8E;
	s24 =	sld [smem:$0x3FFE];
	[sflag:s23] =	ssyncadd.s32 $0xFFFFFFFF  }
0xa5: {  	s26 =	simm.s32 $execute0_lowered;
	[smem:$0x3FD2] =	sst s25  }
0xa6: {  	s4 =	sshll.u32 s26, $0x1;
	_ =	strace $0x80000049;
	[dreg:$0x1] =	wrdreg $0xFFFFFFFF  }
0xa7: {  	s28 =	simm.s32 $_size_execute0_lowered;
	s2 =	sadd.s32 s2, s4;
	[dreg:$0x0] =	wrdreg $0x0  }
0xa8: {  	s4 =	sshll.u32 s28, $0x1;
	[dreg:$0x2] =	wrdreg s2  }
0xa9: {  	[dreg:$0x3] =	wrdreg s4  }
0xaa: {  	[dreg:$0x4] =	wrdreg $0xC0  }
0xab: {  	_ =	task [dreg:s6], $0x5FFFF  }
0xac: {  	[dreg:$0x1] =	wrdreg $0xFFFFFFFF  }
0xad: {  	[dreg:$0x0] =	wrdreg $0x60  }
0xae: {  	[dreg:$0x2] =	wrdreg s24  }
0xaf: {  	[dreg:$0x3] =	wrdreg $0x83000  }
0xb0: {  	[dreg:$0x4] =	wrdreg $0x9  }
0xb1: {  	_ =	task.clear_ibuf [dreg:s6], $0x5FFFF;
	_ =	strace $0x90000049  }
0xb2: {  	s29 =	simm.s32 $0x9;
	_ =	strace $0x8000004B  }
0xb3: {  	_ =	swait.ge [sflag:s29], $0x1  }
0xb4: {  	[sflag:s29] =	ssyncadd.s32 $0xFFFFFFFF  }
0xb5: {  	_ =	strace $0x9000004B  }
0xb6: {  	_ =	sfence  }
0xb7: {  	s30 =	sld [smem:$0x0];
	_ =	sdelay $0x2  }
0xb8: {  	s31 =	sshll.u32 s1, $0xD;
	s1 =	sshrl.u32 s1, $0x2  }
0xb9: {  	s3 =	sand.u32 $0x4000, s31;
	s1 =	sadd.s32 s1, s30  }
0xba: {  	s0 =	sor.u32 s3, s0;
	s1 =	sshll.u32 s1, $0x11  }
0xbb: {  	s0 =	sor.u32 s1, s0  }
0xbc: {  	s0 =	sadd.s32 $0x8F2B, s0  }
0xbd: {  	[sflag:s0] =	ssyncadd.remote.s32 $0x1  }
0xbe: {  	_ =	sfence.sel $0xFFFF  }
0xbf: {  	[dreg:$0x0] =	wrdreg $0xFFFFFFFF;
	(pc) =	sbr.abs _section_cstart, $3  }
0xc0: {  	[dreg:$0x1] =	wrdreg $0xFFFFFFFF  }
0xc1: {  	_ =	task.clear_ibuf [dreg:s6], $0x2FFFF;
	_ =	strace $0x9FFFFFFF  }
0xc2: {  	(tm) =	ssettm $0x7FFFFFFF  }
0xc3: {  	_ =	shalt  }
tec
execute0_lowered:
.L_overlay_start_1:
0x0: {  	(tag) =	ssettag $0x1  }
0x1: {  	s5 =	rddreg [dreg:$0x0]  }
0x2: {  	s1 =	rddreg [dreg:$0x1]  }
0x3: {  	s2 =	srdreg.scid;
	s0 =	rddreg [dreg:$0x2];
	s3 =	simm.s32 $0x0  }
0x4: {  	s15 =	simm.s32 $0x100;
	s16 =	simm.s32 $0x80;
	s17 =	simm.s32 $0x180  }
0x5: {  	s18 =	simm.s32 $0x4180;
	s19 =	simm.s32 $0x4280;
	s20 =	simm.s32 $0x1  }
0x6: {  	s21 =	simm.s32 $0x4200;
	s23 =	simm.s32 $0x2;
	s6 =	sand.u32 $0x1, s2  }
0x7: {  	s24 =	simm.s32 $0x0;
	s2 =	stileid.u32;
	s22 =	smul.u32 $0x2800, s6  }
0x8: {  	[smem:$0x7FF] =	sst s3;
	s4 =	sadd.s32 $0xCC00, s5;
	s7 =	smul.u32 $0x280, s2  }
0x9: {  	s11 =	sadd.s32 $0x2C00, s5;
	s12 =	sadd.s32 $0x7C00, s5;
	s8 =	smul.u32 $0x50000, s2  }
0xa: {  	_ =	strace $0x8000004A;
	s6 =	ssub.s32 $0x2, s6;
	s30 =	smul.u32 $0x2800, s2  }
0xb: {  	s31 =	sshll.u32 s2, $0x6;
	s14 =	smul.u32 $0x500, s2;
	s28 =	sshrl.u32 s6, $0x1  }
0xc: {  	s7 =	sadd.s32 s7, s22;
	s10 =	ssub.s32 s6, s28;
	s29 =	sshrl.u32 s8, $0x2  }
0xd: {  	s6 =	sor.u32 $0x1C03, s31;
	s8 =	sshrl.u32 s30, $0x3;
	v0 =	vmov s22;
	s22 =	simm.s32 $0x4300  }
0xe: {  	s7 =	sshll.u32 s7, $0x4;
	s13 =	sadd.s32 s29, s1;
	s10 =	smax.u32 s10, $0x1  }
0xf: {  	s9 =	sadd.s32 s7, s5;
	s5 =	sadd.s32 s4, s7;
	s7 =	sadd.s32 s11, s8  }
0x10: {  	s8 =	sadd.s32 s12, s8;
	s11 =	sadd.s32 s14, s11;
	s12 =	sadd.s32 s14, s12  }
0x11: {  	s13 =	sshrl.u32 s13, $0x3;
	s14 =	simm.s32 $0x3;
	s9 =	sadd.s32 $0x5CC00, s9  }
.LBB2_1:
0x12: {  	[spmem:s13], [sflag:s6] =	dma.local [hbm:s5], $0x2800  }
0x13: {  	_ =	swait.ge [sflag:s14], $0x2800  }
0x14: {  	[sflag:s14] =	ssyncset.done $0x0  }
0x15: {  	[sflag:s14] =	ssyncadd.s32 $0xFFFFD800  }
0x16: {  	[bflag:$0x0] =	sbarrier.arrive $0xFFFF  }
0x17: {  	[tilespmem:s3], [sflag:$0x3] =	stream.linear.gather [hbm4b:s7+s3], $0x80, $0x38;
	[tilespmem:$0x1C300] =	vst v63  }
0x18: {  	_ =	swait.ge [sflag:s14], $0x80  }
0x19: {  	[sflag:s14] =	ssyncset.done $0x0  }
0x1a: {  	[sflag:s14] =	ssyncadd.s32 $0xFFFFFF80  }
0x1b: {  	v1 =	vld [tilespmem:$0x0]  }
0x1c: {  	v2 =	vld [tilespmem:$0x10]  }
0x1d: {  	v3 =	vld [tilespmem:$0x20]  }
0x1e: {  	v4 =	vld [tilespmem:$0x30]  }
0x1f: {  	v5 =	vld [tilespmem:$0x40]  }
0x20: {  	v6 =	vld [tilespmem:$0x50];
	v1 =	vadd.s32 v0, v1  }
0x21: {  	[tilespmem:$0x80] =	vst v1;
	v1 =	vadd.s32 v0, v2;
	v2 =	vld [tilespmem:$0x60]  }
0x22: {  	[tilespmem:$0x90] =	vst v1;
	v1 =	vadd.s32 v0, v3;
	v3 =	vld [tilespmem:$0x70]  }
0x23: {  	[tilespmem:$0xA0] =	vst v1;
	v1 =	vadd.s32 v0, v4  }
0x24: {  	[tilespmem:$0xB0] =	vst v1;
	v1 =	vadd.s32 v0, v5  }
0x25: {  	[tilespmem:$0xC0] =	vst v1;
	v1 =	vadd.s32 v0, v6  }
0x26: {  	[tilespmem:$0xD0] =	vst v1;
	v1 =	vadd.s32 v0, v2  }
0x27: {  	[tilespmem:$0xE0] =	vst v1;
	v1 =	vadd.s32 v0, v3  }
0x28: {  	[tilespmem:$0xF0] =	vst v1  }
0x29: {  	[tilespmem:s15], [sflag:$0x3] =	stream.linear.gather [hbm4b:s8+s3], $0x80, $0x38;
	[tilespmem:$0x1C300] =	vst v63  }
0x2a: {  	_ =	swait.ge [sflag:s14], $0x80  }
0x2b: {  	[sflag:s14] =	ssyncset.done $0x0  }
0x2c: {  	s25 =	sadd.s32 $0x0, s11;
	[sflag:s14] =	ssyncadd.s32 $0xFFFFFF80  }
0x2d: {  	[tilespmem:s17], [sflag:$0x1] =	stream.indirect.gather [hbm4b:s4+s16], $0x80, s16, s16, $0xb8;
	[tilespmem:$0x1C300] =	vst v63  }
0x2e: {  	s25 =	sadd.s32 $0x10, s25  }
0x2f: {  	[tilespmem:s18], [sflag:$0x3] =	stream.linear.gather [hbm4b:s25+s3], $0x80, $0x38;
	[tilespmem:$0x1C300] =	vst v63  }
0x30: {  	_ =	swait.ge [sflag:s14], $0x80  }
0x31: {  	[sflag:s14] =	ssyncset.done $0x0  }
0x32: {  	[sflag:s14] =	ssyncadd.s32 $0xFFFFFF80  }
0x33: {  	v1 =	vld [tilespmem:$0x41F0]  }
0x34: {  	v2 =	vld [tilespmem:$0x41E0]  }
0x35: {  	v3 =	vld [tilespmem:$0x41B0]  }
0x36: {  	v5 =	vld [tilespmem:$0x4190]  }
0x37: {  	v4 =	vld [tilespmem:$0x41D0]  }
0x38: {  	v7 =	vld [tilespmem:$0x4180];
	v1 =	vadd.s32 v0, v1  }
0x39: {  	v63 =	vld [tilespmem:$0x41A0];
	v2 =	vadd.s32 v0, v2;
	[tilespmem:$0x4270] =	vst v1  }
0x3a: {  	v1 =	vadd.s32 v0, v3;
	v3 =	vld [tilespmem:$0x41C0];
	[tilespmem:$0x4260] =	vst v2  }
0x3b: {  	v2 =	vadd.s32 v0, v5;
	[tilespmem:$0x4230] =	vst v1  }
0x3c: {  	v1 =	vadd.s32 v0, v4;
	[tilespmem:$0x4210] =	vst v2  }
0x3d: {  	v2 =	vadd.s32 v0, v7;
	[tilespmem:$0x4250] =	vst v1  }
0x3e: {  	v1 =	vadd.s32 v0, v63;
	[tilespmem:$0x4200] =	vst v2  }
0x3f: {  	s31 =	sadd.s32 $0x0, s12;
	[tilespmem:$0x4220] =	vst v1;
	v1 =	vadd.s32 v0, v3  }
0x40: {  	s25 =	sadd.s32 $0x10, s31;
	[tilespmem:$0x4240] =	vst v1  }
0x41: {  	[tilespmem:s19], [sflag:$0x3] =	stream.linear.gather [hbm4b:s25+s3], $0x80, $0x38;
	[tilespmem:$0x1C300] =	vst v63  }
0x42: {  	_ =	swait.ge [sflag:s14], $0x80  }
0x43: {  	[sflag:s14] =	ssyncset.done $0x0  }
0x44: {  	[sflag:s14] =	ssyncadd.s32 $0xFFFFFF80  }
0x45: {  	_ =	swait.ge [sflag:s20], $0x4000  }
0x46: {  	[sflag:s20] =	ssyncset.done $0x0  }
0x47: {  	[sflag:s20] =	ssyncadd.s32 $0xFFFFC000  }
0x48: {  	[tilespmem:s22], [sflag:$0x2] =	stream.indirect.gather [hbm4b:s4+s16], $0x80, s21, s16, $0xb8;
	[tilespmem:$0x1C300] =	vst v63  }
0x49: {  	_ = 	snop  }
0x4a: {  	[spmem:s1] =	stream.indirect.scatter.add.f32 [tilespmem:s17], [sflag:$0x3], $0x80, s15, s16, $0xb8;
	[tilespmem:$0x1C300] =	vst v63  }
0x4b: {  	p1 =	por $0x0, $0x0;
	_ =	swait.ge [sflag:s14], $0x4000  }
0x4c: {  	s28 =	simm.s32 @!p1 $0x3;
	s25 =	sadd.s32 @!p1 $0x0, s11;
	[sflag:s14] =	ssyncset.done $0x0  }
0x4d: {  	s29 =	simm.s32 @!p1 $0x0;
	s25 =	sadd.s32 @!p1 $0x20, s25;
	[sflag:s14] =	ssyncadd.s32 $0xFFFFC000  }
0x4e: {  	[tilespmem:s29], [sflag:$0x3] =	stream.linear.gather @!p1 [hbm4b:s25+s29], $0x80, $0x38;
	[tilespmem:$0x1C300] =	vst v63  }
0x4f: {  	_ =	swait.ge @!p1 [sflag:s28], $0x80  }
0x50: {  	[sflag:s28] =	ssyncset.done @!p1 $0x0  }
0x51: {  	[sflag:s28] =	ssyncadd.s32 @!p1 $0xFFFFFF80  }
0x52: {  	v2 =	vld @!p1 [tilespmem:$0x70]  }
0x53: {  	s26 =	sadd.s32 @!p1 $0x0, s12;
	v3 =	vld @!p1 [tilespmem:$0x0]  }
0x54: {  	s30 =	sadd.s32 @!p1 $0x20, s26;
	s25 =	simm.s32 $0x20;
	v1 =	vld @!p1 [tilespmem:$0x30]  }
.LBB2_2:
0x55: {  	v4 =	vld @!p1 [tilespmem:$0x60];
	s26 =	smov.u32 s25;
	s25 =	sadd.s32 $0x20, s25  }
0x56: {  	p0 =	sne.s32 s25, $0x500;
	v5 =	vld @!p1 [tilespmem:$0x10]  }
0x57: {  	v6 =	vld @!p1 [tilespmem:$0x20];
	v2 =	vadd.s32 @!p1 v0, v2  }
0x58: {  	v3 =	vadd.s32 @!p1 v0, v3;
	v7 =	vld @!p1 [tilespmem:$0x40];
	[tilespmem:$0xF0] =	vst @!p1 v2  }
0x59: {  	[tilespmem:$0x80] =	vst @!p1 v3;
	v1 =	vadd.s32 @!p1 v0, v1;
	v2 =	vld @!p1 [tilespmem:$0x50]  }
0x5a: {  	v3 =	vadd.s32 @!p1 v0, v4  }
0x5b: {  	v4 =	vadd.s32 @!p1 v0, v5;
	[tilespmem:$0xB0] =	vst @!p1 v1  }
0x5c: {  	[tilespmem:$0x90] =	vst @!p1 v4;
	v1 =	vadd.s32 @!p1 v0, v6  }
0x5d: {  	[tilespmem:$0xA0] =	vst @!p1 v1;
	v1 =	vadd.s32 @!p1 v0, v7  }
0x5e: {  	[tilespmem:$0xC0] =	vst @!p1 v1;
	v1 =	vadd.s32 @!p1 v0, v2  }
0x5f: {  	[tilespmem:$0xD0] =	vst @!p1 v1  }
0x60: {  	s31 =	simm.s32 @!p1 $0x100;
	[tilespmem:$0xE0] =	vst @!p1 v3  }
0x61: {  	[tilespmem:s31], [sflag:$0x3] =	stream.linear.gather @!p1 [hbm4b:s30+s29], $0x80, $0x38;
	[tilespmem:$0x1C300] =	vst v63  }
0x62: {  	_ =	swait.ge @!p1 [sflag:s28], $0x80  }
0x63: {  	[sflag:s28] =	ssyncset.done @!p1 $0x0  }
0x64: {  	s29 =	simm.s32 @!p1 $0x180;
	[sflag:s28] =	ssyncadd.s32 @!p1 $0xFFFFFF80;
	s28 =	simm.s32 @!p1 $0x80  }
0x65: {  	[tilespmem:s29], [sflag:$0x1] =	stream.indirect.gather @!p1 [hbm4b:s4+s28], $0x80, s28, s28, $0xb8;
	[tilespmem:$0x1C300] =	vst v63  }
0x66: {  	_ =	swait.ge [sflag:s23], $0x4000  }
0x67: {  	[sflag:s23] =	ssyncset.done $0x0  }
0x68: {  	[sflag:s23] =	ssyncadd.s32 $0xFFFFC000  }
0x69: {  	[spmem:s1] =	stream.indirect.scatter.add.f32 [tilespmem:s22], [sflag:$0x3], $0x80, s19, s16, $0xb8;
	[tilespmem:$0x1C300] =	vst v63  }
0x6a: {  	_ =	swait.ge [sflag:s14], $0x4000  }
0x6b: {  	s28 =	sadd.s32 s26, s11;
	[sflag:s14] =	ssyncset.done $0x0  }
0x6c: {  	s28 =	sadd.s32 $0x10, s28;
	[sflag:s14] =	ssyncadd.s32 $0xFFFFC000  }
0x6d: {  	[tilespmem:s18], [sflag:$0x3] =	stream.linear.gather [hbm4b:s28+s3], $0x80, $0x38;
	[tilespmem:$0x1C300] =	vst v63  }
0x6e: {  	_ =	swait.ge [sflag:s14], $0x80  }
0x6f: {  	[sflag:s14] =	ssyncset.done $0x0  }
0x70: {  	[sflag:s14] =	ssyncadd.s32 $0xFFFFFF80  }
0x71: {  	v1 =	vld [tilespmem:$0x41F0]  }
0x72: {  	v2 =	vld [tilespmem:$0x41E0]  }
0x73: {  	v3 =	vld [tilespmem:$0x41B0]  }
0x74: {  	v4 =	vld [tilespmem:$0x41D0]  }
0x75: {  	v5 =	vld [tilespmem:$0x4190]  }
0x76: {  	v6 =	vld [tilespmem:$0x41A0];
	v1 =	vadd.s32 v0, v1  }
0x77: {  	v7 =	vld [tilespmem:$0x4180];
	v2 =	vadd.s32 v0, v2;
	[tilespmem:$0x4270] =	vst v1  }
0x78: {  	v1 =	vadd.s32 v0, v3;
	v3 =	vld [tilespmem:$0x41C0];
	[tilespmem:$0x4260] =	vst v2  }
0x79: {  	[tilespmem:$0x4230] =	vst v1;
	v1 =	vadd.s32 v0, v4  }
0x7a: {  	v2 =	vadd.s32 v0, v5;
	[tilespmem:$0x4250] =	vst v1  }
0x7b: {  	[tilespmem:$0x4210] =	vst v2;
	v1 =	vadd.s32 v0, v6  }
0x7c: {  	v2 =	vadd.s32 v0, v7;
	[tilespmem:$0x4220] =	vst v1  }
0x7d: {  	s28 =	sadd.s32 s26, s12;
	[tilespmem:$0x4200] =	vst v2;
	v1 =	vadd.s32 v0, v3  }
0x7e: {  	s28 =	sadd.s32 $0x10, s28;
	[tilespmem:$0x4240] =	vst v1  }
0x7f: {  	[tilespmem:s19], [sflag:$0x3] =	stream.linear.gather [hbm4b:s28+s3], $0x80, $0x38;
	[tilespmem:$0x1C300] =	vst v63  }
0x80: {  	_ =	swait.ge [sflag:s14], $0x80  }
0x81: {  	[sflag:s14] =	ssyncset.done $0x0  }
0x82: {  	[sflag:s14] =	ssyncadd.s32 $0xFFFFFF80  }
0x83: {  	_ =	swait.ge [sflag:s20], $0x4000  }
0x84: {  	[sflag:s20] =	ssyncset.done $0x0  }
0x85: {  	[sflag:s20] =	ssyncadd.s32 $0xFFFFC000  }
0x86: {  	[tilespmem:s22], [sflag:$0x2] =	stream.indirect.gather [hbm4b:s4+s16], $0x80, s21, s16, $0xb8;
	[tilespmem:$0x1C300] =	vst v63  }
0x87: {  	_ = 	snop  }
0x88: {  	[spmem:s1] =	stream.indirect.scatter.add.f32 [tilespmem:s17], [sflag:$0x3], $0x80, s15, s16, $0xb8;
	[tilespmem:$0x1C300] =	vst v63  }
0x89: {  	p1 =	seq.s32 s26, $0x4E0;
	_ =	swait.ge [sflag:s14], $0x4000  }
0x8a: {  	s29 =	sadd.s32 @!p1 s26, s11;
	s28 =	simm.s32 @!p1 $0x3;
	[sflag:s14] =	ssyncset.done $0x0  }
0x8b: {  	s30 =	sadd.s32 @!p1 $0x20, s29;
	s29 =	simm.s32 @!p1 $0x0;
	[sflag:s14] =	ssyncadd.s32 $0xFFFFC000  }
0x8c: {  	[tilespmem:s29], [sflag:$0x3] =	stream.linear.gather @!p1 [hbm4b:s30+s29], $0x80, $0x38;
	[tilespmem:$0x1C300] =	vst v63  }
0x8d: {  	s26 =	sadd.s32 @!p1 s26, s12;
	_ =	swait.ge @!p1 [sflag:s28], $0x80  }
.Ltmp0:
0x8e: {  	s30 =	sadd.s32 @!p1 $0x20, s26;
	[sflag:s28] =	ssyncset.done @!p1 $0x0;
	(pc) =	sbr.rel @p0 .LBB2_2-.Ltmp0, $4  }
0x8f: {  	[sflag:s28] =	ssyncadd.s32 @!p1 $0xFFFFFF80  }
0x90: {  	v2 =	vld @!p1 [tilespmem:$0x70]  }
0x91: {  	v3 =	vld @!p1 [tilespmem:$0x0]  }
0x92: {  	v1 =	vld @!p1 [tilespmem:$0x30]  }
0x93: {  	v4 =	vld @!p1 [tilespmem:$0x10]  }
0x94: {  	v5 =	vld @!p1 [tilespmem:$0x20]  }
0x95: {  	v6 =	vld @!p1 [tilespmem:$0x40];
	v2 =	vadd.s32 @!p1 v0, v2  }
0x96: {  	v3 =	vadd.s32 @!p1 v0, v3;
	[tilespmem:$0xF0] =	vst @!p1 v2;
	v2 =	vld @!p1 [tilespmem:$0x50]  }
0x97: {  	v7 =	vld @!p1 [tilespmem:$0x60];
	[tilespmem:$0x80] =	vst @!p1 v3;
	v1 =	vadd.s32 @!p1 v0, v1  }
0x98: {  	v3 =	vadd.s32 @!p1 v0, v4;
	[tilespmem:$0xB0] =	vst @!p1 v1  }
0x99: {  	v1 =	vadd.s32 @!p1 v0, v5;
	[tilespmem:$0x90] =	vst @!p1 v3  }
0x9a: {  	[tilespmem:$0xA0] =	vst @!p1 v1;
	v1 =	vadd.s32 @!p1 v0, v6  }
0x9b: {  	[tilespmem:$0xC0] =	vst @!p1 v1;
	v1 =	vadd.s32 @!p1 v0, v2  }
0x9c: {  	v2 =	vadd.s32 @!p1 v0, v7;
	[tilespmem:$0xD0] =	vst @!p1 v1  }
0x9d: {  	s25 =	simm.s32 @!p1 $0x100;
	[tilespmem:$0xE0] =	vst @!p1 v2  }
0x9e: {  	[tilespmem:s25], [sflag:$0x3] =	stream.linear.gather @!p1 [hbm4b:s30+s29], $0x80, $0x38;
	[tilespmem:$0x1C300] =	vst v63  }
0x9f: {  	_ =	swait.ge @!p1 [sflag:s28], $0x80  }
0xa0: {  	[sflag:s28] =	ssyncset.done @!p1 $0x0  }
0xa1: {  	s26 =	simm.s32 @!p1 $0x180;
	s25 =	simm.s32 @!p1 $0x80;
	[sflag:s28] =	ssyncadd.s32 @!p1 $0xFFFFFF80  }
0xa2: {  	[tilespmem:s26], [sflag:$0x1] =	stream.indirect.gather @!p1 [hbm4b:s4+s25], $0x80, s25, s25, $0xb8;
	[tilespmem:$0x1C300] =	vst v63  }
0xa3: {  	_ =	swait.ge [sflag:s23], $0x4000  }
0xa4: {  	[sflag:s23] =	ssyncset.done $0x0  }
0xa5: {  	[sflag:s23] =	ssyncadd.s32 $0xFFFFC000  }
0xa6: {  	[spmem:s1] =	stream.indirect.scatter.add.f32 [tilespmem:s22], [sflag:$0x3], $0x80, s19, s16, $0xb8;
	[tilespmem:$0x1C300] =	vst v63  }
0xa7: {  	_ =	swait.ge [sflag:s14], $0x4000  }
0xa8: {  	[sflag:s14] =	ssyncset.done $0x0  }
0xa9: {  	s24 =	sadd.s32 $0x1, s24;
	[sflag:s14] =	ssyncadd.s32 $0xFFFFC000  }
0xaa: {  	p0 =	sne.s32 s24, s10;
	[bflag:$0x0] =	sbarrier.arrive $0xFFFF  }
0xab: {  	[hbm:s9], [sflag:s6] =	dma.local [spmem:s13], $0x2800  }
.Ltmp1:
0xac: {  	_ =	swait.ge [sflag:s14], $0x2800;
	(pc) =	sbr.rel @p0 .LBB2_1-.Ltmp1, $3  }
0xad: {  	[sflag:s14] =	ssyncset.done $0x0  }
0xae: {  	[sflag:s14] =	ssyncadd.s32 $0xFFFFD800  }
0xaf: {  	[bflag:$0x0] =	sbarrier.arrive $0xFFFF;
	_ =	sdelay $0x1  }
0xb0: {  	_ =	sfence.sel $0x180000  }
0xb1: {  	[bflag:$0x0] =	sbarrier.arrive $0xFFFF  }
0xb2: {  	p0 =	sne.s32 s2, $0x0;
	_ =	strace $0x9000004A  }
0xb3: {  	s0 =	sadd.s32 @!p0 $0x100000, s0;
	[bflag:$0x2] =	sbarrier.arrive $0xFFFF  }
0xb4: {  	[sflag:s0] =	ssyncadd.tile.s32 @!p0 $0x1;
	_ =	shalt  }
.Lfunc_end2:
_tile_overlayer_lowered:
.L_overlay_start_2:
0xb5: {  	(tag) =	ssettag $0x2  }
0xb6: {  	s0 =	rddreg [dreg:$0x0];
	s2 =	stileid.u32  }
0xb7: {  	s1 =	rddreg [dreg:$0x1];
	p0 =	sne.s32 s2, $0x0  }
0xb8: {  	s3 =	rddreg [dreg:$0x2];
	[bflag:$0x3] =	sbarrier.arrive $0xFFFF;
	s2 =	simm.s32 @!p0 $0x1C03  }
0xb9: {  	[timem:s3], [sflag:s2] =	dma.local @!p0 [hbm:s0], s1  }
0xba: {  	s0 =	simm.s32 @!p0 $0x3  }
0xbb: {  	_ =	swait.ge @!p0 [sflag:s0], s1  }
0xbc: {  	s1 =	ssub.s32 @!p0 $0x0, s1;
	[sflag:s0] =	ssyncset.done @!p0 $0x0  }
0xbd: {  	[sflag:s0] =	ssyncadd.s32 @!p0 s1  }
0xbe: {  	[bflag:$0x3] =	sbarrier.arrive $0xFFFF  }
0xbf: {  	_ =	shalt  }

// kernel: kernel.14.cloned.1.call-start
scs
__scs_entry_jumppad:
0x0: {  	(pc) =	sbr.rel $0x88, $3  }
0x1: {  	(tag) =	ssettag $0x0;
	lr =	simm.s32 $0x1  }
0x2: {  	[smem:$0x3F95] =	sst lr;
	_ =	strace $0xD0000000  }
0x3: {  	_ = 	snop  }
0x4: {  	_ = 	snop  }
0x5: {  	_ = 	snop  }
0x6: {  	_ = 	snop  }
0x7: {  	_ = 	snop  }
__scs_overlays_trampoline_lowered:
0x8: {  	[smem:$0x3FA4] =	sst s0  }
0x9: {  	[smem:$0x3FA5] =	sst s1  }
0xa: {  	[smem:$0x3FA6] =	sst s2  }
0xb: {  	[smem:$0x3FA7] =	sst s3  }
0xc: {  	[smem:$0x3FA8] =	sst s4  }
0xd: {  	[smem:$0x3FA9] =	sst s5  }
0xe: {  	[smem:$0x3FAA] =	sst s6  }
0xf: {  	[smem:$0x3FAB] =	sst s7  }
0x10: {  	[smem:$0x3FAC] =	sst s8  }
0x11: {  	[smem:$0x3FAD] =	sst s9;
	s0 =	simm.s32 @!p0 $0x0  }
0x12: {  	s1 =	sld [smem:$0x3F93];
	s0 =	simm.s32 @p0 $0x1  }
0x13: {  	[smem:$0x3FAE] =	sst s0;
	s0 =	simm.s32 @!p1 $0x0  }
0x14: {  	s2 =	sld [smem:$0x3F92];
	s0 =	simm.s32 @p1 $0x1  }
0x15: {  	[smem:$0x3FAF] =	sst s0;
	s0 =	simm.s32 @!p2 $0x0  }
0x16: {  	s3 =	sld [smem:$0x3FDB];
	s0 =	simm.s32 @p2 $0x1  }
0x17: {  	s4 =	simm.s32 $0x1BF5;
	[smem:$0x3FB1] =	sst s0  }
0x18: {  	s0 =	sld [smem:$0x3F94];
	_ =	swait.ge [sflag:s4], $0x0  }
0x19: {  	s7 =	sld [smem:$0x3F95]  }
0x1a: {  	s8 =	sadd.s32 $0xFFFFE003, lr  }
0x1b: {  	s9 =	sadd.s32 $0xFFFFFEF7, lr;
	s5 =	simm.s32 $0xFFFFFFFF;
	p2 =	slt.u32 s8, $0xFFFFF086  }
0x1c: {  	p1 =	slt.u32 s9, $0xF7A;
	s5 =	simm.s32 @!p2 $0x0  }
0x1d: {  	s5 =	simm.s32 @p1 $0x1;
	p0 =	seq.s32 s7, s2  }
0x1e: {  	s7 =	smul.u32 @!p0 $0xF7A, s2;
	p2 =	seq.s32 @!p0 s5, $0x0  }
0x1f: {  	s9 =	smul.u32 $0xF7A, s1;
	s8 =	simm.s32 @!p0 $0x1BF5;
	p2 =	por !p2, p0  }
0x20: {  	[sflag:s8] =	ssyncset.s32 @!p0 $0xFFFFF086;
	s6 =	sadd.s32 @!p0 s3, s7;
	s7 =	simm.s32 @!p0 $0x108  }
0x21: {  	s3 =	sadd.s32 s3, s9;
	s6 =	sadd.s32 @!p0 $0x88, s6;
	s7 =	simm.s32 @p2 $0x1082  }
0x22: {  	[simem:s7], [sflag:s8] =	dma.local @!p0 [hbm:s6], $0xF7A  }
0x23: {  	s9 =	sor.u32 $0xD0000000, s2;
	s6 =	simm.s32 $0x108;
	_ =	swait.ge @!p0 [sflag:s8], $0x0  }
0x24: {  	s3 =	sadd.s32 $0x88, s3;
	s6 =	simm.s32 @!p1 $0x1082;
	[sflag:s4] =	ssyncset.s32 $0xFFFFF086  }
0x25: {  	[simem:s6], [sflag:s4] =	dma.local [hbm:s3], $0xF7A  }
0x26: {  	[smem:$0x3F95] =	sst s1;
	(tag) =	ssettag s2;
	_ =	strace s9  }
0x27: {  	s1 =	sld [smem:$0x3FA5]  }
0x28: {  	s2 =	sld [smem:$0x3FA6]  }
0x29: {  	s4 =	sld [smem:$0x3FA8]  }
0x2a: {  	p0 =	seq.s32 s5, $0x0;
	s5 =	sld [smem:$0x3FA9]  }
0x2b: {  	s6 =	sld [smem:$0x3FAA]  }
0x2c: {  	s7 =	sld [smem:$0x3FAB]  }
0x2d: {  	s3 =	simm.s32 $0x108;
	s8 =	sld [smem:$0x3FAC]  }
0x2e: {  	s3 =	simm.s32 @!p0 $0x1082;
	s9 =	sld [smem:$0x3FAD]  }
0x2f: {  	lr =	sadd.s32 s0, s3;
	s0 =	sld [smem:$0x3FA4]  }
0x30: {  	s3 =	sld [smem:$0x3FA7]  }
0x31: {  	[smem:$0x3FB0] =	sst s10  }
0x32: {  	s10 =	sld [smem:$0x3FAE];
	_ =	sdelay $0x3  }
0x33: {  	p0 =	seq.s32 s10, $0x1;
	s10 =	sld [smem:$0x3FB0];
	_ =	sdelay $0x3  }
0x34: {  	[smem:$0x3FB0] =	sst s10  }
0x35: {  	s10 =	sld [smem:$0x3FAF];
	_ =	sdelay $0x3  }
0x36: {  	p1 =	seq.s32 s10, $0x1;
	s10 =	sld [smem:$0x3FB0];
	_ =	sdelay $0x3  }
0x37: {  	[smem:$0x3FB0] =	sst s10  }
0x38: {  	s10 =	sld [smem:$0x3FB1]  }
0x39: {  	_ = 	snop;
	(pc) =	sbr.ind lr, $3  }
0x3a: {  	_ = 	snop  }
0x3b: {  	_ = 	snop  }
0x3c: {  	p2 =	seq.s32 s10, $0x1;
	s10 =	sld [smem:$0x3FB0]  }
0x3d: {  	_ =	shalt  }
0x3e: {  	_ =	shalt  }
0x3f: {  	_ =	shalt  }
0x40: {  	_ =	shalt  }
0x41: {  	_ =	shalt  }
0x42: {  	_ =	shalt  }
0x43: {  	_ =	shalt  }
0x44: {  	_ =	shalt  }
0x45: {  	_ =	shalt  }
0x46: {  	_ =	shalt  }
0x47: {  	_ =	shalt  }
0x48: {  	_ =	shalt  }
0x49: {  	_ =	shalt  }
0x4a: {  	_ =	shalt  }
0x4b: {  	_ =	shalt  }
0x4c: {  	_ =	shalt  }
0x4d: {  	_ =	shalt  }
0x4e: {  	_ =	shalt  }
0x4f: {  	_ =	shalt  }
0x50: {  	_ =	shalt  }
0x51: {  	_ =	shalt  }
0x52: {  	_ =	shalt  }
0x53: {  	_ =	shalt  }
0x54: {  	_ =	shalt  }
0x55: {  	_ =	shalt  }
0x56: {  	_ =	shalt  }
0x57: {  	_ =	shalt  }
0x58: {  	_ =	shalt  }
0x59: {  	_ =	shalt  }
0x5a: {  	_ =	shalt  }
0x5b: {  	_ =	shalt  }
0x5c: {  	_ =	shalt  }
0x5d: {  	_ =	shalt  }
0x5e: {  	_ =	shalt  }
0x5f: {  	_ =	shalt  }
0x60: {  	_ =	shalt  }
0x61: {  	_ =	shalt  }
0x62: {  	_ =	shalt  }
0x63: {  	_ =	shalt  }
0x64: {  	_ =	shalt  }
0x65: {  	_ =	shalt  }
0x66: {  	_ =	shalt  }
0x67: {  	_ =	shalt  }
0x68: {  	_ =	shalt  }
0x69: {  	_ =	shalt  }
0x6a: {  	_ =	shalt  }
0x6b: {  	_ =	shalt  }
0x6c: {  	_ =	shalt  }
0x6d: {  	_ =	shalt  }
0x6e: {  	_ =	shalt  }
0x6f: {  	_ =	shalt  }
0x70: {  	_ =	shalt  }
0x71: {  	_ =	shalt  }
0x72: {  	_ =	shalt  }
0x73: {  	_ =	shalt  }
0x74: {  	_ =	shalt  }
0x75: {  	_ =	shalt  }
0x76: {  	_ =	shalt  }
0x77: {  	_ =	shalt  }
0x78: {  	_ =	shalt  }
0x79: {  	_ =	shalt  }
0x7a: {  	_ =	shalt  }
0x7b: {  	_ =	shalt  }
0x7c: {  	_ =	shalt  }
0x7d: {  	_ =	shalt  }
0x7e: {  	_ =	shalt  }
0x7f: {  	_ =	shalt  }
0x80: {  	_ =	shalt  }
0x81: {  	_ =	shalt  }
0x82: {  	_ =	shalt  }
0x83: {  	_ =	shalt  }
0x84: {  	_ =	shalt  }
0x85: {  	_ =	shalt  }
0x86: {  	_ =	shalt  }
0x87: {  	_ =	shalt  }
.Lfunc_end0:
.L_simem_size_0:
called_computation.2_lowered:
.L_overlay_start_0:
0x88: {  	s2 =	sld [smem:$0x3FD9]  }
0x89: {  	s3 =	sld [smem:$0x3FFE];
	_ =	sdelay $0x1  }
0x8a: {  	s1 =	srdreg.scid  }
0x8b: {  	s0 =	sand.u32 $0x1, s1  }
0x8c: {  	s16 =	sshll.u32 s0, $0xA;
	s2 =	sadd.s32 s3, s2  }
0x8d: {  	s2 =	sadd.s32 s2, s16  }
0x8e: {  	[smem:$0x3FBC] =	sst s2  }
0x8f: {  	_ = 	snop  }
0x90: {  	(tm) =	ssettm $0x1  }
0x91: {  	s17 =	sld [smem:$0x3FFB];
	_ =	sdelay $0x3  }
0x92: {  	_ =	strace s17  }
0x93: {  	s2 =	sld [smem:$0x3FFC];
	_ =	sdelay $0x3  }
0x94: {  	_ =	strace s2  }
0x95: {  	s2 =	sld [smem:$0x3FFD];
	_ =	sdelay $0x3  }
0x96: {  	_ =	strace s2  }
0x97: {  	_ =	strace $0x8FFFFFFF  }
0x98: {  	s18 =	sld [smem:$0x3FDB];
	_ =	sdelay $0x1  }
0x99: {  	s19 =	simm.s32 $_scs_section_size  }
0x9a: {  	s4 =	simm.s32 $_size__tile_overlayer_lowered;
	s5 =	simm.s32 $_tile_overlayer_lowered  }
0x9b: {  	s22 =	simm.s32 $0x1BFF;
	s21 =	sshll.u32 s5, $0x1;
	s2 =	sadd.s32 s19, s18  }
0x9c: {  	s6 =	simm.s32 $0x0;
	s20 =	sshll.u32 s4, $0x1;
	s4 =	sadd.s32 s21, s2  }
0x9d: {  	[timem:s6], [sflag:s22] =	dma.local [hbm:s4], s20  }
0x9e: {  	_ =	swait.ge [sflag:s22], s20  }
0x9f: {  	s3 =	ssub.s32 $0x0, s20;
	[sflag:s22] =	ssyncset.done $0x0  }
0xa0: {  	[sflag:s22] =	ssyncadd.s32 s3;
	_ =	sdelay $0x1  }
0xa1: {  	s23 =	simm.s32 $0x1B8B  }
0xa2: {  	_ =	swait.ge [sflag:s23], $0x1  }
0xa3: {  	[sflag:s23] =	ssyncset.done $0x0  }
0xa4: {  	s25 =	simm.s32 $0x1B8E;
	s24 =	sld [smem:$0x3FFE];
	[sflag:s23] =	ssyncadd.s32 $0xFFFFFFFF  }
0xa5: {  	s26 =	simm.s32 $execute0_lowered;
	[smem:$0x3FD2] =	sst s25  }
0xa6: {  	s4 =	sshll.u32 s26, $0x1;
	_ =	strace $0x8000004C;
	[dreg:$0x1] =	wrdreg $0xFFFFFFFF  }
0xa7: {  	s28 =	simm.s32 $_size_execute0_lowered;
	s2 =	sadd.s32 s2, s4;
	[dreg:$0x0] =	wrdreg $0x0  }
0xa8: {  	s4 =	sshll.u32 s28, $0x1;
	[dreg:$0x2] =	wrdreg s2  }
0xa9: {  	[dreg:$0x3] =	wrdreg s4  }
0xaa: {  	[dreg:$0x4] =	wrdreg $0xC0  }
0xab: {  	_ =	task [dreg:s6], $0x5FFFF  }
0xac: {  	[dreg:$0x1] =	wrdreg $0xFFFFFFFF  }
0xad: {  	[dreg:$0x0] =	wrdreg $0x60  }
0xae: {  	[dreg:$0x2] =	wrdreg s24  }
0xaf: {  	[dreg:$0x3] =	wrdreg $0x83000  }
0xb0: {  	[dreg:$0x4] =	wrdreg $0x9  }
0xb1: {  	_ =	task.clear_ibuf [dreg:s6], $0x5FFFF;
	_ =	strace $0x9000004C  }
0xb2: {  	s29 =	simm.s32 $0x9;
	_ =	strace $0x8000004E  }
0xb3: {  	_ =	swait.ge [sflag:s29], $0x1  }
0xb4: {  	[sflag:s29] =	ssyncadd.s32 $0xFFFFFFFF  }
0xb5: {  	_ =	strace $0x9000004E  }
0xb6: {  	_ =	sfence  }
0xb7: {  	s30 =	sld [smem:$0x0];
	_ =	sdelay $0x2  }
0xb8: {  	s31 =	sshll.u32 s1, $0xD;
	s1 =	sshrl.u32 s1, $0x2  }
0xb9: {  	s3 =	sand.u32 $0x4000, s31;
	s1 =	sadd.s32 s1, s30  }
0xba: {  	s0 =	sor.u32 s3, s0;
	s1 =	sshll.u32 s1, $0x11  }
0xbb: {  	s0 =	sor.u32 s1, s0  }
0xbc: {  	s0 =	sadd.s32 $0x8F2B, s0  }
0xbd: {  	[sflag:s0] =	ssyncadd.remote.s32 $0x1  }
0xbe: {  	_ =	sfence.sel $0xFFFF  }
0xbf: {  	[dreg:$0x0] =	wrdreg $0xFFFFFFFF;
	(pc) =	sbr.abs _section_cstart, $3  }
0xc0: {  	[dreg:$0x1] =	wrdreg $0xFFFFFFFF  }
0xc1: {  	_ =	task.clear_ibuf [dreg:s6], $0x2FFFF;
	_ =	strace $0x9FFFFFFF  }
0xc2: {  	(tm) =	ssettm $0x7FFFFFFF  }
0xc3: {  	_ =	shalt  }
tec
execute0_lowered:
.L_overlay_start_1:
0x0: {  	(tag) =	ssettag $0x1  }
0x1: {  	s0 =	rddreg [dreg:$0x0]  }
0x2: {  	s1 =	rddreg [dreg:$0x1];
	s2 =	simm.s32 $0x0  }
0x3: {  	s3 =	srdreg.scid;
	s30 =	stileid.u32;
	s17 =	simm.s32 $0x100  }
0x4: {  	s18 =	simm.s32 $0x80;
	s19 =	simm.s32 $0x180;
	s20 =	simm.s32 $0x4180  }
0x5: {  	s21 =	simm.s32 $0x4280;
	s22 =	simm.s32 $0x1;
	s23 =	simm.s32 $0x4200  }
0x6: {  	s26 =	simm.s32 $0x0;
	[smem:$0x7FF] =	sst s2;
	s8 =	smul.u32 $0x280, s30  }
0x7: {  	s5 =	sand.u32 $0x1, s3;
	s4 =	sadd.s32 $0xCC00, s0;
	s6 =	smul.u32 $0x50000, s30  }
0x8: {  	s13 =	sadd.s32 $0x2C00, s0;
	s14 =	sadd.s32 $0x7C00, s0;
	s10 =	smul.u32 $0x2800, s30  }
0x9: {  	s0 =	sadd.s32 $0xACC00, s0;
	s31 =	sshll.u32 s30, $0x6;
	s16 =	smul.u32 $0x500, s30  }
0xa: {  	_ =	strace $0x8000004D;
	s24 =	smul.u32 $0x5000, s5;
	s5 =	ssub.s32 $0x2, s5  }
0xb: {  	s7 =	sshrl.u32 s5, $0x1;
	s6 =	sshrl.u32 s6, $0x2;
	s10 =	sshrl.u32 s10, $0x3  }
0xc: {  	s9 =	sadd.s32 s8, s24;
	s12 =	ssub.s32 s5, s7;
	s15 =	sadd.s32 s6, s1  }
0xd: {  	s25 =	sadd.s32 $0x2800, s24;
	s6 =	sor.u32 $0x1C03, s31;
	s7 =	sadd.s32 s13, s10  }
0xe: {  	s13 =	sadd.s32 s16, s13;
	v0 =	vmov s24;
	s24 =	simm.s32 $0x4300;
	s9 =	sshll.u32 s9, $0x4  }
0xf: {  	s11 =	sadd.s32 s8, s25;
	s8 =	sadd.s32 s14, s10;
	s12 =	smax.u32 s12, $0x1  }
0x10: {  	s14 =	sadd.s32 s16, s14;
	s15 =	sshrl.u32 s15, $0x3;
	s16 =	simm.s32 $0x3  }
0x11: {  	v1 =	vmov s25;
	s25 =	simm.s32 $0x2;
	s5 =	sadd.s32 s4, s9;
	s11 =	sshll.u32 s11, $0x4  }
0x12: {  	s9 =	sadd.s32 s0, s9;
	s10 =	sadd.s32 s4, s11;
	s11 =	sadd.s32 s0, s11  }
.LBB2_1:
0x13: {  	[spmem:s15], [sflag:s6] =	dma.local [hbm:s5], $0x2800  }
0x14: {  	_ =	swait.ge [sflag:s16], $0x2800  }
0x15: {  	[sflag:s16] =	ssyncset.done $0x0  }
0x16: {  	[sflag:s16] =	ssyncadd.s32 $0xFFFFD800  }
0x17: {  	[bflag:$0x0] =	sbarrier.arrive $0xFFFF  }
0x18: {  	[tilespmem:s2], [sflag:$0x3] =	stream.linear.gather [hbm4b:s7+s2], $0x80, $0x38;
	[tilespmem:$0x1C300] =	vst v63  }
0x19: {  	_ =	swait.ge [sflag:s16], $0x80  }
0x1a: {  	[sflag:s16] =	ssyncset.done $0x0  }
0x1b: {  	[sflag:s16] =	ssyncadd.s32 $0xFFFFFF80  }
0x1c: {  	v2 =	vld [tilespmem:$0x0]  }
0x1d: {  	v3 =	vld [tilespmem:$0x10]  }
0x1e: {  	v4 =	vld [tilespmem:$0x20]  }
0x1f: {  	v5 =	vld [tilespmem:$0x30]  }
0x20: {  	v6 =	vld [tilespmem:$0x40]  }
0x21: {  	v7 =	vld [tilespmem:$0x50];
	v2 =	vadd.s32 v0, v2  }
0x22: {  	[tilespmem:$0x80] =	vst v2;
	v2 =	vadd.s32 v0, v3;
	v3 =	vld [tilespmem:$0x60]  }
0x23: {  	[tilespmem:$0x90] =	vst v2;
	v2 =	vadd.s32 v0, v4;
	v4 =	vld [tilespmem:$0x70]  }
0x24: {  	[tilespmem:$0xA0] =	vst v2;
	v2 =	vadd.s32 v0, v5  }
0x25: {  	[tilespmem:$0xB0] =	vst v2;
	v2 =	vadd.s32 v0, v6  }
0x26: {  	[tilespmem:$0xC0] =	vst v2;
	v2 =	vadd.s32 v0, v7  }
0x27: {  	[tilespmem:$0xD0] =	vst v2;
	v2 =	vadd.s32 v0, v3  }
0x28: {  	[tilespmem:$0xE0] =	vst v2;
	v2 =	vadd.s32 v0, v4  }
0x29: {  	[tilespmem:$0xF0] =	vst v2  }
0x2a: {  	[tilespmem:s17], [sflag:$0x3] =	stream.linear.gather [hbm4b:s8+s2], $0x80, $0x38;
	[tilespmem:$0x1C300] =	vst v63  }
0x2b: {  	_ =	swait.ge [sflag:s16], $0x80  }
0x2c: {  	[sflag:s16] =	ssyncset.done $0x0  }
0x2d: {  	s0 =	sadd.s32 $0x0, s13;
	[sflag:s16] =	ssyncadd.s32 $0xFFFFFF80  }
0x2e: {  	[tilespmem:s19], [sflag:$0x1] =	stream.indirect.gather [hbm4b:s4+s18], $0x80, s18, s18, $0xb8;
	[tilespmem:$0x1C300] =	vst v63  }
0x2f: {  	s0 =	sadd.s32 $0x10, s0  }
0x30: {  	[tilespmem:s20], [sflag:$0x3] =	stream.linear.gather [hbm4b:s0+s2], $0x80, $0x38;
	[tilespmem:$0x1C300] =	vst v63  }
0x31: {  	_ =	swait.ge [sflag:s16], $0x80  }
0x32: {  	[sflag:s16] =	ssyncset.done $0x0  }
0x33: {  	[sflag:s16] =	ssyncadd.s32 $0xFFFFFF80  }
0x34: {  	v2 =	vld [tilespmem:$0x41F0]  }
0x35: {  	v3 =	vld [tilespmem:$0x41E0]  }
0x36: {  	v4 =	vld [tilespmem:$0x41B0]  }
0x37: {  	v6 =	vld [tilespmem:$0x4190]  }
0x38: {  	v5 =	vld [tilespmem:$0x41D0]  }
0x39: {  	v8 =	vld [tilespmem:$0x4180];
	v2 =	vadd.s32 v0, v2  }
0x3a: {  	v7 =	vld [tilespmem:$0x41A0];
	v3 =	vadd.s32 v0, v3;
	[tilespmem:$0x4270] =	vst v2  }
0x3b: {  	v2 =	vadd.s32 v0, v4;
	v4 =	vld [tilespmem:$0x41C0];
	[tilespmem:$0x4260] =	vst v3  }
0x3c: {  	v3 =	vadd.s32 v0, v6;
	[tilespmem:$0x4230] =	vst v2  }
0x3d: {  	v2 =	vadd.s32 v0, v5;
	[tilespmem:$0x4210] =	vst v3  }
0x3e: {  	v3 =	vadd.s32 v0, v8;
	[tilespmem:$0x4250] =	vst v2  }
0x3f: {  	v2 =	vadd.s32 v0, v7;
	[tilespmem:$0x4200] =	vst v3  }
0x40: {  	s29 =	sadd.s32 $0x0, s14;
	[tilespmem:$0x4220] =	vst v2;
	v2 =	vadd.s32 v0, v4  }
0x41: {  	s0 =	sadd.s32 $0x10, s29;
	[tilespmem:$0x4240] =	vst v2  }
0x42: {  	[tilespmem:s21], [sflag:$0x3] =	stream.linear.gather [hbm4b:s0+s2], $0x80, $0x38;
	[tilespmem:$0x1C300] =	vst v63  }
0x43: {  	_ =	swait.ge [sflag:s16], $0x80  }
0x44: {  	[sflag:s16] =	ssyncset.done $0x0  }
0x45: {  	[sflag:s16] =	ssyncadd.s32 $0xFFFFFF80  }
0x46: {  	_ =	swait.ge [sflag:s22], $0x4000  }
0x47: {  	[sflag:s22] =	ssyncset.done $0x0  }
0x48: {  	[sflag:s22] =	ssyncadd.s32 $0xFFFFC000  }
0x49: {  	[tilespmem:s24], [sflag:$0x2] =	stream.indirect.gather [hbm4b:s4+s18], $0x80, s23, s18, $0xb8;
	[tilespmem:$0x1C300] =	vst v63  }
0x4a: {  	_ = 	snop  }
0x4b: {  	[spmem:s1] =	stream.indirect.scatter.add.f32 [tilespmem:s19], [sflag:$0x3], $0x80, s17, s18, $0xb8;
	[tilespmem:$0x1C300] =	vst v63  }
0x4c: {  	p1 =	por $0x0, $0x0;
	_ =	swait.ge [sflag:s16], $0x4000  }
0x4d: {  	s30 =	simm.s32 @!p1 $0x3;
	s0 =	sadd.s32 @!p1 $0x0, s13;
	[sflag:s16] =	ssyncset.done $0x0  }
0x4e: {  	s31 =	simm.s32 @!p1 $0x0;
	s0 =	sadd.s32 @!p1 $0x20, s0;
	[sflag:s16] =	ssyncadd.s32 $0xFFFFC000  }
0x4f: {  	[tilespmem:s31], [sflag:$0x3] =	stream.linear.gather @!p1 [hbm4b:s0+s31], $0x80, $0x38;
	[tilespmem:$0x1C300] =	vst v63  }
0x50: {  	_ =	swait.ge @!p1 [sflag:s30], $0x80  }
0x51: {  	[sflag:s30] =	ssyncset.done @!p1 $0x0  }
0x52: {  	[sflag:s30] =	ssyncadd.s32 @!p1 $0xFFFFFF80  }
0x53: {  	v3 =	vld @!p1 [tilespmem:$0x70]  }
0x54: {  	s0 =	sadd.s32 @!p1 $0x0, s14;
	v4 =	vld @!p1 [tilespmem:$0x0]  }
0x55: {  	s28 =	simm.s32 $0x20;
	s0 =	sadd.s32 @!p1 $0x20, s0;
	v2 =	vld @!p1 [tilespmem:$0x30]  }
.LBB2_2:
0x56: {  	v5 =	vld @!p1 [tilespmem:$0x60];
	s29 =	smov.u32 s28;
	s28 =	sadd.s32 $0x20, s28  }
0x57: {  	p0 =	sne.s32 s28, $0x500;
	v6 =	vld @!p1 [tilespmem:$0x10]  }
0x58: {  	v7 =	vld @!p1 [tilespmem:$0x20];
	v3 =	vadd.s32 @!p1 v0, v3  }
0x59: {  	v4 =	vadd.s32 @!p1 v0, v4;
	v8 =	vld @!p1 [tilespmem:$0x40];
	[tilespmem:$0xF0] =	vst @!p1 v3  }
0x5a: {  	[tilespmem:$0x80] =	vst @!p1 v4;
	v2 =	vadd.s32 @!p1 v0, v2;
	v3 =	vld @!p1 [tilespmem:$0x50]  }
0x5b: {  	v4 =	vadd.s32 @!p1 v0, v5  }
0x5c: {  	v5 =	vadd.s32 @!p1 v0, v6;
	[tilespmem:$0xB0] =	vst @!p1 v2  }
0x5d: {  	[tilespmem:$0x90] =	vst @!p1 v5;
	v2 =	vadd.s32 @!p1 v0, v7  }
0x5e: {  	[tilespmem:$0xA0] =	vst @!p1 v2;
	v2 =	vadd.s32 @!p1 v0, v8  }
0x5f: {  	[tilespmem:$0xC0] =	vst @!p1 v2;
	v2 =	vadd.s32 @!p1 v0, v3  }
0x60: {  	[tilespmem:$0xD0] =	vst @!p1 v2  }
0x61: {  	s3 =	simm.s32 @!p1 $0x100;
	[tilespmem:$0xE0] =	vst @!p1 v4  }
0x62: {  	[tilespmem:s3], [sflag:$0x3] =	stream.linear.gather @!p1 [hbm4b:s0+s31], $0x80, $0x38;
	[tilespmem:$0x1C300] =	vst v63  }
0x63: {  	_ =	swait.ge @!p1 [sflag:s30], $0x80  }
0x64: {  	[sflag:s30] =	ssyncset.done @!p1 $0x0  }
0x65: {  	s0 =	simm.s32 @!p1 $0x80;
	s3 =	simm.s32 @!p1 $0x180;
	[sflag:s30] =	ssyncadd.s32 @!p1 $0xFFFFFF80  }
0x66: {  	[tilespmem:s3], [sflag:$0x1] =	stream.indirect.gather @!p1 [hbm4b:s4+s0], $0x80, s0, s0, $0xb8;
	[tilespmem:$0x1C300] =	vst v63  }
0x67: {  	_ =	swait.ge [sflag:s25], $0x4000  }
0x68: {  	[sflag:s25] =	ssyncset.done $0x0  }
0x69: {  	[sflag:s25] =	ssyncadd.s32 $0xFFFFC000  }
0x6a: {  	[spmem:s1] =	stream.indirect.scatter.add.f32 [tilespmem:s24], [sflag:$0x3], $0x80, s21, s18, $0xb8;
	[tilespmem:$0x1C300] =	vst v63  }
0x6b: {  	_ =	swait.ge [sflag:s16], $0x4000  }
0x6c: {  	s0 =	sadd.s32 s29, s13;
	[sflag:s16] =	ssyncset.done $0x0  }
0x6d: {  	s0 =	sadd.s32 $0x10, s0;
	[sflag:s16] =	ssyncadd.s32 $0xFFFFC000  }
0x6e: {  	[tilespmem:s20], [sflag:$0x3] =	stream.linear.gather [hbm4b:s0+s2], $0x80, $0x38;
	[tilespmem:$0x1C300] =	vst v63  }
0x6f: {  	_ =	swait.ge [sflag:s16], $0x80  }
0x70: {  	[sflag:s16] =	ssyncset.done $0x0  }
0x71: {  	[sflag:s16] =	ssyncadd.s32 $0xFFFFFF80  }
0x72: {  	v2 =	vld [tilespmem:$0x41F0]  }
0x73: {  	v3 =	vld [tilespmem:$0x41E0]  }
0x74: {  	v4 =	vld [tilespmem:$0x41B0]  }
0x75: {  	v5 =	vld [tilespmem:$0x41D0]  }
0x76: {  	v6 =	vld [tilespmem:$0x4190]  }
0x77: {  	v7 =	vld [tilespmem:$0x41A0];
	v2 =	vadd.s32 v0, v2  }
0x78: {  	v8 =	vld [tilespmem:$0x4180];
	v3 =	vadd.s32 v0, v3;
	[tilespmem:$0x4270] =	vst v2  }
0x79: {  	v2 =	vadd.s32 v0, v4;
	v4 =	vld [tilespmem:$0x41C0];
	[tilespmem:$0x4260] =	vst v3  }
0x7a: {  	[tilespmem:$0x4230] =	vst v2;
	v2 =	vadd.s32 v0, v5  }
0x7b: {  	v3 =	vadd.s32 v0, v6;
	[tilespmem:$0x4250] =	vst v2  }
0x7c: {  	[tilespmem:$0x4210] =	vst v3;
	v2 =	vadd.s32 v0, v7  }
0x7d: {  	v3 =	vadd.s32 v0, v8;
	[tilespmem:$0x4220] =	vst v2  }
0x7e: {  	s0 =	sadd.s32 s29, s14;
	[tilespmem:$0x4200] =	vst v3;
	v2 =	vadd.s32 v0, v4  }
0x7f: {  	s0 =	sadd.s32 $0x10, s0;
	[tilespmem:$0x4240] =	vst v2  }
0x80: {  	[tilespmem:s21], [sflag:$0x3] =	stream.linear.gather [hbm4b:s0+s2], $0x80, $0x38;
	[tilespmem:$0x1C300] =	vst v63  }
0x81: {  	_ =	swait.ge [sflag:s16], $0x80  }
0x82: {  	[sflag:s16] =	ssyncset.done $0x0  }
0x83: {  	[sflag:s16] =	ssyncadd.s32 $0xFFFFFF80  }
0x84: {  	_ =	swait.ge [sflag:s22], $0x4000  }
0x85: {  	[sflag:s22] =	ssyncset.done $0x0  }
0x86: {  	[sflag:s22] =	ssyncadd.s32 $0xFFFFC000  }
0x87: {  	[tilespmem:s24], [sflag:$0x2] =	stream.indirect.gather [hbm4b:s4+s18], $0x80, s23, s18, $0xb8;
	[tilespmem:$0x1C300] =	vst v63  }
0x88: {  	_ = 	snop  }
0x89: {  	[spmem:s1] =	stream.indirect.scatter.add.f32 [tilespmem:s19], [sflag:$0x3], $0x80, s17, s18, $0xb8;
	[tilespmem:$0x1C300] =	vst v63  }
0x8a: {  	p1 =	seq.s32 s29, $0x4E0;
	_ =	swait.ge [sflag:s16], $0x4000  }
0x8b: {  	s30 =	simm.s32 @!p1 $0x3;
	s0 =	sadd.s32 @!p1 s29, s13;
	[sflag:s16] =	ssyncset.done $0x0  }
0x8c: {  	s31 =	simm.s32 @!p1 $0x0;
	s0 =	sadd.s32 @!p1 $0x20, s0;
	[sflag:s16] =	ssyncadd.s32 $0xFFFFC000  }
0x8d: {  	[tilespmem:s31], [sflag:$0x3] =	stream.linear.gather @!p1 [hbm4b:s0+s31], $0x80, $0x38;
	[tilespmem:$0x1C300] =	vst v63  }
0x8e: {  	s0 =	sadd.s32 @!p1 s29, s14;
	_ =	swait.ge @!p1 [sflag:s30], $0x80  }
.Ltmp0:
0x8f: {  	s0 =	sadd.s32 @!p1 $0x20, s0;
	[sflag:s30] =	ssyncset.done @!p1 $0x0;
	(pc) =	sbr.rel @p0 .LBB2_2-.Ltmp0, $4  }
0x90: {  	[sflag:s30] =	ssyncadd.s32 @!p1 $0xFFFFFF80  }
0x91: {  	v3 =	vld @!p1 [tilespmem:$0x70]  }
0x92: {  	v4 =	vld @!p1 [tilespmem:$0x0]  }
0x93: {  	v2 =	vld @!p1 [tilespmem:$0x30]  }
0x94: {  	v5 =	vld @!p1 [tilespmem:$0x10]  }
0x95: {  	v6 =	vld @!p1 [tilespmem:$0x20]  }
0x96: {  	v7 =	vld @!p1 [tilespmem:$0x40];
	v3 =	vadd.s32 @!p1 v0, v3  }
0x97: {  	v4 =	vadd.s32 @!p1 v0, v4;
	[tilespmem:$0xF0] =	vst @!p1 v3;
	v3 =	vld @!p1 [tilespmem:$0x50]  }
0x98: {  	v8 =	vld @!p1 [tilespmem:$0x60];
	[tilespmem:$0x80] =	vst @!p1 v4;
	v2 =	vadd.s32 @!p1 v0, v2  }
0x99: {  	v4 =	vadd.s32 @!p1 v0, v5;
	[tilespmem:$0xB0] =	vst @!p1 v2  }
0x9a: {  	v2 =	vadd.s32 @!p1 v0, v6;
	[tilespmem:$0x90] =	vst @!p1 v4  }
0x9b: {  	[tilespmem:$0xA0] =	vst @!p1 v2;
	v2 =	vadd.s32 @!p1 v0, v7  }
0x9c: {  	[tilespmem:$0xC0] =	vst @!p1 v2;
	v2 =	vadd.s32 @!p1 v0, v3  }
0x9d: {  	v3 =	vadd.s32 @!p1 v0, v8;
	[tilespmem:$0xD0] =	vst @!p1 v2  }
0x9e: {  	s3 =	simm.s32 @!p1 $0x100;
	[tilespmem:$0xE0] =	vst @!p1 v3  }
0x9f: {  	[tilespmem:s3], [sflag:$0x3] =	stream.linear.gather @!p1 [hbm4b:s0+s31], $0x80, $0x38;
	[tilespmem:$0x1C300] =	vst v63  }
0xa0: {  	_ =	swait.ge @!p1 [sflag:s30], $0x80  }
0xa1: {  	[sflag:s30] =	ssyncset.done @!p1 $0x0  }
0xa2: {  	s0 =	simm.s32 @!p1 $0x80;
	s3 =	simm.s32 @!p1 $0x180;
	[sflag:s30] =	ssyncadd.s32 @!p1 $0xFFFFFF80  }
0xa3: {  	[tilespmem:s3], [sflag:$0x1] =	stream.indirect.gather @!p1 [hbm4b:s4+s0], $0x80, s0, s0, $0xb8;
	[tilespmem:$0x1C300] =	vst v63  }
0xa4: {  	_ =	swait.ge [sflag:s25], $0x4000  }
0xa5: {  	[sflag:s25] =	ssyncset.done $0x0  }
0xa6: {  	[sflag:s25] =	ssyncadd.s32 $0xFFFFC000  }
0xa7: {  	[spmem:s1] =	stream.indirect.scatter.add.f32 [tilespmem:s24], [sflag:$0x3], $0x80, s21, s18, $0xb8;
	[tilespmem:$0x1C300] =	vst v63  }
0xa8: {  	_ =	swait.ge [sflag:s16], $0x4000  }
0xa9: {  	[sflag:s16] =	ssyncset.done $0x0  }
0xaa: {  	[sflag:s16] =	ssyncadd.s32 $0xFFFFC000  }
0xab: {  	[bflag:$0x0] =	sbarrier.arrive $0xFFFF  }
0xac: {  	[hbm:s9], [sflag:s6] =	dma.local [spmem:s15], $0x2800  }
0xad: {  	_ =	swait.ge [sflag:s16], $0x2800  }
0xae: {  	[sflag:s16] =	ssyncset.done $0x0  }
0xaf: {  	[sflag:s16] =	ssyncadd.s32 $0xFFFFD800  }
0xb0: {  	[bflag:$0x0] =	sbarrier.arrive $0xFFFF  }
0xb1: {  	[spmem:s15], [sflag:s6] =	dma.local [hbm:s10], $0x2800  }
0xb2: {  	_ =	swait.ge [sflag:s16], $0x2800  }
0xb3: {  	[sflag:s16] =	ssyncset.done $0x0  }
0xb4: {  	[sflag:s16] =	ssyncadd.s32 $0xFFFFD800  }
0xb5: {  	s29 =	simm.s32 $0x0;
	[bflag:$0x0] =	sbarrier.arrive $0xFFFF  }
0xb6: {  	[tilespmem:s29], [sflag:$0x3] =	stream.linear.gather [hbm4b:s7+s29], $0x80, $0x38;
	[tilespmem:$0x1C300] =	vst v63  }
0xb7: {  	_ =	swait.ge [sflag:s16], $0x80  }
0xb8: {  	[sflag:s16] =	ssyncset.done $0x0  }
0xb9: {  	[sflag:s16] =	ssyncadd.s32 $0xFFFFFF80  }
0xba: {  	v2 =	vld [tilespmem:$0x0]  }
0xbb: {  	v3 =	vld [tilespmem:$0x10]  }
0xbc: {  	v4 =	vld [tilespmem:$0x20]  }
0xbd: {  	v5 =	vld [tilespmem:$0x30]  }
0xbe: {  	v6 =	vld [tilespmem:$0x40]  }
0xbf: {  	v7 =	vld [tilespmem:$0x50];
	v2 =	vadd.s32 v1, v2  }
0xc0: {  	[tilespmem:$0x80] =	vst v2;
	v2 =	vadd.s32 v1, v3;
	v3 =	vld [tilespmem:$0x60]  }
0xc1: {  	[tilespmem:$0x90] =	vst v2;
	v2 =	vadd.s32 v1, v4;
	v4 =	vld [tilespmem:$0x70]  }
0xc2: {  	[tilespmem:$0xA0] =	vst v2;
	v2 =	vadd.s32 v1, v5  }
0xc3: {  	[tilespmem:$0xB0] =	vst v2;
	v2 =	vadd.s32 v1, v6  }
0xc4: {  	[tilespmem:$0xC0] =	vst v2;
	v2 =	vadd.s32 v1, v7  }
0xc5: {  	[tilespmem:$0xD0] =	vst v2;
	v2 =	vadd.s32 v1, v3  }
0xc6: {  	[tilespmem:$0xE0] =	vst v2;
	v2 =	vadd.s32 v1, v4  }
0xc7: {  	[tilespmem:$0xF0] =	vst v2  }
0xc8: {  	[tilespmem:s17], [sflag:$0x3] =	stream.linear.gather [hbm4b:s8+s29], $0x80, $0x38;
	[tilespmem:$0x1C300] =	vst v63  }
0xc9: {  	_ =	swait.ge [sflag:s16], $0x80  }
0xca: {  	[sflag:s16] =	ssyncset.done $0x0  }
0xcb: {  	s3 =	sadd.s32 $0x0, s13;
	[sflag:s16] =	ssyncadd.s32 $0xFFFFFF80  }
0xcc: {  	[tilespmem:s19], [sflag:$0x1] =	stream.indirect.gather [hbm4b:s4+s18], $0x80, s18, s18, $0xb8;
	[tilespmem:$0x1C300] =	vst v63  }
0xcd: {  	s0 =	sadd.s32 $0x10, s3  }
0xce: {  	[tilespmem:s20], [sflag:$0x3] =	stream.linear.gather [hbm4b:s0+s2], $0x80, $0x38;
	[tilespmem:$0x1C300] =	vst v63  }
0xcf: {  	_ =	swait.ge [sflag:s16], $0x80  }
0xd0: {  	[sflag:s16] =	ssyncset.done $0x0  }
0xd1: {  	[sflag:s16] =	ssyncadd.s32 $0xFFFFFF80  }
0xd2: {  	v2 =	vld [tilespmem:$0x41F0]  }
0xd3: {  	v3 =	vld [tilespmem:$0x41E0]  }
0xd4: {  	v4 =	vld [tilespmem:$0x41B0]  }
0xd5: {  	v6 =	vld [tilespmem:$0x4190]  }
0xd6: {  	v5 =	vld [tilespmem:$0x41D0]  }
0xd7: {  	v63 =	vld [tilespmem:$0x4180];
	v2 =	vadd.s32 v1, v2  }
0xd8: {  	v7 =	vld [tilespmem:$0x41A0];
	v3 =	vadd.s32 v1, v3;
	[tilespmem:$0x4270] =	vst v2  }
0xd9: {  	v2 =	vadd.s32 v1, v4;
	v4 =	vld [tilespmem:$0x41C0];
	[tilespmem:$0x4260] =	vst v3  }
0xda: {  	v3 =	vadd.s32 v1, v6;
	[tilespmem:$0x4230] =	vst v2  }
0xdb: {  	v2 =	vadd.s32 v1, v5;
	[tilespmem:$0x4210] =	vst v3  }
0xdc: {  	v3 =	vadd.s32 v1, v63;
	[tilespmem:$0x4250] =	vst v2  }
0xdd: {  	v2 =	vadd.s32 v1, v7;
	[tilespmem:$0x4200] =	vst v3  }
0xde: {  	s29 =	sadd.s32 $0x0, s14;
	[tilespmem:$0x4220] =	vst v2;
	v2 =	vadd.s32 v1, v4  }
0xdf: {  	s0 =	sadd.s32 $0x10, s29;
	[tilespmem:$0x4240] =	vst v2  }
0xe0: {  	[tilespmem:s21], [sflag:$0x3] =	stream.linear.gather [hbm4b:s0+s2], $0x80, $0x38;
	[tilespmem:$0x1C300] =	vst v63  }
0xe1: {  	_ =	swait.ge [sflag:s16], $0x80  }
0xe2: {  	[sflag:s16] =	ssyncset.done $0x0  }
0xe3: {  	[sflag:s16] =	ssyncadd.s32 $0xFFFFFF80  }
0xe4: {  	_ =	swait.ge [sflag:s22], $0x4000  }
0xe5: {  	[sflag:s22] =	ssyncset.done $0x0  }
0xe6: {  	[sflag:s22] =	ssyncadd.s32 $0xFFFFC000  }
0xe7: {  	[tilespmem:s24], [sflag:$0x2] =	stream.indirect.gather [hbm4b:s4+s18], $0x80, s23, s18, $0xb8;
	[tilespmem:$0x1C300] =	vst v63  }
0xe8: {  	_ = 	snop  }
0xe9: {  	[spmem:s1] =	stream.indirect.scatter.add.f32 [tilespmem:s19], [sflag:$0x3], $0x80, s17, s18, $0xb8;
	[tilespmem:$0x1C300] =	vst v63  }
0xea: {  	p1 =	por $0x0, $0x0;
	_ =	swait.ge [sflag:s16], $0x4000  }
0xeb: {  	s30 =	simm.s32 @!p1 $0x3;
	s0 =	sadd.s32 @!p1 $0x0, s13;
	[sflag:s16] =	ssyncset.done $0x0  }
0xec: {  	s31 =	simm.s32 @!p1 $0x0;
	s0 =	sadd.s32 @!p1 $0x20, s0;
	[sflag:s16] =	ssyncadd.s32 $0xFFFFC000  }
0xed: {  	[tilespmem:s31], [sflag:$0x3] =	stream.linear.gather @!p1 [hbm4b:s0+s31], $0x80, $0x38;
	[tilespmem:$0x1C300] =	vst v63  }
0xee: {  	_ =	swait.ge @!p1 [sflag:s30], $0x80  }
0xef: {  	[sflag:s30] =	ssyncset.done @!p1 $0x0  }
0xf0: {  	[sflag:s30] =	ssyncadd.s32 @!p1 $0xFFFFFF80  }
0xf1: {  	v3 =	vld @!p1 [tilespmem:$0x70]  }
0xf2: {  	s0 =	sadd.s32 @!p1 $0x0, s14;
	v4 =	vld @!p1 [tilespmem:$0x0]  }
0xf3: {  	s28 =	simm.s32 $0x20;
	s0 =	sadd.s32 @!p1 $0x20, s0;
	v2 =	vld @!p1 [tilespmem:$0x30]  }
.LBB2_4:
0xf4: {  	v5 =	vld @!p1 [tilespmem:$0x60];
	s29 =	smov.u32 s28;
	s28 =	sadd.s32 $0x20, s28  }
0xf5: {  	p0 =	sne.s32 s28, $0x500;
	v6 =	vld @!p1 [tilespmem:$0x10]  }
0xf6: {  	v7 =	vld @!p1 [tilespmem:$0x20];
	v3 =	vadd.s32 @!p1 v1, v3  }
0xf7: {  	v4 =	vadd.s32 @!p1 v1, v4;
	v8 =	vld @!p1 [tilespmem:$0x40];
	[tilespmem:$0xF0] =	vst @!p1 v3  }
0xf8: {  	[tilespmem:$0x80] =	vst @!p1 v4;
	v2 =	vadd.s32 @!p1 v1, v2;
	v3 =	vld @!p1 [tilespmem:$0x50]  }
0xf9: {  	v4 =	vadd.s32 @!p1 v1, v5  }
0xfa: {  	v5 =	vadd.s32 @!p1 v1, v6;
	[tilespmem:$0xB0] =	vst @!p1 v2  }
0xfb: {  	[tilespmem:$0x90] =	vst @!p1 v5;
	v2 =	vadd.s32 @!p1 v1, v7  }
0xfc: {  	[tilespmem:$0xA0] =	vst @!p1 v2;
	v2 =	vadd.s32 @!p1 v1, v8  }
0xfd: {  	[tilespmem:$0xC0] =	vst @!p1 v2;
	v2 =	vadd.s32 @!p1 v1, v3  }
0xfe: {  	[tilespmem:$0xD0] =	vst @!p1 v2  }
0xff: {  	s3 =	simm.s32 @!p1 $0x100;
	[tilespmem:$0xE0] =	vst @!p1 v4  }
0x100: {  	[tilespmem:s3], [sflag:$0x3] =	stream.linear.gather @!p1 [hbm4b:s0+s31], $0x80, $0x38;
	[tilespmem:$0x1C300] =	vst v63  }
0x101: {  	_ =	swait.ge @!p1 [sflag:s30], $0x80  }
0x102: {  	[sflag:s30] =	ssyncset.done @!p1 $0x0  }
0x103: {  	s0 =	simm.s32 @!p1 $0x80;
	s3 =	simm.s32 @!p1 $0x180;
	[sflag:s30] =	ssyncadd.s32 @!p1 $0xFFFFFF80  }
0x104: {  	[tilespmem:s3], [sflag:$0x1] =	stream.indirect.gather @!p1 [hbm4b:s4+s0], $0x80, s0, s0, $0xb8;
	[tilespmem:$0x1C300] =	vst v63  }
0x105: {  	_ =	swait.ge [sflag:s25], $0x4000  }
0x106: {  	[sflag:s25] =	ssyncset.done $0x0  }
0x107: {  	[sflag:s25] =	ssyncadd.s32 $0xFFFFC000  }
0x108: {  	[spmem:s1] =	stream.indirect.scatter.add.f32 [tilespmem:s24], [sflag:$0x3], $0x80, s21, s18, $0xb8;
	[tilespmem:$0x1C300] =	vst v63  }
0x109: {  	_ =	swait.ge [sflag:s16], $0x4000  }
0x10a: {  	s0 =	sadd.s32 s29, s13;
	[sflag:s16] =	ssyncset.done $0x0  }
0x10b: {  	s0 =	sadd.s32 $0x10, s0;
	[sflag:s16] =	ssyncadd.s32 $0xFFFFC000  }
0x10c: {  	[tilespmem:s20], [sflag:$0x3] =	stream.linear.gather [hbm4b:s0+s2], $0x80, $0x38;
	[tilespmem:$0x1C300] =	vst v63  }
0x10d: {  	_ =	swait.ge [sflag:s16], $0x80  }
0x10e: {  	[sflag:s16] =	ssyncset.done $0x0  }
0x10f: {  	[sflag:s16] =	ssyncadd.s32 $0xFFFFFF80  }
0x110: {  	v2 =	vld [tilespmem:$0x41F0]  }
0x111: {  	v3 =	vld [tilespmem:$0x41E0]  }
0x112: {  	v4 =	vld [tilespmem:$0x41B0]  }
0x113: {  	v5 =	vld [tilespmem:$0x41D0]  }
0x114: {  	v6 =	vld [tilespmem:$0x4190]  }
0x115: {  	v7 =	vld [tilespmem:$0x41A0];
	v2 =	vadd.s32 v1, v2  }
0x116: {  	v8 =	vld [tilespmem:$0x4180];
	v3 =	vadd.s32 v1, v3;
	[tilespmem:$0x4270] =	vst v2  }
0x117: {  	v2 =	vadd.s32 v1, v4;
	v4 =	vld [tilespmem:$0x41C0];
	[tilespmem:$0x4260] =	vst v3  }
0x118: {  	[tilespmem:$0x4230] =	vst v2;
	v2 =	vadd.s32 v1, v5  }
0x119: {  	v3 =	vadd.s32 v1, v6;
	[tilespmem:$0x4250] =	vst v2  }
0x11a: {  	[tilespmem:$0x4210] =	vst v3;
	v2 =	vadd.s32 v1, v7  }
0x11b: {  	v3 =	vadd.s32 v1, v8;
	[tilespmem:$0x4220] =	vst v2  }
0x11c: {  	s0 =	sadd.s32 s29, s14;
	[tilespmem:$0x4200] =	vst v3;
	v2 =	vadd.s32 v1, v4  }
0x11d: {  	s0 =	sadd.s32 $0x10, s0;
	[tilespmem:$0x4240] =	vst v2  }
0x11e: {  	[tilespmem:s21], [sflag:$0x3] =	stream.linear.gather [hbm4b:s0+s2], $0x80, $0x38;
	[tilespmem:$0x1C300] =	vst v63  }
0x11f: {  	_ =	swait.ge [sflag:s16], $0x80  }
0x120: {  	[sflag:s16] =	ssyncset.done $0x0  }
0x121: {  	[sflag:s16] =	ssyncadd.s32 $0xFFFFFF80  }
0x122: {  	_ =	swait.ge [sflag:s22], $0x4000  }
0x123: {  	[sflag:s22] =	ssyncset.done $0x0  }
0x124: {  	[sflag:s22] =	ssyncadd.s32 $0xFFFFC000  }
0x125: {  	[tilespmem:s24], [sflag:$0x2] =	stream.indirect.gather [hbm4b:s4+s18], $0x80, s23, s18, $0xb8;
	[tilespmem:$0x1C300] =	vst v63  }
0x126: {  	_ = 	snop  }
0x127: {  	[spmem:s1] =	stream.indirect.scatter.add.f32 [tilespmem:s19], [sflag:$0x3], $0x80, s17, s18, $0xb8;
	[tilespmem:$0x1C300] =	vst v63  }
0x128: {  	p1 =	seq.s32 s29, $0x4E0;
	_ =	swait.ge [sflag:s16], $0x4000  }
0x129: {  	s30 =	simm.s32 @!p1 $0x3;
	s0 =	sadd.s32 @!p1 s29, s13;
	[sflag:s16] =	ssyncset.done $0x0  }
0x12a: {  	s31 =	simm.s32 @!p1 $0x0;
	s0 =	sadd.s32 @!p1 $0x20, s0;
	[sflag:s16] =	ssyncadd.s32 $0xFFFFC000  }
0x12b: {  	[tilespmem:s31], [sflag:$0x3] =	stream.linear.gather @!p1 [hbm4b:s0+s31], $0x80, $0x38;
	[tilespmem:$0x1C300] =	vst v63  }
0x12c: {  	s0 =	sadd.s32 @!p1 s29, s14;
	_ =	swait.ge @!p1 [sflag:s30], $0x80  }
.Ltmp1:
0x12d: {  	s0 =	sadd.s32 @!p1 $0x20, s0;
	[sflag:s30] =	ssyncset.done @!p1 $0x0;
	(pc) =	sbr.rel @p0 .LBB2_4-.Ltmp1, $4  }
0x12e: {  	[sflag:s30] =	ssyncadd.s32 @!p1 $0xFFFFFF80  }
0x12f: {  	v3 =	vld @!p1 [tilespmem:$0x70]  }
0x130: {  	v4 =	vld @!p1 [tilespmem:$0x0]  }
0x131: {  	v2 =	vld @!p1 [tilespmem:$0x30]  }
0x132: {  	v5 =	vld @!p1 [tilespmem:$0x10]  }
0x133: {  	v6 =	vld @!p1 [tilespmem:$0x20]  }
0x134: {  	v7 =	vld @!p1 [tilespmem:$0x40];
	v3 =	vadd.s32 @!p1 v1, v3  }
0x135: {  	v4 =	vadd.s32 @!p1 v1, v4;
	[tilespmem:$0xF0] =	vst @!p1 v3;
	v3 =	vld @!p1 [tilespmem:$0x50]  }
0x136: {  	v8 =	vld @!p1 [tilespmem:$0x60];
	[tilespmem:$0x80] =	vst @!p1 v4;
	v2 =	vadd.s32 @!p1 v1, v2  }
0x137: {  	v4 =	vadd.s32 @!p1 v1, v5;
	[tilespmem:$0xB0] =	vst @!p1 v2  }
0x138: {  	v2 =	vadd.s32 @!p1 v1, v6;
	[tilespmem:$0x90] =	vst @!p1 v4  }
0x139: {  	[tilespmem:$0xA0] =	vst @!p1 v2;
	v2 =	vadd.s32 @!p1 v1, v7  }
0x13a: {  	[tilespmem:$0xC0] =	vst @!p1 v2;
	v2 =	vadd.s32 @!p1 v1, v3  }
0x13b: {  	v3 =	vadd.s32 @!p1 v1, v8;
	[tilespmem:$0xD0] =	vst @!p1 v2  }
0x13c: {  	s3 =	simm.s32 @!p1 $0x100;
	[tilespmem:$0xE0] =	vst @!p1 v3  }
0x13d: {  	[tilespmem:s3], [sflag:$0x3] =	stream.linear.gather @!p1 [hbm4b:s0+s31], $0x80, $0x38;
	[tilespmem:$0x1C300] =	vst v63  }
0x13e: {  	_ =	swait.ge @!p1 [sflag:s30], $0x80  }
0x13f: {  	[sflag:s30] =	ssyncset.done @!p1 $0x0  }
0x140: {  	s0 =	simm.s32 @!p1 $0x80;
	s3 =	simm.s32 @!p1 $0x180;
	[sflag:s30] =	ssyncadd.s32 @!p1 $0xFFFFFF80  }
0x141: {  	[tilespmem:s3], [sflag:$0x1] =	stream.indirect.gather @!p1 [hbm4b:s4+s0], $0x80, s0, s0, $0xb8;
	[tilespmem:$0x1C300] =	vst v63  }
0x142: {  	_ =	swait.ge [sflag:s25], $0x4000  }
0x143: {  	[sflag:s25] =	ssyncset.done $0x0  }
0x144: {  	[sflag:s25] =	ssyncadd.s32 $0xFFFFC000  }
0x145: {  	[spmem:s1] =	stream.indirect.scatter.add.f32 [tilespmem:s24], [sflag:$0x3], $0x80, s21, s18, $0xb8;
	[tilespmem:$0x1C300] =	vst v63  }
0x146: {  	_ =	swait.ge [sflag:s16], $0x4000  }
0x147: {  	[sflag:s16] =	ssyncset.done $0x0  }
0x148: {  	s26 =	sadd.s32 $0x1, s26;
	[sflag:s16] =	ssyncadd.s32 $0xFFFFC000  }
0x149: {  	p0 =	sne.s32 s26, s12;
	[bflag:$0x0] =	sbarrier.arrive $0xFFFF  }
0x14a: {  	[hbm:s11], [sflag:s6] =	dma.local [spmem:s15], $0x2800  }
.Ltmp2:
0x14b: {  	_ =	swait.ge [sflag:s16], $0x2800;
	(pc) =	sbr.rel @p0 .LBB2_1-.Ltmp2, $3  }
0x14c: {  	[sflag:s16] =	ssyncset.done $0x0  }
0x14d: {  	[sflag:s16] =	ssyncadd.s32 $0xFFFFD800  }
0x14e: {  	[bflag:$0x0] =	sbarrier.arrive $0xFFFF;
	_ =	sdelay $0x1  }
0x14f: {  	_ =	sfence.sel $0x180000  }
0x150: {  	[bflag:$0x0] =	sbarrier.arrive $0xFFFF  }
0x151: {  	_ =	strace $0x9000004D  }
0x152: {  	s0 =	stileid.u32;
	[bflag:$0x2] =	sbarrier.arrive $0xFFFF  }
0x153: {  	p0 =	sne.s32 s0, $0x0;
	s0 =	rddreg [dreg:$0x2]  }
0x154: {  	s0 =	sadd.s32 @!p0 $0x100000, s0  }
0x155: {  	[sflag:s0] =	ssyncadd.tile.s32 @!p0 $0x1;
	_ =	shalt  }
.Lfunc_end2:
_tile_overlayer_lowered:
.L_overlay_start_2:
0x156: {  	(tag) =	ssettag $0x2  }
0x157: {  	s0 =	rddreg [dreg:$0x0];
	s2 =	stileid.u32  }
0x158: {  	s1 =	rddreg [dreg:$0x1];
	p0 =	sne.s32 s2, $0x0  }
0x159: {  	s3 =	rddreg [dreg:$0x2];
	[bflag:$0x3] =	sbarrier.arrive $0xFFFF;
	s2 =	simm.s32 @!p0 $0x1C03  }
0x15a: {  	[timem:s3], [sflag:s2] =	dma.local @!p0 [hbm:s0], s1  }
0x15b: {  	s0 =	simm.s32 @!p0 $0x3  }
0x15c: {  	_ =	swait.ge @!p0 [sflag:s0], s1  }
0x15d: {  	s1 =	ssub.s32 @!p0 $0x0, s1;
	[sflag:s0] =	ssyncset.done @!p0 $0x0  }
0x15e: {  	[sflag:s0] =	ssyncadd.s32 @!p0 s1  }
0x15f: {  	[bflag:$0x3] =	sbarrier.arrive $0xFFFF  }
0x160: {  	_ =	shalt  }

// kernel: kernel.8.cloned.1.call-start
scs
__scs_entry_jumppad:
0x0: {  	(pc) =	sbr.rel $0x88, $3  }
0x1: {  	(tag) =	ssettag $0x0;
	lr =	simm.s32 $0x1  }
0x2: {  	[smem:$0x3F95] =	sst lr;
	_ =	strace $0xD0000000  }
0x3: {  	_ = 	snop  }
0x4: {  	_ = 	snop  }
0x5: {  	_ = 	snop  }
0x6: {  	_ = 	snop  }
0x7: {  	_ = 	snop  }
__scs_overlays_trampoline_lowered:
0x8: {  	[smem:$0x3FA4] =	sst s0  }
0x9: {  	[smem:$0x3FA5] =	sst s1  }
0xa: {  	[smem:$0x3FA6] =	sst s2  }
0xb: {  	[smem:$0x3FA7] =	sst s3  }
0xc: {  	[smem:$0x3FA8] =	sst s4  }
0xd: {  	[smem:$0x3FA9] =	sst s5  }
0xe: {  	[smem:$0x3FAA] =	sst s6  }
0xf: {  	[smem:$0x3FAB] =	sst s7  }
0x10: {  	[smem:$0x3FAC] =	sst s8  }
0x11: {  	[smem:$0x3FAD] =	sst s9;
	s0 =	simm.s32 @!p0 $0x0  }
0x12: {  	s1 =	sld [smem:$0x3F93];
	s0 =	simm.s32 @p0 $0x1  }
0x13: {  	[smem:$0x3FAE] =	sst s0;
	s0 =	simm.s32 @!p1 $0x0  }
0x14: {  	s2 =	sld [smem:$0x3F92];
	s0 =	simm.s32 @p1 $0x1  }
0x15: {  	[smem:$0x3FAF] =	sst s0;
	s0 =	simm.s32 @!p2 $0x0  }
0x16: {  	s3 =	sld [smem:$0x3FDB];
	s0 =	simm.s32 @p2 $0x1  }
0x17: {  	s4 =	simm.s32 $0x1BF5;
	[smem:$0x3FB1] =	sst s0  }
0x18: {  	s0 =	sld [smem:$0x3F94];
	_ =	swait.ge [sflag:s4], $0x0  }
0x19: {  	s7 =	sld [smem:$0x3F95]  }
0x1a: {  	s8 =	sadd.s32 $0xFFFFE003, lr  }
0x1b: {  	s9 =	sadd.s32 $0xFFFFFEF7, lr;
	s5 =	simm.s32 $0xFFFFFFFF;
	p2 =	slt.u32 s8, $0xFFFFF086  }
0x1c: {  	p1 =	slt.u32 s9, $0xF7A;
	s5 =	simm.s32 @!p2 $0x0  }
0x1d: {  	s5 =	simm.s32 @p1 $0x1;
	p0 =	seq.s32 s7, s2  }
0x1e: {  	s7 =	smul.u32 @!p0 $0xF7A, s2;
	p2 =	seq.s32 @!p0 s5, $0x0  }
0x1f: {  	s9 =	smul.u32 $0xF7A, s1;
	s8 =	simm.s32 @!p0 $0x1BF5;
	p2 =	por !p2, p0  }
0x20: {  	[sflag:s8] =	ssyncset.s32 @!p0 $0xFFFFF086;
	s6 =	sadd.s32 @!p0 s3, s7;
	s7 =	simm.s32 @!p0 $0x108  }
0x21: {  	s3 =	sadd.s32 s3, s9;
	s6 =	sadd.s32 @!p0 $0x88, s6;
	s7 =	simm.s32 @p2 $0x1082  }
0x22: {  	[simem:s7], [sflag:s8] =	dma.local @!p0 [hbm:s6], $0xF7A  }
0x23: {  	s9 =	sor.u32 $0xD0000000, s2;
	s6 =	simm.s32 $0x108;
	_ =	swait.ge @!p0 [sflag:s8], $0x0  }
0x24: {  	s3 =	sadd.s32 $0x88, s3;
	s6 =	simm.s32 @!p1 $0x1082;
	[sflag:s4] =	ssyncset.s32 $0xFFFFF086  }
0x25: {  	[simem:s6], [sflag:s4] =	dma.local [hbm:s3], $0xF7A  }
0x26: {  	[smem:$0x3F95] =	sst s1;
	(tag) =	ssettag s2;
	_ =	strace s9  }
0x27: {  	s1 =	sld [smem:$0x3FA5]  }
0x28: {  	s2 =	sld [smem:$0x3FA6]  }
0x29: {  	s4 =	sld [smem:$0x3FA8]  }
0x2a: {  	p0 =	seq.s32 s5, $0x0;
	s5 =	sld [smem:$0x3FA9]  }
0x2b: {  	s6 =	sld [smem:$0x3FAA]  }
0x2c: {  	s7 =	sld [smem:$0x3FAB]  }
0x2d: {  	s3 =	simm.s32 $0x108;
	s8 =	sld [smem:$0x3FAC]  }
0x2e: {  	s3 =	simm.s32 @!p0 $0x1082;
	s9 =	sld [smem:$0x3FAD]  }
0x2f: {  	lr =	sadd.s32 s0, s3;
	s0 =	sld [smem:$0x3FA4]  }
0x30: {  	s3 =	sld [smem:$0x3FA7]  }
0x31: {  	[smem:$0x3FB0] =	sst s10  }
0x32: {  	s10 =	sld [smem:$0x3FAE];
	_ =	sdelay $0x3  }
0x33: {  	p0 =	seq.s32 s10, $0x1;
	s10 =	sld [smem:$0x3FB0];
	_ =	sdelay $0x3  }
0x34: {  	[smem:$0x3FB0] =	sst s10  }
0x35: {  	s10 =	sld [smem:$0x3FAF];
	_ =	sdelay $0x3  }
0x36: {  	p1 =	seq.s32 s10, $0x1;
	s10 =	sld [smem:$0x3FB0];
	_ =	sdelay $0x3  }
0x37: {  	[smem:$0x3FB0] =	sst s10  }
0x38: {  	s10 =	sld [smem:$0x3FB1]  }
0x39: {  	_ = 	snop;
	(pc) =	sbr.ind lr, $3  }
0x3a: {  	_ = 	snop  }
0x3b: {  	_ = 	snop  }
0x3c: {  	p2 =	seq.s32 s10, $0x1;
	s10 =	sld [smem:$0x3FB0]  }
0x3d: {  	_ =	shalt  }
0x3e: {  	_ =	shalt  }
0x3f: {  	_ =	shalt  }
0x40: {  	_ =	shalt  }
0x41: {  	_ =	shalt  }
0x42: {  	_ =	shalt  }
0x43: {  	_ =	shalt  }
0x44: {  	_ =	shalt  }
0x45: {  	_ =	shalt  }
0x46: {  	_ =	shalt  }
0x47: {  	_ =	shalt  }
0x48: {  	_ =	shalt  }
0x49: {  	_ =	shalt  }
0x4a: {  	_ =	shalt  }
0x4b: {  	_ =	shalt  }
0x4c: {  	_ =	shalt  }
0x4d: {  	_ =	shalt  }
0x4e: {  	_ =	shalt  }
0x4f: {  	_ =	shalt  }
0x50: {  	_ =	shalt  }
0x51: {  	_ =	shalt  }
0x52: {  	_ =	shalt  }
0x53: {  	_ =	shalt  }
0x54: {  	_ =	shalt  }
0x55: {  	_ =	shalt  }
0x56: {  	_ =	shalt  }
0x57: {  	_ =	shalt  }
0x58: {  	_ =	shalt  }
0x59: {  	_ =	shalt  }
0x5a: {  	_ =	shalt  }
0x5b: {  	_ =	shalt  }
0x5c: {  	_ =	shalt  }
0x5d: {  	_ =	shalt  }
0x5e: {  	_ =	shalt  }
0x5f: {  	_ =	shalt  }
0x60: {  	_ =	shalt  }
0x61: {  	_ =	shalt  }
0x62: {  	_ =	shalt  }
0x63: {  	_ =	shalt  }
0x64: {  	_ =	shalt  }
0x65: {  	_ =	shalt  }
0x66: {  	_ =	shalt  }
0x67: {  	_ =	shalt  }
0x68: {  	_ =	shalt  }
0x69: {  	_ =	shalt  }
0x6a: {  	_ =	shalt  }
0x6b: {  	_ =	shalt  }
0x6c: {  	_ =	shalt  }
0x6d: {  	_ =	shalt  }
0x6e: {  	_ =	shalt  }
0x6f: {  	_ =	shalt  }
0x70: {  	_ =	shalt  }
0x71: {  	_ =	shalt  }
0x72: {  	_ =	shalt  }
0x73: {  	_ =	shalt  }
0x74: {  	_ =	shalt  }
0x75: {  	_ =	shalt  }
0x76: {  	_ =	shalt  }
0x77: {  	_ =	shalt  }
0x78: {  	_ =	shalt  }
0x79: {  	_ =	shalt  }
0x7a: {  	_ =	shalt  }
0x7b: {  	_ =	shalt  }
0x7c: {  	_ =	shalt  }
0x7d: {  	_ =	shalt  }
0x7e: {  	_ =	shalt  }
0x7f: {  	_ =	shalt  }
0x80: {  	_ =	shalt  }
0x81: {  	_ =	shalt  }
0x82: {  	_ =	shalt  }
0x83: {  	_ =	shalt  }
0x84: {  	_ =	shalt  }
0x85: {  	_ =	shalt  }
0x86: {  	_ =	shalt  }
0x87: {  	_ =	shalt  }
.Lfunc_end0:
.L_simem_size_0:
called_computation_lowered:
.L_overlay_start_0:
0x88: {  	s2 =	sld [smem:$0x3FD9]  }
0x89: {  	s3 =	sld [smem:$0x3FFE];
	_ =	sdelay $0x1  }
0x8a: {  	s1 =	srdreg.scid  }
0x8b: {  	s0 =	sand.u32 $0x1, s1  }
0x8c: {  	s17 =	sshll.u32 s0, $0xA;
	s2 =	sadd.s32 s3, s2  }
0x8d: {  	s2 =	sadd.s32 s2, s17  }
0x8e: {  	[smem:$0x3FBC] =	sst s2  }
0x8f: {  	_ = 	snop  }
0x90: {  	s2 =	sld [smem:$0x3FD0];
	(tm) =	ssettm $0x1  }
0x91: {  	s18 =	sld [smem:$0x3FFB];
	_ =	sdelay $0x3  }
0x92: {  	_ =	strace s18  }
0x93: {  	s3 =	sld [smem:$0x3FFC];
	_ =	sdelay $0x3  }
0x94: {  	_ =	strace s3  }
0x95: {  	s3 =	sld [smem:$0x3FFD];
	_ =	sdelay $0x3  }
0x96: {  	_ =	strace s3  }
0x97: {  	_ =	strace $0x8FFFFFFF  }
0x98: {  	s19 =	sld [smem:$0x3FDB];
	_ =	sdelay $0x1  }
0x99: {  	s4 =	simm.s32 $_scs_section_size  }
0x9a: {  	s5 =	simm.s32 $_size__tile_overlayer_lowered;
	s6 =	simm.s32 $_tile_overlayer_lowered  }
0x9b: {  	s22 =	simm.s32 $0x1BFF;
	s21 =	sshll.u32 s6, $0x1;
	s3 =	sadd.s32 s4, s19  }
0x9c: {  	s7 =	simm.s32 $0x0;
	s20 =	sshll.u32 s5, $0x1;
	s5 =	sadd.s32 s21, s3  }
0x9d: {  	[timem:s7], [sflag:s22] =	dma.local [hbm:s5], s20  }
0x9e: {  	_ =	swait.ge [sflag:s22], s20  }
0x9f: {  	s4 =	ssub.s32 $0x0, s20;
	[sflag:s22] =	ssyncset.done $0x0  }
0xa0: {  	[sflag:s22] =	ssyncadd.s32 s4;
	_ =	sdelay $0x1  }
0xa1: {  	s23 =	simm.s32 $0x1B8B  }
0xa2: {  	_ =	swait.ge [sflag:s23], $0x1  }
0xa3: {  	[sflag:s23] =	ssyncset.done $0x0  }
0xa4: {  	s25 =	simm.s32 $0x1B8E;
	s24 =	sld [smem:$0x3FFE];
	[sflag:s23] =	ssyncadd.s32 $0xFFFFFFFF  }
0xa5: {  	s26 =	simm.s32 $execute0_lowered;
	[smem:$0x3FD2] =	sst s25  }
0xa6: {  	s5 =	sshll.u32 s26, $0x1;
	_ =	strace $0x80000046;
	[dreg:$0x1] =	wrdreg $0xFFFFFFFF  }
0xa7: {  	s28 =	simm.s32 $_size_execute0_lowered;
	s3 =	sadd.s32 s3, s5;
	[dreg:$0x0] =	wrdreg $0x0  }
0xa8: {  	s5 =	sshll.u32 s28, $0x1;
	[dreg:$0x2] =	wrdreg s3  }
0xa9: {  	[dreg:$0x3] =	wrdreg s5  }
0xaa: {  	[dreg:$0x4] =	wrdreg $0xC0  }
0xab: {  	_ =	task [dreg:s7], $0x5FFFF  }
0xac: {  	[dreg:$0x1] =	wrdreg $0xFFFFFFFF  }
0xad: {  	[dreg:$0x0] =	wrdreg $0x60  }
0xae: {  	[dreg:$0x2] =	wrdreg s24  }
0xaf: {  	[dreg:$0x3] =	wrdreg s2  }
0xb0: {  	[dreg:$0x4] =	wrdreg $0x40800  }
0xb1: {  	[dreg:$0x5] =	wrdreg $0x9  }
0xb2: {  	_ =	task.clear_ibuf [dreg:s7], $0x6FFFF;
	_ =	strace $0x90000046  }
0xb3: {  	s29 =	simm.s32 $0x9;
	_ =	strace $0x80000048  }
0xb4: {  	_ =	swait.ge [sflag:s29], $0x1  }
0xb5: {  	[sflag:s29] =	ssyncadd.s32 $0xFFFFFFFF  }
0xb6: {  	_ =	strace $0x90000048  }
0xb7: {  	_ =	sfence  }
0xb8: {  	s30 =	sld [smem:$0x0];
	_ =	sdelay $0x2  }
0xb9: {  	s31 =	sshll.u32 s1, $0xD;
	s1 =	sshrl.u32 s1, $0x2  }
0xba: {  	s3 =	sand.u32 $0x4000, s31;
	s1 =	sadd.s32 s1, s30  }
0xbb: {  	s0 =	sor.u32 s3, s0;
	s1 =	sshll.u32 s1, $0x11  }
0xbc: {  	s0 =	sor.u32 s1, s0  }
0xbd: {  	s0 =	sadd.s32 $0x8F2B, s0  }
0xbe: {  	[sflag:s0] =	ssyncadd.remote.s32 $0x1  }
0xbf: {  	_ =	sfence.sel $0xFFFF  }
0xc0: {  	[dreg:$0x0] =	wrdreg $0xFFFFFFFF;
	(pc) =	sbr.abs _section_cstart, $3  }
0xc1: {  	[dreg:$0x1] =	wrdreg $0xFFFFFFFF  }
0xc2: {  	_ =	task.clear_ibuf [dreg:s7], $0x2FFFF;
	_ =	strace $0x9FFFFFFF  }
0xc3: {  	(tm) =	ssettm $0x7FFFFFFF  }
tec
execute0_lowered:
.L_overlay_start_1:
0x0: {  	(tag) =	ssettag $0x1  }
0x1: {  	s0 =	srdreg.scid;
	s5 =	rddreg [dreg:$0x0]  }
0x2: {  	s7 =	rddreg [dreg:$0x1];
	s6 =	sand.u32 $0x1, s0  }
0x3: {  	s0 =	stileid.u32;
	s4 =	smul.u32 $0x14000, s6  }
0x4: {  	s2 =	rddreg [dreg:$0x2];
	s3 =	simm.s32 $0x0;
	s8 =	smul.u32 $0x1400, s0  }
0x5: {  	[smem:$0x7FF] =	sst s3;
	s9 =	smul.u32 $0x14000, s0  }
0x6: {  	s1 =	rddreg [dreg:$0x3];
	s10 =	smul.u32 $0x140000, s6;
	_ =	strace $0x80000047  }
0x7: {  	s11 =	smul.u32 $0x50000, s0;
	s30 =	ssub.s32 $0x2, s6;
	s31 =	sshll.u32 s0, $0x6  }
0x8: {  	s6 =	sshrl.u32 s30, $0x1;
	s4 =	sadd.s32 s8, s4;
	s28 =	sadd.s32 s9, s10  }
0x9: {  	s11 =	sshrl.u32 s11, $0x2;
	s9 =	sshrl.u32 s9, $0x3;
	s12 =	ssub.s32 s30, s6  }
0xa: {  	s10 =	simm.s32 $0x1;
	s4 =	sshrl.u32 s4, $0x3;
	s8 =	sshrl.u32 s28, $0x3  }
0xb: {  	s13 =	sadd.s32 s11, s2;
	s11 =	sor.u32 $0x1C01, s31;
	s29 =	sadd.s32 s4, s5  }
0xc: {  	s4 =	sadd.s32 $0xCC00, s5;
	s8 =	sadd.s32 s8, s5;
	s5 =	sadd.s32 s7, s9  }
0xd: {  	s7 =	smax.u32 s12, $0x1;
	s9 =	simm.s32 $0x80;
	s12 =	sshrl.u32 s13, $0x3  }
0xe: {  	s13 =	simm.s32 $0x0;
	s6 =	sadd.s32 $0xD400, s8;
	s8 =	sadd.s32 $0x7C00, s29  }
.LBB2_1:
0xf: {  	[tilespmem:s9], [sflag:$0x1] =	stream.linear.gather [hbm4b:s4+s3], $0x4000, $0x38;
	[tilespmem:$0x18080] =	vst v63  }
0x10: {  	_ =	swait.ge [sflag:s10], $0x4000  }
0x11: {  	[sflag:s10] =	ssyncset.done $0x0  }
0x12: {  	[sflag:s10] =	ssyncadd.s32 $0xFFFFC000  }
0x13: {  	[spmem:s12], [sflag:s11] =	dma.local [hbm:s5], $0x2800  }
0x14: {  	_ =	swait.ge [sflag:s10], $0x2800  }
0x15: {  	[sflag:s10] =	ssyncset.done $0x0  }
0x16: {  	[sflag:s10] =	ssyncadd.s32 $0xFFFFD800  }
0x17: {  	s14 =	sadd.s32 $0x0, s8;
	[bflag:$0x0] =	sbarrier.arrive $0xFFFF  }
0x18: {  	[tilespmem:s3], [sflag:$0x1] =	stream.linear.gather [hbm4b:s14+s3], $0x80, $0x38;
	[tilespmem:$0x18080] =	vst v63  }
0x19: {  	_ =	swait.ge [sflag:s10], $0x80  }
0x1a: {  	[sflag:s10] =	ssyncset.done $0x0  }
0x1b: {  	[sflag:s10] =	ssyncadd.s32 $0xFFFFFF80  }
0x1c: {  	[spmem:s2] =	stream.indirect.scatter.add.f32 [tilespmem:s9], [sflag:$0x1], $0x80, s3, s9, $0xb8;
	[tilespmem:$0x18080] =	vst v63  }
0x1d: {  	_ =	swait.ge [sflag:s10], $0x4000  }
0x1e: {  	s15 =	simm.s32 $0x20;
	s14 =	simm.s32 $0x10;
	[sflag:s10] =	ssyncset.done $0x0  }
.LBB2_2:
0x1f: {  	s16 =	sadd.s32 s14, s8  }
0x20: {  	[sflag:s10] =	ssyncadd.s32 $0xFFFFC000;
	s14 =	smov.u32 s15;
	s17 =	sadd.s32 $0x10, s15  }
0x21: {  	[tilespmem:s3], [sflag:$0x1] =	stream.linear.gather [hbm4b:s16+s3], $0x80, $0x38;
	[tilespmem:$0x18080] =	vst v63  }
0x22: {  	p0 =	sne.s32 s15, $0x270;
	_ =	swait.ge [sflag:s10], $0x80  }
.Ltmp0:
0x23: {  	[sflag:s10] =	ssyncset.done $0x0;
	(pc) =	sbr.rel @p0 .LBB2_2-.Ltmp0, $4  }
0x24: {  	[sflag:s10] =	ssyncadd.s32 $0xFFFFFF80  }
0x25: {  	[spmem:s2] =	stream.indirect.scatter.add.f32 [tilespmem:s9], [sflag:$0x1], $0x80, s3, s9, $0xb8;
	[tilespmem:$0x18080] =	vst v63  }
0x26: {  	_ =	swait.ge [sflag:s10], $0x4000  }
0x27: {  	s15 =	smov.u32 s17;
	[sflag:s10] =	ssyncset.done $0x0  }
0x28: {  	s14 =	sadd.s32 s14, s8;
	[sflag:s10] =	ssyncadd.s32 $0xFFFFC000  }
0x29: {  	[tilespmem:s3], [sflag:$0x1] =	stream.linear.gather [hbm4b:s14+s3], $0x80, $0x38;
	[tilespmem:$0x18080] =	vst v63  }
0x2a: {  	_ =	swait.ge [sflag:s10], $0x80  }
0x2b: {  	[sflag:s10] =	ssyncset.done $0x0  }
0x2c: {  	[sflag:s10] =	ssyncadd.s32 $0xFFFFFF80  }
0x2d: {  	[spmem:s2] =	stream.indirect.scatter.add.f32 [tilespmem:s9], [sflag:$0x1], $0x80, s3, s9, $0xb8;
	[tilespmem:$0x18080] =	vst v63  }
0x2e: {  	_ =	swait.ge [sflag:s10], $0x4000  }
0x2f: {  	s13 =	sadd.s32 $0x1, s13;
	[sflag:s10] =	ssyncset.done $0x0  }
0x30: {  	p0 =	sne.s32 s13, s7;
	[sflag:s10] =	ssyncadd.s32 $0xFFFFC000  }
.Ltmp1:
0x31: {  	[bflag:$0x0] =	sbarrier.arrive $0xFFFF;
	(pc) =	sbr.rel @p0 .LBB2_1-.Ltmp1, $4  }
0x32: {  	[hbm:s6], [sflag:s11] =	dma.local [spmem:s12], $0x2800  }
0x33: {  	_ =	swait.ge [sflag:s10], $0x2800  }
0x34: {  	[sflag:s10] =	ssyncset.done $0x0  }
0x35: {  	[sflag:s10] =	ssyncadd.s32 $0xFFFFD800  }
0x36: {  	_ =	sfence.sel $0x180000  }
0x37: {  	[bflag:$0x0] =	sbarrier.arrive $0xFFFF  }
0x38: {  	p0 =	sne.s32 s0, $0x0;
	_ =	strace $0x90000047  }
0x39: {  	s0 =	sadd.s32 @!p0 $0x100000, s1;
	[bflag:$0x2] =	sbarrier.arrive $0xFFFF  }
0x3a: {  	[sflag:s0] =	ssyncadd.tile.s32 @!p0 $0x1;
	_ =	shalt  }
.Lfunc_end2:
_tile_overlayer_lowered:
.L_overlay_start_2:
0x3b: {  	(tag) =	ssettag $0x2  }
0x3c: {  	s0 =	rddreg [dreg:$0x0];
	s2 =	stileid.u32  }
0x3d: {  	s1 =	rddreg [dreg:$0x1];
	p0 =	sne.s32 s2, $0x0  }
0x3e: {  	s3 =	rddreg [dreg:$0x2];
	[bflag:$0x3] =	sbarrier.arrive $0xFFFF;
	s2 =	simm.s32 @!p0 $0x1C01  }
0x3f: {  	[timem:s3], [sflag:s2] =	dma.local @!p0 [hbm:s0], s1  }
0x40: {  	s0 =	simm.s32 @!p0 $0x1  }
0x41: {  	_ =	swait.ge @!p0 [sflag:s0], s1  }
0x42: {  	s1 =	ssub.s32 @!p0 $0x0, s1;
	[sflag:s0] =	ssyncset.done @!p0 $0x0  }
0x43: {  	[sflag:s0] =	ssyncadd.s32 @!p0 s1  }
0x44: {  	[bflag:$0x3] =	sbarrier.arrive $0xFFFF  }
0x45: {  	_ =	shalt  }

</sc_bundles>
